<compile_context>
chip_gen: v7x
topology: tpu7x:2x2x1
jax: 0.10.2.dev20260603
libtpu: 0.0.44.dev20260713+nightly
codegen_flags: <defaults>
</compile_context>

<pallas_src>
import functools

import jax
import jax.numpy as jnp
from jax import lax
from jax.experimental import pallas as pl
from jax.experimental.pallas import tpu as pltpu
from jax.experimental.pallas import tpu_sc as plsc

N = 10000
E = 320000
H = 128
R = 64
L = 3
C = 10
B = 32
ZMAX = 100
CUT = 10.0

NC = 2
NS = 16
NW = NC * NS
K = 80
EW = E // NW
CH = EW // K
ZROWS = 200

_LOG2 = 0.6931471805599453


def _ssp(x):
    return jnp.maximum(x, 0.0) + jnp.log(1.0 + jnp.exp(-jnp.abs(x))) - _LOG2


def _dotb(a, b):
    return jnp.dot(a.astype(jnp.bfloat16), b.astype(jnp.bfloat16),
                   preferred_element_type=jnp.float32)


def _mesh():
    return plsc.VectorSubcoreMesh(
        core_axis_name="c", subcore_axis_name="s", num_cores=NC, num_subcores=NS
    )



_NG = EW // 16


def _posdiff_body(pos_hbm, src_hbm, dst_hbm, out_hbm, posv, idxs, idxd, d2v):
    c = lax.axis_index("c")
    s = lax.axis_index("s")
    wid = s * NC + c
    pltpu.sync_copy(pos_hbm, posv)
    pltpu.sync_copy(src_hbm.at[wid], idxs)
    pltpu.sync_copy(dst_hbm.at[wid], idxd)

    def it(i, carry):
        sl = pl.ds(i * 16, 16)
        si = idxs[sl] * 4
        di = idxd[sl] * 4
        acc = jnp.zeros((16,), jnp.float32)
        for comp in range(3):
            a = plsc.load_gather(posv, [si + comp])
            b = plsc.load_gather(posv, [di + comp])
            df = a - b
            acc = acc + df * df
        d2v[sl] = acc
        return carry

    lax.fori_loop(0, _NG, it, 0)
    pltpu.sync_copy(d2v, out_hbm.at[wid])


def _posdiff(pos4, srcw, dstw):
    return pl.kernel(
        _posdiff_body,
        out_type=jax.ShapeDtypeStruct((NW, EW), jnp.float32),
        mesh=_mesh(),
        scratch_types=[
            pltpu.VMEM((N * 4,), jnp.float32),
            pltpu.VMEM((EW,), jnp.int32),
            pltpu.VMEM((EW,), jnp.int32),
            pltpu.VMEM((EW,), jnp.float32),
        ],
        compiler_params=pltpu.CompilerParams(needs_layout_passes=False),
        name="sc_posdiff",
    )(pos4, srcw, dstw)


def _mp_body(h_hbm, w_hbm, src_hbm, dst_hbm, zero_hbm, out_hbm, idxs, idxd, hr, wr, aggS, sem):
    c = lax.axis_index("c")
    s = lax.axis_index("s")
    wid = s * NC + c
    pltpu.sync_copy(src_hbm.at[wid], idxs)
    pltpu.sync_copy(dst_hbm.at[wid], idxd)

    @pl.when(s < 10)
    def _zero():
        pltpu.sync_copy(zero_hbm.at[pl.ds(s * 1000, 1000)], aggS.at[pl.ds(s * 1000, 1000)])

    plsc.subcore_barrier()

    def chunk(j, carry):
        g = pltpu.async_copy(h_hbm.at[idxs.at[pl.ds(j * K, K)]], hr, sem)
        pltpu.sync_copy(w_hbm.at[pl.ds(wid * EW + j * K, K)], wr)
        g.wait()

        def row(k, carry2):
            def sub(m, carry3):
                sl = pl.ds(m * 16, 16)
                hr[k, sl] = hr[k, sl] * wr[k, sl]
                return carry3

            lax.fori_loop(0, H // 16, sub, 0)
            return carry2

        lax.fori_loop(0, K, row, 0)
        pltpu.sync_copy(hr, aggS.at[idxd.at[j]], add=True)
        return carry

    lax.fori_loop(0, CH, chunk, 0)
    plsc.subcore_barrier()

    @pl.when(s < 10)
    def _writeout():
        pltpu.sync_copy(aggS.at[pl.ds(s * 1000, 1000)], out_hbm.at[c, pl.ds(s * 1000, 1000)])


def _mp(h, w, srcw, dst3, zero):
    return pl.kernel(
        _mp_body,
        out_type=jax.ShapeDtypeStruct((NC, N, H), jnp.float32),
        mesh=_mesh(),
        scratch_types=[
            pltpu.VMEM((EW,), jnp.int32),
            pltpu.VMEM((CH, K), jnp.int32),
            pltpu.VMEM((K, H), jnp.float32),
            pltpu.VMEM((K, H), jnp.float32),
            pltpu.VMEM_SHARED((N, H), jnp.float32),
            pltpu.SemaphoreType.DMA,
        ],
        name="sc_mp",
        compiler_params=pltpu.CompilerParams(needs_layout_passes=False),
    )(h, w, srcw, dst3, zero)



_TE = 2000


def _filters_body(nl, d2_ref, wf1_ref, bf1_ref, wf2_ref, bf2_ref, *out_refs):
    d2row = d2_ref[0]
    drow = jnp.sqrt(d2row + 1e-12)
    ccrow = 0.5 * (jnp.cos(jnp.pi * jnp.clip(drow, 0.0, CUT) / CUT) + 1.0)
    ones_r = jnp.ones((1, R), jnp.float32)
    ones_h = jnp.ones((1, H), jnp.float32)
    dn = (((0,), (0,)), ((), ()))
    dmat = lax.dot_general(drow, ones_r, dn, precision=lax.Precision.HIGHEST,
                           preferred_element_type=jnp.float32)
    ccmat = lax.dot_general(ccrow, ones_h, dn, precision=lax.Precision.HIGHEST,
                            preferred_element_type=jnp.float32)
    offs = lax.broadcasted_iota(jnp.int32, (1, R), 1).astype(jnp.float32) * (CUT / (R - 1))
    gamma = 10.0 / CUT
    rbf = jnp.exp(-gamma * (dmat - offs) ** 2)
    for l in range(nl):
        a = _dotb(rbf, wf1_ref[l]) + bf1_ref[l]
        a = _ssp(a)
        wl = _dotb(a, wf2_ref[l]) + bf2_ref[l]
        out_refs[l][...] = wl * ccmat


def _filters(d23, wf1s, bf1s, wf2s, bf2s, name):
    nl = wf1s.shape[0]
    nblk = E // _TE
    shp = jax.ShapeDtypeStruct((E, H), jnp.float32)
    return pl.pallas_call(
        functools.partial(_filters_body, nl),
        grid=(nblk,),
        in_specs=[
            pl.BlockSpec((1, 1, _TE), lambda i: (i, 0, 0)),
            pl.BlockSpec((nl, R, H), lambda i: (0, 0, 0)),
            pl.BlockSpec((nl, 1, H), lambda i: (0, 0, 0)),
            pl.BlockSpec((nl, H, H), lambda i: (0, 0, 0)),
            pl.BlockSpec((nl, 1, H), lambda i: (0, 0, 0)),
        ],
        out_specs=[pl.BlockSpec((_TE, H), lambda i: (i, 0))] * nl,
        out_shape=[shp] * nl,
        name=name,
    )(d23, wf1s, bf1s, wf2s, bf2s)


_TN = 1000


def _x0_body(z_ref, emb_ref, wl1_ref, bl1_ref, x_ref, h_ref):
    z = z_ref[0]
    kidx = lax.broadcasted_iota(jnp.int32, (ZMAX, 1), 0)
    oht = (z == kidx).astype(jnp.float32)
    x0 = lax.dot_general(oht, emb_ref[...], (((0,), (0,)), ((), ())),
                         preferred_element_type=jnp.float32,
                         precision=lax.Precision.HIGHEST)
    x_ref[...] = x0
    h_ref[...] = _dotb(x0, wl1_ref[...]) + bl1_ref[...]


def _x0(z3, emb, wl1, bl1):
    nblk = N // _TN
    shp = jax.ShapeDtypeStruct((N, H), jnp.float32)
    return pl.pallas_call(
        _x0_body,
        grid=(nblk,),
        in_specs=[
            pl.BlockSpec((1, 1, _TN), lambda i: (i, 0, 0)),
            pl.BlockSpec((ZMAX, H), lambda i: (0, 0)),
            pl.BlockSpec((H, H), lambda i: (0, 0)),
            pl.BlockSpec((1, H), lambda i: (0, 0)),
        ],
        out_specs=[pl.BlockSpec((_TN, H), lambda i: (i, 0))] * 2,
        out_shape=[shp, shp],
        name="tc_x0",
    )(z3, emb, wl1, bl1)


def _update_body(x_ref, a0_ref, a1_ref, wl2_ref, bl2_ref, wl1_ref, bl1_ref, xn_ref, hn_ref):
    sagg = _ssp(a0_ref[0] + a1_ref[0])
    xn = x_ref[...] + _dotb(sagg, wl2_ref[...]) + bl2_ref[...]
    xn_ref[...] = xn
    hn_ref[...] = _dotb(xn, wl1_ref[...]) + bl1_ref[...]


def _update(x, agg2, wl2, bl2, wl1n, bl1n):
    nblk = N // _TN
    shp = jax.ShapeDtypeStruct((N, H), jnp.float32)
    return pl.pallas_call(
        _update_body,
        grid=(nblk,),
        in_specs=[
            pl.BlockSpec((_TN, H), lambda i: (i, 0)),
            pl.BlockSpec((1, _TN, H), lambda i: (0, i, 0)),
            pl.BlockSpec((1, _TN, H), lambda i: (1, i, 0)),
            pl.BlockSpec((H, H), lambda i: (0, 0)),
            pl.BlockSpec((1, H), lambda i: (0, 0)),
            pl.BlockSpec((H, H), lambda i: (0, 0)),
            pl.BlockSpec((1, H), lambda i: (0, 0)),
        ],
        out_specs=[pl.BlockSpec((_TN, H), lambda i: (i, 0))] * 2,
        out_shape=[shp, shp],
        name="tc_update",
    )(x, agg2, agg2, wl2, bl2, wl1n, bl1n)


def _readout_body(x_ref, a0_ref, a1_ref, wl2_ref, bl2_ref, wo1_ref, bo1_ref,
                  wo2_ref, bo2_ref, batch_ref, g_ref):
    i = pl.program_id(0)

    @pl.when(i == 0)
    def _init():
        g_ref[...] = jnp.zeros_like(g_ref)

    sagg = _ssp(a0_ref[0] + a1_ref[0])
    xf = x_ref[...] + _dotb(sagg, wl2_ref[...]) + bl2_ref[...]
    hm = _ssp(_dotb(xf, wo1_ref[...]) + bo1_ref[...])
    no = _dotb(hm, wo2_ref[...]) + bo2_ref[...]
    b = batch_ref[0]
    kidx = lax.broadcasted_iota(jnp.int32, (B, 1), 0)
    oht = (b == kidx).astype(jnp.float32)
    g_ref[...] += jnp.dot(oht, no, preferred_element_type=jnp.float32,
                          precision=lax.Precision.HIGHEST)


def _readout(x, agg2, wl2, bl2, wo1, bo1, wo2p, bo2p, batch3):
    nblk = N // _TN
    return pl.pallas_call(
        _readout_body,
        grid=(nblk,),
        in_specs=[
            pl.BlockSpec((_TN, H), lambda i: (i, 0)),
            pl.BlockSpec((1, _TN, H), lambda i: (0, i, 0)),
            pl.BlockSpec((1, _TN, H), lambda i: (1, i, 0)),
            pl.BlockSpec((H, H), lambda i: (0, 0)),
            pl.BlockSpec((1, H), lambda i: (0, 0)),
            pl.BlockSpec((H, H // 2), lambda i: (0, 0)),
            pl.BlockSpec((1, H // 2), lambda i: (0, 0)),
            pl.BlockSpec((H // 2, H), lambda i: (0, 0)),
            pl.BlockSpec((1, H), lambda i: (0, 0)),
            pl.BlockSpec((1, 1, _TN), lambda i: (i, 0, 0)),
        ],
        out_specs=pl.BlockSpec((B, H), lambda i: (0, 0)),
        out_shape=jax.ShapeDtypeStruct((B, H), jnp.float32),
        name="tc_readout",
    )(x, agg2, agg2, wl2, bl2, wo1, bo1, wo2p, bo2p, batch3)


def _heads_body(g_ref, wc_ref, bc_ref, wr_ref, br_ref, cp_ref, rp_ref):
    g = g_ref[...]
    logits = _dotb(g, wc_ref[...]) + bc_ref[...]
    lane = lax.broadcasted_iota(jnp.int32, (1, H), 1)
    lm = jnp.where(lane < C, logits, -1e30)
    m = jnp.max(lm, axis=1, keepdims=True)
    p = jnp.exp(lm - m)
    p = jnp.where(lane < C, p, 0.0)
    cp_ref[...] = p / jnp.sum(p, axis=1, keepdims=True)
    rp_ref[...] = _dotb(g, wr_ref[...]) + br_ref[...]


def _heads(g, wcp, bcp, wrp, brp):
    shp = jax.ShapeDtypeStruct((B, H), jnp.float32)
    return pl.pallas_call(
        _heads_body,
        grid=(1,),
        in_specs=[pl.BlockSpec((B, H), lambda i: (0, 0)),
                  pl.BlockSpec((H, H), lambda i: (0, 0)),
                  pl.BlockSpec((1, H), lambda i: (0, 0)),
                  pl.BlockSpec((H, H), lambda i: (0, 0)),
                  pl.BlockSpec((1, H), lambda i: (0, 0))],
        out_specs=[pl.BlockSpec((B, H), lambda i: (0, 0))] * 2,
        out_shape=[shp, shp],
        name="tc_heads",
    )(g, wcp, bcp, wrp, brp)



def kernel(z, pos, edge_index, batch, emb, params):
    src = edge_index[0].astype(jnp.int32)
    dst = edge_index[1].astype(jnp.int32)
    srcw = src.reshape(NW, EW)
    dstw = dst.reshape(NW, EW)
    dst3 = dst.reshape(NW, CH, K)
    zero = jnp.zeros((N, H), jnp.float32)
    pos4 = jnp.zeros((N, 4), jnp.float32).at[:, :3].set(pos).reshape(-1)
    z3 = z.astype(jnp.int32).reshape(N // _TN, 1, _TN)
    batch3 = batch.astype(jnp.int32).reshape(N // _TN, 1, _TN)

    wf1s = jnp.stack([params[f"Wf1_{l}"] for l in range(L)])
    bf1s = jnp.stack([params[f"bf1_{l}"].reshape(1, H) for l in range(L)])
    wf2s = jnp.stack([params[f"Wf2_{l}"] for l in range(L)])
    bf2s = jnp.stack([params[f"bf2_{l}"].reshape(1, H) for l in range(L)])

    wo2p = jnp.zeros((H // 2, H), jnp.float32).at[:, : C + 1].set(params["Wo2"])
    bo2p = jnp.zeros((1, H), jnp.float32).at[0, : C + 1].set(params["bo2"])
    wcp = jnp.zeros((H, H), jnp.float32).at[: C + 1, :C].set(params["Wc"])
    bcp = jnp.zeros((1, H), jnp.float32).at[0, :C].set(params["bc"])
    wrp = jnp.zeros((H, H), jnp.float32).at[: C + 1, :1].set(params["Wr"])
    brp = jnp.zeros((1, H), jnp.float32).at[0, :1].set(params["br"])

    d23 = _posdiff(pos4, srcw, dstw).reshape(E // _TE, 1, _TE)
    (w0,) = _filters(d23, wf1s[:1], bf1s[:1], wf2s[:1], bf2s[:1], "tc_filters0")
    x, h = _x0(z3, emb, params["Wl1_0"], params["bl1_0"].reshape(1, H))
    w12 = _filters(d23, wf1s[1:], bf1s[1:], wf2s[1:], bf2s[1:], "tc_filters12")
    ws = (w0,) + tuple(w12)
    for l in range(L):
        agg2 = _mp(h, ws[l], srcw, dst3, zero)
        if l < L - 1:
            x, h = _update(
                x, agg2,
                params[f"Wl2_{l}"], params[f"bl2_{l}"].reshape(1, H),
                params[f"Wl1_{l + 1}"], params[f"bl1_{l + 1}"].reshape(1, H),
            )
        else:
            g = _readout(
                x, agg2,
                params[f"Wl2_{l}"], params[f"bl2_{l}"].reshape(1, H),
                params["Wo1"], params["bo1"].reshape(1, H // 2),
                wo2p, bo2p, batch3,
            )
    cp, rp = _heads(g, wcp, bcp, wrp, brp)
    return cp[:, :C], rp[:, :1]

# --- scband reference (transcript-rebuilt; emitter-appended) ---
"""Pipeline reference for scband-sch-net-multihead-34754875359501 (READ-ONLY COPY).

The authoritative reference and input builder live on the scoring server;
editing this copy changes nothing except your own understanding.
"""

import jax, jax.numpy as jnp
import numpy as np

N = 10000
E = 320000
H = 128
R = 64
L = 3
C = 10
B = 32
ZMAX = 100
CUT = 10.0


def ssp(x):
    # shifted softplus used by SchNet
    return jax.nn.softplus(x) - jnp.log(2.0)


def setup_inputs(seed: int = 0) -> dict:
    key = jax.random.key(seed)
    ks = jax.random.split(key, 64)
    z = jax.random.randint(ks[0], (N,), 0, ZMAX)
    pos = jax.random.normal(ks[1], (N, 3), dtype=jnp.float32) * 3.0
    edge_index = jax.random.randint(ks[2], (2, E), 0, N)
    batch = jnp.sort(jax.random.randint(ks[3], (N,), 0, B))
    emb = jax.random.normal(ks[4], (ZMAX, H), dtype=jnp.float32) * 0.1
    params = {}
    i = 5
    for l in range(L):
        params[f"Wf1_{l}"] = jax.random.normal(ks[i], (R, H), dtype=jnp.float32) / np.sqrt(R); i += 1
        params[f"bf1_{l}"] = jnp.zeros((H,), dtype=jnp.float32)
        params[f"Wf2_{l}"] = jax.random.normal(ks[i], (H, H), dtype=jnp.float32) / np.sqrt(H); i += 1
        params[f"bf2_{l}"] = jnp.zeros((H,), dtype=jnp.float32)
        params[f"Wl1_{l}"] = jax.random.normal(ks[i], (H, H), dtype=jnp.float32) / np.sqrt(H); i += 1
        params[f"bl1_{l}"] = jnp.zeros((H,), dtype=jnp.float32)
        params[f"Wl2_{l}"] = jax.random.normal(ks[i], (H, H), dtype=jnp.float32) / np.sqrt(H); i += 1
        params[f"bl2_{l}"] = jnp.zeros((H,), dtype=jnp.float32)
    params["Wo1"] = jax.random.normal(ks[i], (H, H // 2), dtype=jnp.float32) / np.sqrt(H); i += 1
    params["bo1"] = jnp.zeros((H // 2,), dtype=jnp.float32)
    params["Wo2"] = jax.random.normal(ks[i], (H // 2, C + 1), dtype=jnp.float32) / np.sqrt(H // 2); i += 1
    params["bo2"] = jnp.zeros((C + 1,), dtype=jnp.float32)
    params["Wc"] = jax.random.normal(ks[i], (C + 1, C), dtype=jnp.float32) / np.sqrt(C + 1); i += 1
    params["bc"] = jnp.zeros((C,), dtype=jnp.float32)
    params["Wr"] = jax.random.normal(ks[i], (C + 1, 1), dtype=jnp.float32) / np.sqrt(C + 1); i += 1
    params["br"] = jnp.zeros((1,), dtype=jnp.float32)
    return {"z": z, "pos": pos, "edge_index": edge_index, "batch": batch, "emb": emb, "params": params}


def schnet(pos, emb, params, z, edge_index, batch):
    x = emb[z]  # atom embedding gather [N, H]
    src = edge_index[0]
    dst = edge_index[1]
    diff = pos[src] - pos[dst]
    d = jnp.sqrt(jnp.sum(diff * diff, axis=1) + 1e-12)  # [E]
    offsets = jnp.linspace(0.0, CUT, R)
    gamma = 10.0 / CUT
    rbf = jnp.exp(-gamma * (d[:, None] - offsets[None, :]) ** 2)  # [E, R]
    cc = 0.5 * (jnp.cos(jnp.pi * jnp.clip(d, 0.0, CUT) / CUT) + 1.0)  # cosine cutoff [E]
    for l in range(L):
        # continuous-filter weights from radial basis
        W = ssp(rbf @ params[f"Wf1_{l}"] + params[f"bf1_{l}"]) @ params[f"Wf2_{l}"] + params[f"bf2_{l}"]
        W = W * cc[:, None]
        h = x @ params[f"Wl1_{l}"] + params[f"bl1_{l}"]
        m = h[src] * W  # gather + elementwise filter [E, H]
        agg = jax.ops.segment_sum(m, dst, num_segments=N)  # scatter-add
        x = x + ssp(agg) @ params[f"Wl2_{l}"] + params[f"bl2_{l}"]
    h = ssp(x @ params["Wo1"] + params["bo1"])
    node_out = h @ params["Wo2"] + params["bo2"]  # [N, C+1]
    graph_out = jax.ops.segment_sum(node_out, batch, num_segments=B)  # readout [B, C+1]
    return graph_out


def reference(z, pos, edge_index, batch, emb, params):
    g = schnet(pos, emb, params, z, edge_index, batch)
    reg_pred = g @ params["Wr"] + params["br"]
    logits = g @ params["Wc"] + params["bc"]
    class_pred = jax.nn.softmax(logits, axis=1)
    return (class_pred, reg_pred)

if __name__ == "__main__":
    import jax
    _d = setup_inputs()
    print(jax.jit(kernel)(*tuple(_d.values())))

</pallas_src>

<mosaic_0001>
#map = affine_map<(d0, d1) -> (0)>
#map1 = affine_map<(d0, d1) -> (0, 0)>
module attributes {stable_mosaic.version = 14 : i64} {
  func.func @sc_posdiff(%arg0: i32, %arg1: i32, %arg2: memref<40000xf32, #tpu.memory_space<hbm>>, %arg3: memref<32x10000xi32, #tpu.memory_space<hbm>>, %arg4: memref<32x10000xi32, #tpu.memory_space<hbm>>, %arg5: memref<32x10000xf32, #tpu.memory_space<hbm>>, %arg6: memref<40000xf32, #tpu.memory_space<vmem>>, %arg7: memref<10000xi32, #tpu.memory_space<vmem>>, %arg8: memref<10000xi32, #tpu.memory_space<vmem>>, %arg9: memref<10000xf32, #tpu.memory_space<vmem>>) attributes {dimension_semantics = [#tpu.dimension_semantics<core_parallel>, #tpu.dimension_semantics<subcore_parallel>], iteration_bounds = array<i64: 2, 16>, scalar_prefetch = 0 : i64, scratch_operands = 4 : i64, tpu.core_type = #tpu.core_type<sc_vector_subcore>, window_params = [{transform_indices = #map}, {transform_indices = #map1}, {transform_indices = #map1}, {transform_indices = #map1}]} {
    %mul3A = arith.constant 2 : i32
    %mul3A_0 = arith.muli %arg1, %mul3A : i32
    %add3A = arith.addi %mul3A_0, %arg0 : i32
    "tpu.region"() ({
      %run_scoped3A = tpu.sem_alloc : memref<!tpu.dma_semaphore, #tpu.memory_space<semaphore_mem>>
      tpu.enqueue_dma source(%arg2 : memref<40000xf32, #tpu.memory_space<hbm>>) target(%arg6 : memref<40000xf32, #tpu.memory_space<vmem>>) target_semaphore(%run_scoped3A : memref<!tpu.dma_semaphore, #tpu.memory_space<semaphore_mem>>)
      tpu.wait_dma2 semaphore(%run_scoped3A : memref<!tpu.dma_semaphore, #tpu.memory_space<semaphore_mem>>) src(%arg2 : memref<40000xf32, #tpu.memory_space<hbm>>) dst(%arg6 : memref<40000xf32, #tpu.memory_space<vmem>>)
      tpu.yield
    }) : () -> ()
    "tpu.region"() ({
      %run_scoped3A = tpu.sem_alloc : memref<!tpu.dma_semaphore, #tpu.memory_space<semaphore_mem>>
      %dma_start3A = arith.constant 0 : i32
      %dma_start3A_6 = tpu.memref_slice %arg3[%add3A, %dma_start3A] : memref<32x10000xi32, #tpu.memory_space<hbm>> -> memref<1x10000xi32, #tpu.memory_space<hbm>>
      %dma_start3A_7 = tpu.memref_squeeze %dma_start3A_6 : memref<1x10000xi32, #tpu.memory_space<hbm>> -> memref<10000xi32, #tpu.memory_space<hbm>>
      %dma_start3A_8 = arith.constant 0 : i32
      %dma_start3A_9 = tpu.memref_slice %arg3[%add3A, %dma_start3A_8] : memref<32x10000xi32, #tpu.memory_space<hbm>> -> memref<1x10000xi32, #tpu.memory_space<hbm>>
      %dma_start3A_10 = tpu.memref_squeeze %dma_start3A_9 : memref<1x10000xi32, #tpu.memory_space<hbm>> -> memref<10000xi32, #tpu.memory_space<hbm>>
      tpu.enqueue_dma source(%dma_start3A_10 : memref<10000xi32, #tpu.memory_space<hbm>>) target(%arg7 : memref<10000xi32, #tpu.memory_space<vmem>>) target_semaphore(%run_scoped3A : memref<!tpu.dma_semaphore, #tpu.memory_space<semaphore_mem>>)
      %dma_wait3A = arith.constant 0 : i32
      %dma_wait3A_11 = tpu.memref_slice %arg3[%add3A, %dma_wait3A] : memref<32x10000xi32, #tpu.memory_space<hbm>> -> memref<1x10000xi32, #tpu.memory_space<hbm>>
      %dma_wait3A_12 = tpu.memref_squeeze %dma_wait3A_11 : memref<1x10000xi32, #tpu.memory_space<hbm>> -> memref<10000xi32, #tpu.memory_space<hbm>>
      %dma_wait3A_13 = arith.constant 0 : i32
      %dma_wait3A_14 = tpu.memref_slice %arg3[%add3A, %dma_wait3A_13] : memref<32x10000xi32, #tpu.memory_space<hbm>> -> memref<1x10000xi32, #tpu.memory_space<hbm>>
      %dma_wait3A_15 = tpu.memref_squeeze %dma_wait3A_14 : memref<1x10000xi32, #tpu.memory_space<hbm>> -> memref<10000xi32, #tpu.memory_space<hbm>>
      tpu.wait_dma2 semaphore(%run_scoped3A : memref<!tpu.dma_semaphore, #tpu.memory_space<semaphore_mem>>) src(%dma_wait3A_15 : memref<10000xi32, #tpu.memory_space<hbm>>) dst(%arg7 : memref<10000xi32, #tpu.memory_space<vmem>>)
      tpu.yield
    }) : () -> ()
    "tpu.region"() ({
      %run_scoped3A = tpu.sem_alloc : memref<!tpu.dma_semaphore, #tpu.memory_space<semaphore_mem>>
      %dma_start3A = arith.constant 0 : i32
      %dma_start3A_6 = tpu.memref_slice %arg4[%add3A, %dma_start3A] : memref<32x10000xi32, #tpu.memory_space<hbm>> -> memref<1x10000xi32, #tpu.memory_space<hbm>>
      %dma_start3A_7 = tpu.memref_squeeze %dma_start3A_6 : memref<1x10000xi32, #tpu.memory_space<hbm>> -> memref<10000xi32, #tpu.memory_space<hbm>>
      %dma_start3A_8 = arith.constant 0 : i32
      %dma_start3A_9 = tpu.memref_slice %arg4[%add3A, %dma_start3A_8] : memref<32x10000xi32, #tpu.memory_space<hbm>> -> memref<1x10000xi32, #tpu.memory_space<hbm>>
      %dma_start3A_10 = tpu.memref_squeeze %dma_start3A_9 : memref<1x10000xi32, #tpu.memory_space<hbm>> -> memref<10000xi32, #tpu.memory_space<hbm>>
      tpu.enqueue_dma source(%dma_start3A_10 : memref<10000xi32, #tpu.memory_space<hbm>>) target(%arg8 : memref<10000xi32, #tpu.memory_space<vmem>>) target_semaphore(%run_scoped3A : memref<!tpu.dma_semaphore, #tpu.memory_space<semaphore_mem>>)
      %dma_wait3A = arith.constant 0 : i32
      %dma_wait3A_11 = tpu.memref_slice %arg4[%add3A, %dma_wait3A] : memref<32x10000xi32, #tpu.memory_space<hbm>> -> memref<1x10000xi32, #tpu.memory_space<hbm>>
      %dma_wait3A_12 = tpu.memref_squeeze %dma_wait3A_11 : memref<1x10000xi32, #tpu.memory_space<hbm>> -> memref<10000xi32, #tpu.memory_space<hbm>>
      %dma_wait3A_13 = arith.constant 0 : i32
      %dma_wait3A_14 = tpu.memref_slice %arg4[%add3A, %dma_wait3A_13] : memref<32x10000xi32, #tpu.memory_space<hbm>> -> memref<1x10000xi32, #tpu.memory_space<hbm>>
      %dma_wait3A_15 = tpu.memref_squeeze %dma_wait3A_14 : memref<1x10000xi32, #tpu.memory_space<hbm>> -> memref<10000xi32, #tpu.memory_space<hbm>>
      tpu.wait_dma2 semaphore(%run_scoped3A : memref<!tpu.dma_semaphore, #tpu.memory_space<semaphore_mem>>) src(%dma_wait3A_15 : memref<10000xi32, #tpu.memory_space<hbm>>) dst(%arg8 : memref<10000xi32, #tpu.memory_space<vmem>>)
      tpu.yield
    }) : () -> ()
    %scan3A = arith.constant 0 : i32
    %scan3A_1 = arith.constant 0 : i32
    %scan3A_2 = arith.constant 625 : i32
    %scan3A_3 = arith.addi %scan3A_1, %scan3A_2 : i32
    %scan3A_4 = arith.constant 1 : i32
    scf.for %scan3A_6 = %scan3A_1 to %scan3A_3 step %scan3A_4  : i32 {
      %mul3A_7 = arith.constant 16 : i32
      %mul3A_8 = arith.muli %scan3A_6, %mul3A_7 : i32
      %get3A = arith.index_cast %mul3A_8 : i32 to index
      %get3A_9 = tpu.vector_load %arg7[%get3A] {strides = array<i32>} : memref<10000xi32, #tpu.memory_space<vmem>>, vector<16xi32>,
      %mul3A_10 = arith.constant 4 : i32
      %mul3A_11 = vector.broadcast %mul3A_10 : i32 to vector<16xi32>
      %mul3A_12 = arith.muli %get3A_9, %mul3A_11 : vector<16xi32>
      %get3A_13 = arith.index_cast %mul3A_8 : i32 to index
      %get3A_14 = tpu.vector_load %arg8[%get3A_13] {strides = array<i32>} : memref<10000xi32, #tpu.memory_space<vmem>>, vector<16xi32>,
      %mul3A_15 = arith.constant 4 : i32
      %mul3A_16 = vector.broadcast %mul3A_15 : i32 to vector<16xi32>
      %mul3A_17 = arith.muli %get3A_14, %mul3A_16 : vector<16xi32>
      %broadcast_in_dim3A = arith.constant 0.000000e+00 : f32
      %broadcast_in_dim3A_18 = vector.broadcast %broadcast_in_dim3A : f32 to vector<16xf32>
      %add3A_19 = arith.constant 0 : i32
      %add3A_20 = vector.broadcast %add3A_19 : i32 to vector<16xi32>
      %add3A_21 = arith.addi %mul3A_12, %add3A_20 : vector<16xi32>
      %gather3A = tpu.vector_load_idx %arg6[%add3A_21] : memref<40000xf32, #tpu.memory_space<vmem>>[vector<16xi32>], vector<16xf32>,
      %add3A_22 = arith.constant 0 : i32
      %add3A_23 = vector.broadcast %add3A_22 : i32 to vector<16xi32>
      %add3A_24 = arith.addi %mul3A_17, %add3A_23 : vector<16xi32>
      %gather3A_25 = tpu.vector_load_idx %arg6[%add3A_24] : memref<40000xf32, #tpu.memory_space<vmem>>[vector<16xi32>], vector<16xf32>,
      %sub3A = arith.subf %gather3A, %gather3A_25 : vector<16xf32>
      %mul3A_26 = arith.mulf %sub3A, %sub3A : vector<16xf32>
      %add3A_27 = arith.addf %broadcast_in_dim3A_18, %mul3A_26 : vector<16xf32>
      %add3A_28 = arith.constant 1 : i32
      %add3A_29 = vector.broadcast %add3A_28 : i32 to vector<16xi32>
      %add3A_30 = arith.addi %mul3A_12, %add3A_29 : vector<16xi32>
      %gather3A_31 = tpu.vector_load_idx %arg6[%add3A_30] : memref<40000xf32, #tpu.memory_space<vmem>>[vector<16xi32>], vector<16xf32>,
      %add3A_32 = arith.constant 1 : i32
      %add3A_33 = vector.broadcast %add3A_32 : i32 to vector<16xi32>
      %add3A_34 = arith.addi %mul3A_17, %add3A_33 : vector<16xi32>
      %gather3A_35 = tpu.vector_load_idx %arg6[%add3A_34] : memref<40000xf32, #tpu.memory_space<vmem>>[vector<16xi32>], vector<16xf32>,
      %sub3A_36 = arith.subf %gather3A_31, %gather3A_35 : vector<16xf32>
      %mul3A_37 = arith.mulf %sub3A_36, %sub3A_36 : vector<16xf32>
      %add3A_38 = arith.addf %add3A_27, %mul3A_37 : vector<16xf32>
      %add3A_39 = arith.constant 2 : i32
      %add3A_40 = vector.broadcast %add3A_39 : i32 to vector<16xi32>
      %add3A_41 = arith.addi %mul3A_12, %add3A_40 : vector<16xi32>
      %gather3A_42 = tpu.vector_load_idx %arg6[%add3A_41] : memref<40000xf32, #tpu.memory_space<vmem>>[vector<16xi32>], vector<16xf32>,
      %add3A_43 = arith.constant 2 : i32
      %add3A_44 = vector.broadcast %add3A_43 : i32 to vector<16xi32>
      %add3A_45 = arith.addi %mul3A_17, %add3A_44 : vector<16xi32>
      %gather3A_46 = tpu.vector_load_idx %arg6[%add3A_45] : memref<40000xf32, #tpu.memory_space<vmem>>[vector<16xi32>], vector<16xf32>,
      %sub3A_47 = arith.subf %gather3A_42, %gather3A_46 : vector<16xf32>
      %mul3A_48 = arith.mulf %sub3A_47, %sub3A_47 : vector<16xf32>
      %add3A_49 = arith.addf %add3A_38, %mul3A_48 : vector<16xf32>
      %swap3A = arith.index_cast %mul3A_8 : i32 to index
      %swap3A_50 = tpu.vector_load %arg9[%swap3A] {strides = array<i32>} : memref<10000xf32, #tpu.memory_space<vmem>>, vector<16xf32>,
      tpu.vector_store %arg9[%swap3A], %add3A_49 {strides = array<i32>} : memref<10000xf32, #tpu.memory_space<vmem>>, vector<16xf32>,
    }
    %scan3A_5 = arith.constant 625 : i32
    "tpu.region"() ({
      %run_scoped3A = tpu.sem_alloc : memref<!tpu.dma_semaphore, #tpu.memory_space<semaphore_mem>>
      %dma_start3A = arith.constant 0 : i32
      %dma_start3A_6 = tpu.memref_slice %arg5[%add3A, %dma_start3A] : memref<32x10000xf32, #tpu.memory_space<hbm>> -> memref<1x10000xf32, #tpu.memory_space<hbm>>
      %dma_start3A_7 = tpu.memref_squeeze %dma_start3A_6 : memref<1x10000xf32, #tpu.memory_space<hbm>> -> memref<10000xf32, #tpu.memory_space<hbm>>
      %dma_start3A_8 = arith.constant 0 : i32
      %dma_start3A_9 = tpu.memref_slice %arg5[%add3A, %dma_start3A_8] : memref<32x10000xf32, #tpu.memory_space<hbm>> -> memref<1x10000xf32, #tpu.memory_space<hbm>>
      %dma_start3A_10 = tpu.memref_squeeze %dma_start3A_9 : memref<1x10000xf32, #tpu.memory_space<hbm>> -> memref<10000xf32, #tpu.memory_space<hbm>>
      tpu.enqueue_dma source(%arg9 : memref<10000xf32, #tpu.memory_space<vmem>>) target(%dma_start3A_10 : memref<10000xf32, #tpu.memory_space<hbm>>) target_semaphore(%run_scoped3A : memref<!tpu.dma_semaphore, #tpu.memory_space<semaphore_mem>>)
      %dma_wait3A = arith.constant 0 : i32
      %dma_wait3A_11 = tpu.memref_slice %arg5[%add3A, %dma_wait3A] : memref<32x10000xf32, #tpu.memory_space<hbm>> -> memref<1x10000xf32, #tpu.memory_space<hbm>>
      %dma_wait3A_12 = tpu.memref_squeeze %dma_wait3A_11 : memref<1x10000xf32, #tpu.memory_space<hbm>> -> memref<10000xf32, #tpu.memory_space<hbm>>
      %dma_wait3A_13 = arith.constant 0 : i32
      %dma_wait3A_14 = tpu.memref_slice %arg5[%add3A, %dma_wait3A_13] : memref<32x10000xf32, #tpu.memory_space<hbm>> -> memref<1x10000xf32, #tpu.memory_space<hbm>>
      %dma_wait3A_15 = tpu.memref_squeeze %dma_wait3A_14 : memref<1x10000xf32, #tpu.memory_space<hbm>> -> memref<10000xf32, #tpu.memory_space<hbm>>
      tpu.wait_dma2 semaphore(%run_scoped3A : memref<!tpu.dma_semaphore, #tpu.memory_space<semaphore_mem>>) src(%arg9 : memref<10000xf32, #tpu.memory_space<vmem>>) dst(%dma_wait3A_15 : memref<10000xf32, #tpu.memory_space<hbm>>)
      tpu.yield
    }) : () -> ()
    return
  }
}

#map = affine_map<(d0, d1) -> (0, 0)>
#map1 = affine_map<(d0, d1) -> (0, 0, 0)>
module attributes {stable_mosaic.version = 14 : i64} {
  func.func @sc_mp(%arg0: i32, %arg1: i32, %arg2: memref<10000x128xf32, #tpu.memory_space<hbm>>, %arg3: memref<320000x128xf32, #tpu.memory_space<hbm>>, %arg4: memref<32x10000xi32, #tpu.memory_space<hbm>>, %arg5: memref<32x125x80xi32, #tpu.memory_space<hbm>>, %arg6: memref<10000x128xf32, #tpu.memory_space<hbm>>, %arg7: memref<2x10000x128xf32, #tpu.memory_space<hbm>>, %arg8: memref<10000xi32, #tpu.memory_space<vmem>>, %arg9: memref<125x80xi32, #tpu.memory_space<vmem>>, %arg10: memref<80x128xf32, #tpu.memory_space<vmem>>, %arg11: memref<80x128xf32, #tpu.memory_space<vmem>>, %arg12: memref<10000x128xf32, #tpu.memory_space<vmem_shared>>, %arg13: memref<!tpu.dma_semaphore, #tpu.memory_space<semaphore_mem>>) attributes {dimension_semantics = [#tpu.dimension_semantics<core_parallel>, #tpu.dimension_semantics<subcore_parallel>], iteration_bounds = array<i64: 2, 16>, scalar_prefetch = 0 : i64, scratch_operands = 6 : i64, tpu.core_type = #tpu.core_type<sc_vector_subcore>, window_params = [{transform_indices = #map}, {transform_indices = #map}, {transform_indices = #map}, {transform_indices = #map1}, {transform_indices = #map}, {transform_indices = #map1}]} {
    %mul3A = arith.constant 2 : i32
    %mul3A_0 = arith.muli %arg1, %mul3A : i32
    %add3A = arith.addi %mul3A_0, %arg0 : i32
    "tpu.region"() ({
      %run_scoped3A = tpu.sem_alloc : memref<!tpu.dma_semaphore, #tpu.memory_space<semaphore_mem>>
      %dma_start3A = arith.constant 0 : i32
      %dma_start3A_14 = tpu.memref_slice %arg4[%add3A, %dma_start3A] : memref<32x10000xi32, #tpu.memory_space<hbm>> -> memref<1x10000xi32, #tpu.memory_space<hbm>>
      %dma_start3A_15 = tpu.memref_squeeze %dma_start3A_14 : memref<1x10000xi32, #tpu.memory_space<hbm>> -> memref<10000xi32, #tpu.memory_space<hbm>>
      %dma_start3A_16 = arith.constant 0 : i32
      %dma_start3A_17 = tpu.memref_slice %arg4[%add3A, %dma_start3A_16] : memref<32x10000xi32, #tpu.memory_space<hbm>> -> memref<1x10000xi32, #tpu.memory_space<hbm>>
      %dma_start3A_18 = tpu.memref_squeeze %dma_start3A_17 : memref<1x10000xi32, #tpu.memory_space<hbm>> -> memref<10000xi32, #tpu.memory_space<hbm>>
      tpu.enqueue_dma source(%dma_start3A_18 : memref<10000xi32, #tpu.memory_space<hbm>>) target(%arg8 : memref<10000xi32, #tpu.memory_space<vmem>>) target_semaphore(%run_scoped3A : memref<!tpu.dma_semaphore, #tpu.memory_space<semaphore_mem>>)
      %dma_wait3A = arith.constant 0 : i32
      %dma_wait3A_19 = tpu.memref_slice %arg4[%add3A, %dma_wait3A] : memref<32x10000xi32, #tpu.memory_space<hbm>> -> memref<1x10000xi32, #tpu.memory_space<hbm>>
      %dma_wait3A_20 = tpu.memref_squeeze %dma_wait3A_19 : memref<1x10000xi32, #tpu.memory_space<hbm>> -> memref<10000xi32, #tpu.memory_space<hbm>>
      %dma_wait3A_21 = arith.constant 0 : i32
      %dma_wait3A_22 = tpu.memref_slice %arg4[%add3A, %dma_wait3A_21] : memref<32x10000xi32, #tpu.memory_space<hbm>> -> memref<1x10000xi32, #tpu.memory_space<hbm>>
      %dma_wait3A_23 = tpu.memref_squeeze %dma_wait3A_22 : memref<1x10000xi32, #tpu.memory_space<hbm>> -> memref<10000xi32, #tpu.memory_space<hbm>>
      tpu.wait_dma2 semaphore(%run_scoped3A : memref<!tpu.dma_semaphore, #tpu.memory_space<semaphore_mem>>) src(%dma_wait3A_23 : memref<10000xi32, #tpu.memory_space<hbm>>) dst(%arg8 : memref<10000xi32, #tpu.memory_space<vmem>>)
      tpu.yield
    }) : () -> ()
    "tpu.region"() ({
      %run_scoped3A = tpu.sem_alloc : memref<!tpu.dma_semaphore, #tpu.memory_space<semaphore_mem>>
      %dma_start3A = arith.constant 0 : i32
      %dma_start3A_14 = arith.constant 0 : i32
      %dma_start3A_15 = tpu.memref_slice %arg5[%add3A, %dma_start3A, %dma_start3A_14] : memref<32x125x80xi32, #tpu.memory_space<hbm>> -> memref<1x125x80xi32, #tpu.memory_space<hbm>>
      %dma_start3A_16 = tpu.memref_squeeze %dma_start3A_15 : memref<1x125x80xi32, #tpu.memory_space<hbm>> -> memref<125x80xi32, #tpu.memory_space<hbm>>
      %dma_start3A_17 = arith.constant 0 : i32
      %dma_start3A_18 = arith.constant 0 : i32
      %dma_start3A_19 = tpu.memref_slice %arg5[%add3A, %dma_start3A_17, %dma_start3A_18] : memref<32x125x80xi32, #tpu.memory_space<hbm>> -> memref<1x125x80xi32, #tpu.memory_space<hbm>>
      %dma_start3A_20 = tpu.memref_squeeze %dma_start3A_19 : memref<1x125x80xi32, #tpu.memory_space<hbm>> -> memref<125x80xi32, #tpu.memory_space<hbm>>
      tpu.enqueue_dma source(%dma_start3A_20 : memref<125x80xi32, #tpu.memory_space<hbm>>) target(%arg9 : memref<125x80xi32, #tpu.memory_space<vmem>>) target_semaphore(%run_scoped3A : memref<!tpu.dma_semaphore, #tpu.memory_space<semaphore_mem>>)
      %dma_wait3A = arith.constant 0 : i32
      %dma_wait3A_21 = arith.constant 0 : i32
      %dma_wait3A_22 = tpu.memref_slice %arg5[%add3A, %dma_wait3A, %dma_wait3A_21] : memref<32x125x80xi32, #tpu.memory_space<hbm>> -> memref<1x125x80xi32, #tpu.memory_space<hbm>>
      %dma_wait3A_23 = tpu.memref_squeeze %dma_wait3A_22 : memref<1x125x80xi32, #tpu.memory_space<hbm>> -> memref<125x80xi32, #tpu.memory_space<hbm>>
      %dma_wait3A_24 = arith.constant 0 : i32
      %dma_wait3A_25 = arith.constant 0 : i32
      %dma_wait3A_26 = tpu.memref_slice %arg5[%add3A, %dma_wait3A_24, %dma_wait3A_25] : memref<32x125x80xi32, #tpu.memory_space<hbm>> -> memref<1x125x80xi32, #tpu.memory_space<hbm>>
      %dma_wait3A_27 = tpu.memref_squeeze %dma_wait3A_26 : memref<1x125x80xi32, #tpu.memory_space<hbm>> -> memref<125x80xi32, #tpu.memory_space<hbm>>
      tpu.wait_dma2 semaphore(%run_scoped3A : memref<!tpu.dma_semaphore, #tpu.memory_space<semaphore_mem>>) src(%dma_wait3A_27 : memref<125x80xi32, #tpu.memory_space<hbm>>) dst(%arg9 : memref<125x80xi32, #tpu.memory_space<vmem>>)
      tpu.yield
    }) : () -> ()
    %lt3A = arith.constant 10 : i32
    %lt3A_1 = arith.cmpi slt, %arg1, %lt3A : i32
    %convert_element_type3A = arith.extui %lt3A_1 : i1 to i32
    %cond3A = arith.constant 0 : i32
    %cond3A_2 = arith.cmpi ne, %convert_element_type3A, %cond3A : i32
    scf.if %cond3A_2 {
      %mul3A_14 = arith.constant 1000 : i32
      %mul3A_15 = arith.muli %arg1, %mul3A_14 : i32
      %mul3A_16 = arith.constant 1000 : i32
      %mul3A_17 = arith.muli %arg1, %mul3A_16 : i32
      "tpu.region"() ({
        %run_scoped3A = tpu.sem_alloc : memref<!tpu.dma_semaphore, #tpu.memory_space<semaphore_mem>>
        %dma_start3A = arith.constant 0 : i32
        %dma_start3A_18 = tpu.memref_slice %arg12[%mul3A_17, %dma_start3A] : memref<10000x128xf32, #tpu.memory_space<vmem_shared>> -> memref<1000x128xf32, #tpu.memory_space<vmem_shared>>
        %dma_start3A_19 = arith.constant 0 : i32
        %dma_start3A_20 = tpu.memref_slice %arg6[%mul3A_15, %dma_start3A_19] : memref<10000x128xf32, #tpu.memory_space<hbm>> -> memref<1000x128xf32, #tpu.memory_space<hbm>>
        tpu.enqueue_dma source(%dma_start3A_20 : memref<1000x128xf32, #tpu.memory_space<hbm>>) target(%dma_start3A_18 : memref<1000x128xf32, #tpu.memory_space<vmem_shared>>) target_semaphore(%run_scoped3A : memref<!tpu.dma_semaphore, #tpu.memory_space<semaphore_mem>>)
        %dma_wait3A = arith.constant 0 : i32
        %dma_wait3A_21 = tpu.memref_slice %arg12[%mul3A_17, %dma_wait3A] : memref<10000x128xf32, #tpu.memory_space<vmem_shared>> -> memref<1000x128xf32, #tpu.memory_space<vmem_shared>>
        %dma_wait3A_22 = arith.constant 0 : i32
        %dma_wait3A_23 = tpu.memref_slice %arg6[%mul3A_15, %dma_wait3A_22] : memref<10000x128xf32, #tpu.memory_space<hbm>> -> memref<1000x128xf32, #tpu.memory_space<hbm>>
        tpu.wait_dma2 semaphore(%run_scoped3A : memref<!tpu.dma_semaphore, #tpu.memory_space<semaphore_mem>>) src(%dma_wait3A_23 : memref<1000x128xf32, #tpu.memory_space<hbm>>) dst(%dma_wait3A_21 : memref<1000x128xf32, #tpu.memory_space<vmem_shared>>)
        tpu.yield
      }) : () -> ()
    } else {
    }
    %barrier3A = arith.constant 0 : index
    tpu.barrier barrier_id(%barrier3A)
    %scan3A = arith.constant 0 : i32
    %scan3A_3 = arith.constant 0 : i32
    %scan3A_4 = arith.constant 125 : i32
    %scan3A_5 = arith.addi %scan3A_3, %scan3A_4 : i32
    %scan3A_6 = arith.constant 1 : i32
    scf.for %scan3A_14 = %scan3A_3 to %scan3A_5 step %scan3A_6  : i32 {
      %mul3A_15 = arith.constant 80 : i32
      %mul3A_16 = arith.muli %scan3A_14, %mul3A_15 : i32
      %dma_start3A = tpu.memref_slice %arg8[%mul3A_16] : memref<10000xi32, #tpu.memory_space<vmem>> -> memref<80xi32, #tpu.memory_space<vmem>>
      %dma_start3A_17 = arith.constant 0 : i32
      %dma_start3A_18 = arith.constant 0 : i32
      %dma_start3A_19 = tpu.memref_slice %arg2[%dma_start3A_17, %dma_start3A_18] : memref<10000x128xf32, #tpu.memory_space<hbm>> -> memref<10000x128xf32, #tpu.memory_space<hbm>>
      tpu.enqueue_indirect_dma source(%dma_start3A_19 : memref<10000x128xf32, #tpu.memory_space<hbm>>) target(%arg10 : memref<80x128xf32, #tpu.memory_space<vmem>>) offsets(%dma_start3A : memref<80xi32, #tpu.memory_space<vmem>>) semaphore(%arg13 : memref<!tpu.dma_semaphore, #tpu.memory_space<semaphore_mem>>)
      %mul3A_20 = arith.constant 10000 : i32
      %mul3A_21 = arith.muli %add3A, %mul3A_20 : i32
      %mul3A_22 = arith.constant 80 : i32
      %mul3A_23 = arith.muli %scan3A_14, %mul3A_22 : i32
      %add3A_24 = arith.addi %mul3A_21, %mul3A_23 : i32
      "tpu.region"() ({
        %run_scoped3A = tpu.sem_alloc : memref<!tpu.dma_semaphore, #tpu.memory_space<semaphore_mem>>
        %dma_start3A_34 = arith.constant 0 : i32
        %dma_start3A_35 = tpu.memref_slice %arg3[%add3A_24, %dma_start3A_34] : memref<320000x128xf32, #tpu.memory_space<hbm>> -> memref<80x128xf32, #tpu.memory_space<hbm>>
        %dma_start3A_36 = arith.constant 0 : i32
        %dma_start3A_37 = tpu.memref_slice %arg3[%add3A_24, %dma_start3A_36] : memref<320000x128xf32, #tpu.memory_space<hbm>> -> memref<80x128xf32, #tpu.memory_space<hbm>>
        tpu.enqueue_dma source(%dma_start3A_37 : memref<80x128xf32, #tpu.memory_space<hbm>>) target(%arg11 : memref<80x128xf32, #tpu.memory_space<vmem>>) target_semaphore(%run_scoped3A : memref<!tpu.dma_semaphore, #tpu.memory_space<semaphore_mem>>)
        %dma_wait3A_38 = arith.constant 0 : i32
        %dma_wait3A_39 = tpu.memref_slice %arg3[%add3A_24, %dma_wait3A_38] : memref<320000x128xf32, #tpu.memory_space<hbm>> -> memref<80x128xf32, #tpu.memory_space<hbm>>
        %dma_wait3A_40 = arith.constant 0 : i32
        %dma_wait3A_41 = tpu.memref_slice %arg3[%add3A_24, %dma_wait3A_40] : memref<320000x128xf32, #tpu.memory_space<hbm>> -> memref<80x128xf32, #tpu.memory_space<hbm>>
        tpu.wait_dma2 semaphore(%run_scoped3A : memref<!tpu.dma_semaphore, #tpu.memory_space<semaphore_mem>>) src(%dma_wait3A_41 : memref<80x128xf32, #tpu.memory_space<hbm>>) dst(%arg11 : memref<80x128xf32, #tpu.memory_space<vmem>>)
        tpu.yield
      }) : () -> ()
      %dma_wait3A = tpu.memref_slice %arg8[%mul3A_16] : memref<10000xi32, #tpu.memory_space<vmem>> -> memref<80xi32, #tpu.memory_space<vmem>>
      %dma_wait3A_25 = arith.constant 0 : i32
      %dma_wait3A_26 = arith.constant 0 : i32
      %dma_wait3A_27 = tpu.memref_slice %arg2[%dma_wait3A_25, %dma_wait3A_26] : memref<10000x128xf32, #tpu.memory_space<hbm>> -> memref<10000x128xf32, #tpu.memory_space<hbm>>
      tpu.wait_indirect_dma semaphore(%arg13 : memref<!tpu.dma_semaphore, #tpu.memory_space<semaphore_mem>>) src(%dma_wait3A_27 : memref<10000x128xf32, #tpu.memory_space<hbm>>) dst(%arg10 : memref<80x128xf32, #tpu.memory_space<vmem>>)
      %scan3A_28 = arith.constant 0 : i32
      %scan3A_29 = arith.constant 0 : i32
      %scan3A_30 = arith.constant 80 : i32
      %scan3A_31 = arith.addi %scan3A_29, %scan3A_30 : i32
      %scan3A_32 = arith.constant 1 : i32
      scf.for %scan3A_34 = %scan3A_29 to %scan3A_31 step %scan3A_32  : i32 {
        %scan3A_35 = arith.constant 0 : i32
        %scan3A_36 = arith.constant 0 : i32
        %scan3A_37 = arith.constant 8 : i32
        %scan3A_38 = arith.addi %scan3A_36, %scan3A_37 : i32
        %scan3A_39 = arith.constant 1 : i32
        scf.for %scan3A_41 = %scan3A_36 to %scan3A_38 step %scan3A_39  : i32 {
          %mul3A_42 = arith.constant 16 : i32
          %mul3A_43 = arith.muli %scan3A_41, %mul3A_42 : i32
          %get3A = arith.index_cast %scan3A_34 : i32 to index
          %get3A_44 = arith.index_cast %mul3A_43 : i32 to index
          %get3A_45 = tpu.vector_load %arg10[%get3A, %get3A_44] {strides = array<i32>} : memref<80x128xf32, #tpu.memory_space<vmem>>, vector<16xf32>,
          %get3A_46 = arith.index_cast %scan3A_34 : i32 to index
          %get3A_47 = arith.index_cast %mul3A_43 : i32 to index
          %get3A_48 = tpu.vector_load %arg11[%get3A_46, %get3A_47] {strides = array<i32>} : memref<80x128xf32, #tpu.memory_space<vmem>>, vector<16xf32>,
          %mul3A_49 = arith.mulf %get3A_45, %get3A_48 : vector<16xf32>
          %swap3A = arith.index_cast %scan3A_34 : i32 to index
          %swap3A_50 = arith.index_cast %mul3A_43 : i32 to index
          %swap3A_51 = tpu.vector_load %arg10[%swap3A, %swap3A_50] {strides = array<i32>} : memref<80x128xf32, #tpu.memory_space<vmem>>, vector<16xf32>,
          tpu.vector_store %arg10[%swap3A, %swap3A_50], %mul3A_49 {strides = array<i32>} : memref<80x128xf32, #tpu.memory_space<vmem>>, vector<16xf32>,
        }
        %scan3A_40 = arith.constant 8 : i32
      }
      %scan3A_33 = arith.constant 80 : i32
      "tpu.region"() ({
        %run_scoped3A = tpu.sem_alloc : memref<!tpu.dma_semaphore, #tpu.memory_space<semaphore_mem>>
        %dma_start3A_34 = arith.constant 0 : i32
        %dma_start3A_35 = tpu.memref_slice %arg9[%scan3A_14, %dma_start3A_34] : memref<125x80xi32, #tpu.memory_space<vmem>> -> memref<1x80xi32, #tpu.memory_space<vmem>>
        %dma_start3A_36 = tpu.memref_squeeze %dma_start3A_35 : memref<1x80xi32, #tpu.memory_space<vmem>> -> memref<80xi32, #tpu.memory_space<vmem>>
        %dma_start3A_37 = arith.constant 0 : i32
        %dma_start3A_38 = arith.constant 0 : i32
        %dma_start3A_39 = tpu.memref_slice %arg12[%dma_start3A_37, %dma_start3A_38] : memref<10000x128xf32, #tpu.memory_space<vmem_shared>> -> memref<10000x128xf32, #tpu.memory_space<vmem_shared>>
        tpu.enqueue_indirect_dma source(%arg10 : memref<80x128xf32, #tpu.memory_space<vmem>>) target(%dma_start3A_39 : memref<10000x128xf32, #tpu.memory_space<vmem_shared>>) offsets(%dma_start3A_36 : memref<80xi32, #tpu.memory_space<vmem>>) semaphore(%run_scoped3A : memref<!tpu.dma_semaphore, #tpu.memory_space<semaphore_mem>>) {add = true}
        %dma_wait3A_40 = arith.constant 0 : i32
        %dma_wait3A_41 = tpu.memref_slice %arg9[%scan3A_14, %dma_wait3A_40] : memref<125x80xi32, #tpu.memory_space<vmem>> -> memref<1x80xi32, #tpu.memory_space<vmem>>
        %dma_wait3A_42 = tpu.memref_squeeze %dma_wait3A_41 : memref<1x80xi32, #tpu.memory_space<vmem>> -> memref<80xi32, #tpu.memory_space<vmem>>
        %dma_wait3A_43 = arith.constant 0 : i32
        %dma_wait3A_44 = arith.constant 0 : i32
        %dma_wait3A_45 = tpu.memref_slice %arg12[%dma_wait3A_43, %dma_wait3A_44] : memref<10000x128xf32, #tpu.memory_space<vmem_shared>> -> memref<10000x128xf32, #tpu.memory_space<vmem_shared>>
        tpu.wait_indirect_dma semaphore(%run_scoped3A : memref<!tpu.dma_semaphore, #tpu.memory_space<semaphore_mem>>) src(%arg10 : memref<80x128xf32, #tpu.memory_space<vmem>>) dst(%dma_wait3A_45 : memref<10000x128xf32, #tpu.memory_space<vmem_shared>>)
        tpu.yield
      }) : () -> ()
    }
    %scan3A_7 = arith.constant 125 : i32
    %barrier3A_8 = arith.constant 0 : index
    tpu.barrier barrier_id(%barrier3A_8)
    %lt3A_9 = arith.constant 10 : i32
    %lt3A_10 = arith.cmpi slt, %arg1, %lt3A_9 : i32
    %convert_element_type3A_11 = arith.extui %lt3A_10 : i1 to i32
    %cond3A_12 = arith.constant 0 : i32
    %cond3A_13 = arith.cmpi ne, %convert_element_type3A_11, %cond3A_12 : i32
    scf.if %cond3A_13 {
      %mul3A_14 = arith.constant 1000 : i32
      %mul3A_15 = arith.muli %arg1, %mul3A_14 : i32
      %mul3A_16 = arith.constant 1000 : i32
      %mul3A_17 = arith.muli %arg1, %mul3A_16 : i32
      "tpu.region"() ({
        %run_scoped3A = tpu.sem_alloc : memref<!tpu.dma_semaphore, #tpu.memory_space<semaphore_mem>>
        %dma_start3A = arith.constant 0 : i32
        %dma_start3A_18 = tpu.memref_slice %arg7[%arg0, %mul3A_17, %dma_start3A] : memref<2x10000x128xf32, #tpu.memory_space<hbm>> -> memref<1x1000x128xf32, #tpu.memory_space<hbm>>
        %dma_start3A_19 = tpu.memref_squeeze %dma_start3A_18 : memref<1x1000x128xf32, #tpu.memory_space<hbm>> -> memref<1000x128xf32, #tpu.memory_space<hbm>>
        %dma_start3A_20 = arith.constant 0 : i32
        %dma_start3A_21 = tpu.memref_slice %arg12[%mul3A_15, %dma_start3A_20] : memref<10000x128xf32, #tpu.memory_space<vmem_shared>> -> memref<1000x128xf32, #tpu.memory_space<vmem_shared>>
        tpu.enqueue_dma source(%dma_start3A_21 : memref<1000x128xf32, #tpu.memory_space<vmem_shared>>) target(%dma_start3A_19 : memref<1000x128xf32, #tpu.memory_space<hbm>>) target_semaphore(%run_scoped3A : memref<!tpu.dma_semaphore, #tpu.memory_space<semaphore_mem>>)
        %dma_wait3A = arith.constant 0 : i32
        %dma_wait3A_22 = tpu.memref_slice %arg7[%arg0, %mul3A_17, %dma_wait3A] : memref<2x10000x128xf32, #tpu.memory_space<hbm>> -> memref<1x1000x128xf32, #tpu.memory_space<hbm>>
        %dma_wait3A_23 = tpu.memref_squeeze %dma_wait3A_22 : memref<1x1000x128xf32, #tpu.memory_space<hbm>> -> memref<1000x128xf32, #tpu.memory_space<hbm>>
        %dma_wait3A_24 = arith.constant 0 : i32
        %dma_wait3A_25 = tpu.memref_slice %arg12[%mul3A_15, %dma_wait3A_24] : memref<10000x128xf32, #tpu.memory_space<vmem_shared>> -> memref<1000x128xf32, #tpu.memory_space<vmem_shared>>
        tpu.wait_dma2 semaphore(%run_scoped3A : memref<!tpu.dma_semaphore, #tpu.memory_space<semaphore_mem>>) src(%dma_wait3A_25 : memref<1000x128xf32, #tpu.memory_space<vmem_shared>>) dst(%dma_wait3A_23 : memref<1000x128xf32, #tpu.memory_space<hbm>>)
        tpu.yield
      }) : () -> ()
    } else {
    }
    return
  }
}

#map = affine_map<(d0, d1) -> (0, 0)>
#map1 = affine_map<(d0, d1) -> (0, 0, 0)>
module attributes {stable_mosaic.version = 14 : i64} {
  func.func @sc_mp(%arg0: i32, %arg1: i32, %arg2: memref<10000x128xf32, #tpu.memory_space<hbm>>, %arg3: memref<320000x128xf32, #tpu.memory_space<hbm>>, %arg4: memref<32x10000xi32, #tpu.memory_space<hbm>>, %arg5: memref<32x125x80xi32, #tpu.memory_space<hbm>>, %arg6: memref<10000x128xf32, #tpu.memory_space<hbm>>, %arg7: memref<2x10000x128xf32, #tpu.memory_space<hbm>>, %arg8: memref<10000xi32, #tpu.memory_space<vmem>>, %arg9: memref<125x80xi32, #tpu.memory_space<vmem>>, %arg10: memref<80x128xf32, #tpu.memory_space<vmem>>, %arg11: memref<80x128xf32, #tpu.memory_space<vmem>>, %arg12: memref<10000x128xf32, #tpu.memory_space<vmem_shared>>, %arg13: memref<!tpu.dma_semaphore, #tpu.memory_space<semaphore_mem>>) attributes {dimension_semantics = [#tpu.dimension_semantics<core_parallel>, #tpu.dimension_semantics<subcore_parallel>], iteration_bounds = array<i64: 2, 16>, scalar_prefetch = 0 : i64, scratch_operands = 6 : i64, tpu.core_type = #tpu.core_type<sc_vector_subcore>, window_params = [{transform_indices = #map}, {transform_indices = #map}, {transform_indices = #map}, {transform_indices = #map1}, {transform_indices = #map}, {transform_indices = #map1}]} {
    %mul3A = arith.constant 2 : i32
    %mul3A_0 = arith.muli %arg1, %mul3A : i32
    %add3A = arith.addi %mul3A_0, %arg0 : i32
    "tpu.region"() ({
      %run_scoped3A = tpu.sem_alloc : memref<!tpu.dma_semaphore, #tpu.memory_space<semaphore_mem>>
      %dma_start3A = arith.constant 0 : i32
      %dma_start3A_14 = tpu.memref_slice %arg4[%add3A, %dma_start3A] : memref<32x10000xi32, #tpu.memory_space<hbm>> -> memref<1x10000xi32, #tpu.memory_space<hbm>>
      %dma_start3A_15 = tpu.memref_squeeze %dma_start3A_14 : memref<1x10000xi32, #tpu.memory_space<hbm>> -> memref<10000xi32, #tpu.memory_space<hbm>>
      %dma_start3A_16 = arith.constant 0 : i32
      %dma_start3A_17 = tpu.memref_slice %arg4[%add3A, %dma_start3A_16] : memref<32x10000xi32, #tpu.memory_space<hbm>> -> memref<1x10000xi32, #tpu.memory_space<hbm>>
      %dma_start3A_18 = tpu.memref_squeeze %dma_start3A_17 : memref<1x10000xi32, #tpu.memory_space<hbm>> -> memref<10000xi32, #tpu.memory_space<hbm>>
      tpu.enqueue_dma source(%dma_start3A_18 : memref<10000xi32, #tpu.memory_space<hbm>>) target(%arg8 : memref<10000xi32, #tpu.memory_space<vmem>>) target_semaphore(%run_scoped3A : memref<!tpu.dma_semaphore, #tpu.memory_space<semaphore_mem>>)
      %dma_wait3A = arith.constant 0 : i32
      %dma_wait3A_19 = tpu.memref_slice %arg4[%add3A, %dma_wait3A] : memref<32x10000xi32, #tpu.memory_space<hbm>> -> memref<1x10000xi32, #tpu.memory_space<hbm>>
      %dma_wait3A_20 = tpu.memref_squeeze %dma_wait3A_19 : memref<1x10000xi32, #tpu.memory_space<hbm>> -> memref<10000xi32, #tpu.memory_space<hbm>>
      %dma_wait3A_21 = arith.constant 0 : i32
      %dma_wait3A_22 = tpu.memref_slice %arg4[%add3A, %dma_wait3A_21] : memref<32x10000xi32, #tpu.memory_space<hbm>> -> memref<1x10000xi32, #tpu.memory_space<hbm>>
      %dma_wait3A_23 = tpu.memref_squeeze %dma_wait3A_22 : memref<1x10000xi32, #tpu.memory_space<hbm>> -> memref<10000xi32, #tpu.memory_space<hbm>>
      tpu.wait_dma2 semaphore(%run_scoped3A : memref<!tpu.dma_semaphore, #tpu.memory_space<semaphore_mem>>) src(%dma_wait3A_23 : memref<10000xi32, #tpu.memory_space<hbm>>) dst(%arg8 : memref<10000xi32, #tpu.memory_space<vmem>>)
      tpu.yield
    }) : () -> ()
    "tpu.region"() ({
      %run_scoped3A = tpu.sem_alloc : memref<!tpu.dma_semaphore, #tpu.memory_space<semaphore_mem>>
      %dma_start3A = arith.constant 0 : i32
      %dma_start3A_14 = arith.constant 0 : i32
      %dma_start3A_15 = tpu.memref_slice %arg5[%add3A, %dma_start3A, %dma_start3A_14] : memref<32x125x80xi32, #tpu.memory_space<hbm>> -> memref<1x125x80xi32, #tpu.memory_space<hbm>>
      %dma_start3A_16 = tpu.memref_squeeze %dma_start3A_15 : memref<1x125x80xi32, #tpu.memory_space<hbm>> -> memref<125x80xi32, #tpu.memory_space<hbm>>
      %dma_start3A_17 = arith.constant 0 : i32
      %dma_start3A_18 = arith.constant 0 : i32
      %dma_start3A_19 = tpu.memref_slice %arg5[%add3A, %dma_start3A_17, %dma_start3A_18] : memref<32x125x80xi32, #tpu.memory_space<hbm>> -> memref<1x125x80xi32, #tpu.memory_space<hbm>>
      %dma_start3A_20 = tpu.memref_squeeze %dma_start3A_19 : memref<1x125x80xi32, #tpu.memory_space<hbm>> -> memref<125x80xi32, #tpu.memory_space<hbm>>
      tpu.enqueue_dma source(%dma_start3A_20 : memref<125x80xi32, #tpu.memory_space<hbm>>) target(%arg9 : memref<125x80xi32, #tpu.memory_space<vmem>>) target_semaphore(%run_scoped3A : memref<!tpu.dma_semaphore, #tpu.memory_space<semaphore_mem>>)
      %dma_wait3A = arith.constant 0 : i32
      %dma_wait3A_21 = arith.constant 0 : i32
      %dma_wait3A_22 = tpu.memref_slice %arg5[%add3A, %dma_wait3A, %dma_wait3A_21] : memref<32x125x80xi32, #tpu.memory_space<hbm>> -> memref<1x125x80xi32, #tpu.memory_space<hbm>>
      %dma_wait3A_23 = tpu.memref_squeeze %dma_wait3A_22 : memref<1x125x80xi32, #tpu.memory_space<hbm>> -> memref<125x80xi32, #tpu.memory_space<hbm>>
      %dma_wait3A_24 = arith.constant 0 : i32
      %dma_wait3A_25 = arith.constant 0 : i32
      %dma_wait3A_26 = tpu.memref_slice %arg5[%add3A, %dma_wait3A_24, %dma_wait3A_25] : memref<32x125x80xi32, #tpu.memory_space<hbm>> -> memref<1x125x80xi32, #tpu.memory_space<hbm>>
      %dma_wait3A_27 = tpu.memref_squeeze %dma_wait3A_26 : memref<1x125x80xi32, #tpu.memory_space<hbm>> -> memref<125x80xi32, #tpu.memory_space<hbm>>
      tpu.wait_dma2 semaphore(%run_scoped3A : memref<!tpu.dma_semaphore, #tpu.memory_space<semaphore_mem>>) src(%dma_wait3A_27 : memref<125x80xi32, #tpu.memory_space<hbm>>) dst(%arg9 : memref<125x80xi32, #tpu.memory_space<vmem>>)
      tpu.yield
    }) : () -> ()
    %lt3A = arith.constant 10 : i32
    %lt3A_1 = arith.cmpi slt, %arg1, %lt3A : i32
    %convert_element_type3A = arith.extui %lt3A_1 : i1 to i32
    %cond3A = arith.constant 0 : i32
    %cond3A_2 = arith.cmpi ne, %convert_element_type3A, %cond3A : i32
    scf.if %cond3A_2 {
      %mul3A_14 = arith.constant 1000 : i32
      %mul3A_15 = arith.muli %arg1, %mul3A_14 : i32
      %mul3A_16 = arith.constant 1000 : i32
      %mul3A_17 = arith.muli %arg1, %mul3A_16 : i32
      "tpu.region"() ({
        %run_scoped3A = tpu.sem_alloc : memref<!tpu.dma_semaphore, #tpu.memory_space<semaphore_mem>>
        %dma_start3A = arith.constant 0 : i32
        %dma_start3A_18 = tpu.memref_slice %arg12[%mul3A_17, %dma_start3A] : memref<10000x128xf32, #tpu.memory_space<vmem_shared>> -> memref<1000x128xf32, #tpu.memory_space<vmem_shared>>
        %dma_start3A_19 = arith.constant 0 : i32
        %dma_start3A_20 = tpu.memref_slice %arg6[%mul3A_15, %dma_start3A_19] : memref<10000x128xf32, #tpu.memory_space<hbm>> -> memref<1000x128xf32, #tpu.memory_space<hbm>>
        tpu.enqueue_dma source(%dma_start3A_20 : memref<1000x128xf32, #tpu.memory_space<hbm>>) target(%dma_start3A_18 : memref<1000x128xf32, #tpu.memory_space<vmem_shared>>) target_semaphore(%run_scoped3A : memref<!tpu.dma_semaphore, #tpu.memory_space<semaphore_mem>>)
        %dma_wait3A = arith.constant 0 : i32
        %dma_wait3A_21 = tpu.memref_slice %arg12[%mul3A_17, %dma_wait3A] : memref<10000x128xf32, #tpu.memory_space<vmem_shared>> -> memref<1000x128xf32, #tpu.memory_space<vmem_shared>>
        %dma_wait3A_22 = arith.constant 0 : i32
        %dma_wait3A_23 = tpu.memref_slice %arg6[%mul3A_15, %dma_wait3A_22] : memref<10000x128xf32, #tpu.memory_space<hbm>> -> memref<1000x128xf32, #tpu.memory_space<hbm>>
        tpu.wait_dma2 semaphore(%run_scoped3A : memref<!tpu.dma_semaphore, #tpu.memory_space<semaphore_mem>>) src(%dma_wait3A_23 : memref<1000x128xf32, #tpu.memory_space<hbm>>) dst(%dma_wait3A_21 : memref<1000x128xf32, #tpu.memory_space<vmem_shared>>)
        tpu.yield
      }) : () -> ()
    } else {
    }
    %barrier3A = arith.constant 0 : index
    tpu.barrier barrier_id(%barrier3A)
    %scan3A = arith.constant 0 : i32
    %scan3A_3 = arith.constant 0 : i32
    %scan3A_4 = arith.constant 125 : i32
    %scan3A_5 = arith.addi %scan3A_3, %scan3A_4 : i32
    %scan3A_6 = arith.constant 1 : i32
    scf.for %scan3A_14 = %scan3A_3 to %scan3A_5 step %scan3A_6  : i32 {
      %mul3A_15 = arith.constant 80 : i32
      %mul3A_16 = arith.muli %scan3A_14, %mul3A_15 : i32
      %dma_start3A = tpu.memref_slice %arg8[%mul3A_16] : memref<10000xi32, #tpu.memory_space<vmem>> -> memref<80xi32, #tpu.memory_space<vmem>>
      %dma_start3A_17 = arith.constant 0 : i32
      %dma_start3A_18 = arith.constant 0 : i32
      %dma_start3A_19 = tpu.memref_slice %arg2[%dma_start3A_17, %dma_start3A_18] : memref<10000x128xf32, #tpu.memory_space<hbm>> -> memref<10000x128xf32, #tpu.memory_space<hbm>>
      tpu.enqueue_indirect_dma source(%dma_start3A_19 : memref<10000x128xf32, #tpu.memory_space<hbm>>) target(%arg10 : memref<80x128xf32, #tpu.memory_space<vmem>>) offsets(%dma_start3A : memref<80xi32, #tpu.memory_space<vmem>>) semaphore(%arg13 : memref<!tpu.dma_semaphore, #tpu.memory_space<semaphore_mem>>)
      %mul3A_20 = arith.constant 10000 : i32
      %mul3A_21 = arith.muli %add3A, %mul3A_20 : i32
      %mul3A_22 = arith.constant 80 : i32
      %mul3A_23 = arith.muli %scan3A_14, %mul3A_22 : i32
      %add3A_24 = arith.addi %mul3A_21, %mul3A_23 : i32
      "tpu.region"() ({
        %run_scoped3A = tpu.sem_alloc : memref<!tpu.dma_semaphore, #tpu.memory_space<semaphore_mem>>
        %dma_start3A_34 = arith.constant 0 : i32
        %dma_start3A_35 = tpu.memref_slice %arg3[%add3A_24, %dma_start3A_34] : memref<320000x128xf32, #tpu.memory_space<hbm>> -> memref<80x128xf32, #tpu.memory_space<hbm>>
        %dma_start3A_36 = arith.constant 0 : i32
        %dma_start3A_37 = tpu.memref_slice %arg3[%add3A_24, %dma_start3A_36] : memref<320000x128xf32, #tpu.memory_space<hbm>> -> memref<80x128xf32, #tpu.memory_space<hbm>>
        tpu.enqueue_dma source(%dma_start3A_37 : memref<80x128xf32, #tpu.memory_space<hbm>>) target(%arg11 : memref<80x128xf32, #tpu.memory_space<vmem>>) target_semaphore(%run_scoped3A : memref<!tpu.dma_semaphore, #tpu.memory_space<semaphore_mem>>)
        %dma_wait3A_38 = arith.constant 0 : i32
        %dma_wait3A_39 = tpu.memref_slice %arg3[%add3A_24, %dma_wait3A_38] : memref<320000x128xf32, #tpu.memory_space<hbm>> -> memref<80x128xf32, #tpu.memory_space<hbm>>
        %dma_wait3A_40 = arith.constant 0 : i32
        %dma_wait3A_41 = tpu.memref_slice %arg3[%add3A_24, %dma_wait3A_40] : memref<320000x128xf32, #tpu.memory_space<hbm>> -> memref<80x128xf32, #tpu.memory_space<hbm>>
        tpu.wait_dma2 semaphore(%run_scoped3A : memref<!tpu.dma_semaphore, #tpu.memory_space<semaphore_mem>>) src(%dma_wait3A_41 : memref<80x128xf32, #tpu.memory_space<hbm>>) dst(%arg11 : memref<80x128xf32, #tpu.memory_space<vmem>>)
        tpu.yield
      }) : () -> ()
      %dma_wait3A = tpu.memref_slice %arg8[%mul3A_16] : memref<10000xi32, #tpu.memory_space<vmem>> -> memref<80xi32, #tpu.memory_space<vmem>>
      %dma_wait3A_25 = arith.constant 0 : i32
      %dma_wait3A_26 = arith.constant 0 : i32
      %dma_wait3A_27 = tpu.memref_slice %arg2[%dma_wait3A_25, %dma_wait3A_26] : memref<10000x128xf32, #tpu.memory_space<hbm>> -> memref<10000x128xf32, #tpu.memory_space<hbm>>
      tpu.wait_indirect_dma semaphore(%arg13 : memref<!tpu.dma_semaphore, #tpu.memory_space<semaphore_mem>>) src(%dma_wait3A_27 : memref<10000x128xf32, #tpu.memory_space<hbm>>) dst(%arg10 : memref<80x128xf32, #tpu.memory_space<vmem>>)
      %scan3A_28 = arith.constant 0 : i32
      %scan3A_29 = arith.constant 0 : i32
      %scan3A_30 = arith.constant 80 : i32
      %scan3A_31 = arith.addi %scan3A_29, %scan3A_30 : i32
      %scan3A_32 = arith.constant 1 : i32
      scf.for %scan3A_34 = %scan3A_29 to %scan3A_31 step %scan3A_32  : i32 {
        %scan3A_35 = arith.constant 0 : i32
        %scan3A_36 = arith.constant 0 : i32
        %scan3A_37 = arith.constant 8 : i32
        %scan3A_38 = arith.addi %scan3A_36, %scan3A_37 : i32
        %scan3A_39 = arith.constant 1 : i32
        scf.for %scan3A_41 = %scan3A_36 to %scan3A_38 step %scan3A_39  : i32 {
          %mul3A_42 = arith.constant 16 : i32
          %mul3A_43 = arith.muli %scan3A_41, %mul3A_42 : i32
          %get3A = arith.index_cast %scan3A_34 : i32 to index
          %get3A_44 = arith.index_cast %mul3A_43 : i32 to index
          %get3A_45 = tpu.vector_load %arg10[%get3A, %get3A_44] {strides = array<i32>} : memref<80x128xf32, #tpu.memory_space<vmem>>, vector<16xf32>,
          %get3A_46 = arith.index_cast %scan3A_34 : i32 to index
          %get3A_47 = arith.index_cast %mul3A_43 : i32 to index
          %get3A_48 = tpu.vector_load %arg11[%get3A_46, %get3A_47] {strides = array<i32>} : memref<80x128xf32, #tpu.memory_space<vmem>>, vector<16xf32>,
          %mul3A_49 = arith.mulf %get3A_45, %get3A_48 : vector<16xf32>
          %swap3A = arith.index_cast %scan3A_34 : i32 to index
          %swap3A_50 = arith.index_cast %mul3A_43 : i32 to index
          %swap3A_51 = tpu.vector_load %arg10[%swap3A, %swap3A_50] {strides = array<i32>} : memref<80x128xf32, #tpu.memory_space<vmem>>, vector<16xf32>,
          tpu.vector_store %arg10[%swap3A, %swap3A_50], %mul3A_49 {strides = array<i32>} : memref<80x128xf32, #tpu.memory_space<vmem>>, vector<16xf32>,
        }
        %scan3A_40 = arith.constant 8 : i32
      }
      %scan3A_33 = arith.constant 80 : i32
      "tpu.region"() ({
        %run_scoped3A = tpu.sem_alloc : memref<!tpu.dma_semaphore, #tpu.memory_space<semaphore_mem>>
        %dma_start3A_34 = arith.constant 0 : i32
        %dma_start3A_35 = tpu.memref_slice %arg9[%scan3A_14, %dma_start3A_34] : memref<125x80xi32, #tpu.memory_space<vmem>> -> memref<1x80xi32, #tpu.memory_space<vmem>>
        %dma_start3A_36 = tpu.memref_squeeze %dma_start3A_35 : memref<1x80xi32, #tpu.memory_space<vmem>> -> memref<80xi32, #tpu.memory_space<vmem>>
        %dma_start3A_37 = arith.constant 0 : i32
        %dma_start3A_38 = arith.constant 0 : i32
        %dma_start3A_39 = tpu.memref_slice %arg12[%dma_start3A_37, %dma_start3A_38] : memref<10000x128xf32, #tpu.memory_space<vmem_shared>> -> memref<10000x128xf32, #tpu.memory_space<vmem_shared>>
        tpu.enqueue_indirect_dma source(%arg10 : memref<80x128xf32, #tpu.memory_space<vmem>>) target(%dma_start3A_39 : memref<10000x128xf32, #tpu.memory_space<vmem_shared>>) offsets(%dma_start3A_36 : memref<80xi32, #tpu.memory_space<vmem>>) semaphore(%run_scoped3A : memref<!tpu.dma_semaphore, #tpu.memory_space<semaphore_mem>>) {add = true}
        %dma_wait3A_40 = arith.constant 0 : i32
        %dma_wait3A_41 = tpu.memref_slice %arg9[%scan3A_14, %dma_wait3A_40] : memref<125x80xi32, #tpu.memory_space<vmem>> -> memref<1x80xi32, #tpu.memory_space<vmem>>
        %dma_wait3A_42 = tpu.memref_squeeze %dma_wait3A_41 : memref<1x80xi32, #tpu.memory_space<vmem>> -> memref<80xi32, #tpu.memory_space<vmem>>
        %dma_wait3A_43 = arith.constant 0 : i32
        %dma_wait3A_44 = arith.constant 0 : i32
        %dma_wait3A_45 = tpu.memref_slice %arg12[%dma_wait3A_43, %dma_wait3A_44] : memref<10000x128xf32, #tpu.memory_space<vmem_shared>> -> memref<10000x128xf32, #tpu.memory_space<vmem_shared>>
        tpu.wait_indirect_dma semaphore(%run_scoped3A : memref<!tpu.dma_semaphore, #tpu.memory_space<semaphore_mem>>) src(%arg10 : memref<80x128xf32, #tpu.memory_space<vmem>>) dst(%dma_wait3A_45 : memref<10000x128xf32, #tpu.memory_space<vmem_shared>>)
        tpu.yield
      }) : () -> ()
    }
    %scan3A_7 = arith.constant 125 : i32
    %barrier3A_8 = arith.constant 0 : index
    tpu.barrier barrier_id(%barrier3A_8)
    %lt3A_9 = arith.constant 10 : i32
    %lt3A_10 = arith.cmpi slt, %arg1, %lt3A_9 : i32
    %convert_element_type3A_11 = arith.extui %lt3A_10 : i1 to i32
    %cond3A_12 = arith.constant 0 : i32
    %cond3A_13 = arith.cmpi ne, %convert_element_type3A_11, %cond3A_12 : i32
    scf.if %cond3A_13 {
      %mul3A_14 = arith.constant 1000 : i32
      %mul3A_15 = arith.muli %arg1, %mul3A_14 : i32
      %mul3A_16 = arith.constant 1000 : i32
      %mul3A_17 = arith.muli %arg1, %mul3A_16 : i32
      "tpu.region"() ({
        %run_scoped3A = tpu.sem_alloc : memref<!tpu.dma_semaphore, #tpu.memory_space<semaphore_mem>>
        %dma_start3A = arith.constant 0 : i32
        %dma_start3A_18 = tpu.memref_slice %arg7[%arg0, %mul3A_17, %dma_start3A] : memref<2x10000x128xf32, #tpu.memory_space<hbm>> -> memref<1x1000x128xf32, #tpu.memory_space<hbm>>
        %dma_start3A_19 = tpu.memref_squeeze %dma_start3A_18 : memref<1x1000x128xf32, #tpu.memory_space<hbm>> -> memref<1000x128xf32, #tpu.memory_space<hbm>>
        %dma_start3A_20 = arith.constant 0 : i32
        %dma_start3A_21 = tpu.memref_slice %arg12[%mul3A_15, %dma_start3A_20] : memref<10000x128xf32, #tpu.memory_space<vmem_shared>> -> memref<1000x128xf32, #tpu.memory_space<vmem_shared>>
        tpu.enqueue_dma source(%dma_start3A_21 : memref<1000x128xf32, #tpu.memory_space<vmem_shared>>) target(%dma_start3A_19 : memref<1000x128xf32, #tpu.memory_space<hbm>>) target_semaphore(%run_scoped3A : memref<!tpu.dma_semaphore, #tpu.memory_space<semaphore_mem>>)
        %dma_wait3A = arith.constant 0 : i32
        %dma_wait3A_22 = tpu.memref_slice %arg7[%arg0, %mul3A_17, %dma_wait3A] : memref<2x10000x128xf32, #tpu.memory_space<hbm>> -> memref<1x1000x128xf32, #tpu.memory_space<hbm>>
        %dma_wait3A_23 = tpu.memref_squeeze %dma_wait3A_22 : memref<1x1000x128xf32, #tpu.memory_space<hbm>> -> memref<1000x128xf32, #tpu.memory_space<hbm>>
        %dma_wait3A_24 = arith.constant 0 : i32
        %dma_wait3A_25 = tpu.memref_slice %arg12[%mul3A_15, %dma_wait3A_24] : memref<10000x128xf32, #tpu.memory_space<vmem_shared>> -> memref<1000x128xf32, #tpu.memory_space<vmem_shared>>
        tpu.wait_dma2 semaphore(%run_scoped3A : memref<!tpu.dma_semaphore, #tpu.memory_space<semaphore_mem>>) src(%dma_wait3A_25 : memref<1000x128xf32, #tpu.memory_space<vmem_shared>>) dst(%dma_wait3A_23 : memref<1000x128xf32, #tpu.memory_space<hbm>>)
        tpu.yield
      }) : () -> ()
    } else {
    }
    return
  }
}

#map = affine_map<(d0, d1) -> (0, 0)>
#map1 = affine_map<(d0, d1) -> (0, 0, 0)>
module attributes {stable_mosaic.version = 14 : i64} {
  func.func @sc_mp(%arg0: i32, %arg1: i32, %arg2: memref<10000x128xf32, #tpu.memory_space<hbm>>, %arg3: memref<320000x128xf32, #tpu.memory_space<hbm>>, %arg4: memref<32x10000xi32, #tpu.memory_space<hbm>>, %arg5: memref<32x125x80xi32, #tpu.memory_space<hbm>>, %arg6: memref<10000x128xf32, #tpu.memory_space<hbm>>, %arg7: memref<2x10000x128xf32, #tpu.memory_space<hbm>>, %arg8: memref<10000xi32, #tpu.memory_space<vmem>>, %arg9: memref<125x80xi32, #tpu.memory_space<vmem>>, %arg10: memref<80x128xf32, #tpu.memory_space<vmem>>, %arg11: memref<80x128xf32, #tpu.memory_space<vmem>>, %arg12: memref<10000x128xf32, #tpu.memory_space<vmem_shared>>, %arg13: memref<!tpu.dma_semaphore, #tpu.memory_space<semaphore_mem>>) attributes {dimension_semantics = [#tpu.dimension_semantics<core_parallel>, #tpu.dimension_semantics<subcore_parallel>], iteration_bounds = array<i64: 2, 16>, scalar_prefetch = 0 : i64, scratch_operands = 6 : i64, tpu.core_type = #tpu.core_type<sc_vector_subcore>, window_params = [{transform_indices = #map}, {transform_indices = #map}, {transform_indices = #map}, {transform_indices = #map1}, {transform_indices = #map}, {transform_indices = #map1}]} {
    %mul3A = arith.constant 2 : i32
    %mul3A_0 = arith.muli %arg1, %mul3A : i32
    %add3A = arith.addi %mul3A_0, %arg0 : i32
    "tpu.region"() ({
      %run_scoped3A = tpu.sem_alloc : memref<!tpu.dma_semaphore, #tpu.memory_space<semaphore_mem>>
      %dma_start3A = arith.constant 0 : i32
      %dma_start3A_14 = tpu.memref_slice %arg4[%add3A, %dma_start3A] : memref<32x10000xi32, #tpu.memory_space<hbm>> -> memref<1x10000xi32, #tpu.memory_space<hbm>>
      %dma_start3A_15 = tpu.memref_squeeze %dma_start3A_14 : memref<1x10000xi32, #tpu.memory_space<hbm>> -> memref<10000xi32, #tpu.memory_space<hbm>>
      %dma_start3A_16 = arith.constant 0 : i32
      %dma_start3A_17 = tpu.memref_slice %arg4[%add3A, %dma_start3A_16] : memref<32x10000xi32, #tpu.memory_space<hbm>> -> memref<1x10000xi32, #tpu.memory_space<hbm>>
      %dma_start3A_18 = tpu.memref_squeeze %dma_start3A_17 : memref<1x10000xi32, #tpu.memory_space<hbm>> -> memref<10000xi32, #tpu.memory_space<hbm>>
      tpu.enqueue_dma source(%dma_start3A_18 : memref<10000xi32, #tpu.memory_space<hbm>>) target(%arg8 : memref<10000xi32, #tpu.memory_space<vmem>>) target_semaphore(%run_scoped3A : memref<!tpu.dma_semaphore, #tpu.memory_space<semaphore_mem>>)
      %dma_wait3A = arith.constant 0 : i32
      %dma_wait3A_19 = tpu.memref_slice %arg4[%add3A, %dma_wait3A] : memref<32x10000xi32, #tpu.memory_space<hbm>> -> memref<1x10000xi32, #tpu.memory_space<hbm>>
      %dma_wait3A_20 = tpu.memref_squeeze %dma_wait3A_19 : memref<1x10000xi32, #tpu.memory_space<hbm>> -> memref<10000xi32, #tpu.memory_space<hbm>>
      %dma_wait3A_21 = arith.constant 0 : i32
      %dma_wait3A_22 = tpu.memref_slice %arg4[%add3A, %dma_wait3A_21] : memref<32x10000xi32, #tpu.memory_space<hbm>> -> memref<1x10000xi32, #tpu.memory_space<hbm>>
      %dma_wait3A_23 = tpu.memref_squeeze %dma_wait3A_22 : memref<1x10000xi32, #tpu.memory_space<hbm>> -> memref<10000xi32, #tpu.memory_space<hbm>>
      tpu.wait_dma2 semaphore(%run_scoped3A : memref<!tpu.dma_semaphore, #tpu.memory_space<semaphore_mem>>) src(%dma_wait3A_23 : memref<10000xi32, #tpu.memory_space<hbm>>) dst(%arg8 : memref<10000xi32, #tpu.memory_space<vmem>>)
      tpu.yield
    }) : () -> ()
    "tpu.region"() ({
      %run_scoped3A = tpu.sem_alloc : memref<!tpu.dma_semaphore, #tpu.memory_space<semaphore_mem>>
      %dma_start3A = arith.constant 0 : i32
      %dma_start3A_14 = arith.constant 0 : i32
      %dma_start3A_15 = tpu.memref_slice %arg5[%add3A, %dma_start3A, %dma_start3A_14] : memref<32x125x80xi32, #tpu.memory_space<hbm>> -> memref<1x125x80xi32, #tpu.memory_space<hbm>>
      %dma_start3A_16 = tpu.memref_squeeze %dma_start3A_15 : memref<1x125x80xi32, #tpu.memory_space<hbm>> -> memref<125x80xi32, #tpu.memory_space<hbm>>
      %dma_start3A_17 = arith.constant 0 : i32
      %dma_start3A_18 = arith.constant 0 : i32
      %dma_start3A_19 = tpu.memref_slice %arg5[%add3A, %dma_start3A_17, %dma_start3A_18] : memref<32x125x80xi32, #tpu.memory_space<hbm>> -> memref<1x125x80xi32, #tpu.memory_space<hbm>>
      %dma_start3A_20 = tpu.memref_squeeze %dma_start3A_19 : memref<1x125x80xi32, #tpu.memory_space<hbm>> -> memref<125x80xi32, #tpu.memory_space<hbm>>
      tpu.enqueue_dma source(%dma_start3A_20 : memref<125x80xi32, #tpu.memory_space<hbm>>) target(%arg9 : memref<125x80xi32, #tpu.memory_space<vmem>>) target_semaphore(%run_scoped3A : memref<!tpu.dma_semaphore, #tpu.memory_space<semaphore_mem>>)
      %dma_wait3A = arith.constant 0 : i32
      %dma_wait3A_21 = arith.constant 0 : i32
      %dma_wait3A_22 = tpu.memref_slice %arg5[%add3A, %dma_wait3A, %dma_wait3A_21] : memref<32x125x80xi32, #tpu.memory_space<hbm>> -> memref<1x125x80xi32, #tpu.memory_space<hbm>>
      %dma_wait3A_23 = tpu.memref_squeeze %dma_wait3A_22 : memref<1x125x80xi32, #tpu.memory_space<hbm>> -> memref<125x80xi32, #tpu.memory_space<hbm>>
      %dma_wait3A_24 = arith.constant 0 : i32
      %dma_wait3A_25 = arith.constant 0 : i32
      %dma_wait3A_26 = tpu.memref_slice %arg5[%add3A, %dma_wait3A_24, %dma_wait3A_25] : memref<32x125x80xi32, #tpu.memory_space<hbm>> -> memref<1x125x80xi32, #tpu.memory_space<hbm>>
      %dma_wait3A_27 = tpu.memref_squeeze %dma_wait3A_26 : memref<1x125x80xi32, #tpu.memory_space<hbm>> -> memref<125x80xi32, #tpu.memory_space<hbm>>
      tpu.wait_dma2 semaphore(%run_scoped3A : memref<!tpu.dma_semaphore, #tpu.memory_space<semaphore_mem>>) src(%dma_wait3A_27 : memref<125x80xi32, #tpu.memory_space<hbm>>) dst(%arg9 : memref<125x80xi32, #tpu.memory_space<vmem>>)
      tpu.yield
    }) : () -> ()
    %lt3A = arith.constant 10 : i32
    %lt3A_1 = arith.cmpi slt, %arg1, %lt3A : i32
    %convert_element_type3A = arith.extui %lt3A_1 : i1 to i32
    %cond3A = arith.constant 0 : i32
    %cond3A_2 = arith.cmpi ne, %convert_element_type3A, %cond3A : i32
    scf.if %cond3A_2 {
      %mul3A_14 = arith.constant 1000 : i32
      %mul3A_15 = arith.muli %arg1, %mul3A_14 : i32
      %mul3A_16 = arith.constant 1000 : i32
      %mul3A_17 = arith.muli %arg1, %mul3A_16 : i32
      "tpu.region"() ({
        %run_scoped3A = tpu.sem_alloc : memref<!tpu.dma_semaphore, #tpu.memory_space<semaphore_mem>>
        %dma_start3A = arith.constant 0 : i32
        %dma_start3A_18 = tpu.memref_slice %arg12[%mul3A_17, %dma_start3A] : memref<10000x128xf32, #tpu.memory_space<vmem_shared>> -> memref<1000x128xf32, #tpu.memory_space<vmem_shared>>
        %dma_start3A_19 = arith.constant 0 : i32
        %dma_start3A_20 = tpu.memref_slice %arg6[%mul3A_15, %dma_start3A_19] : memref<10000x128xf32, #tpu.memory_space<hbm>> -> memref<1000x128xf32, #tpu.memory_space<hbm>>
        tpu.enqueue_dma source(%dma_start3A_20 : memref<1000x128xf32, #tpu.memory_space<hbm>>) target(%dma_start3A_18 : memref<1000x128xf32, #tpu.memory_space<vmem_shared>>) target_semaphore(%run_scoped3A : memref<!tpu.dma_semaphore, #tpu.memory_space<semaphore_mem>>)
        %dma_wait3A = arith.constant 0 : i32
        %dma_wait3A_21 = tpu.memref_slice %arg12[%mul3A_17, %dma_wait3A] : memref<10000x128xf32, #tpu.memory_space<vmem_shared>> -> memref<1000x128xf32, #tpu.memory_space<vmem_shared>>
        %dma_wait3A_22 = arith.constant 0 : i32
        %dma_wait3A_23 = tpu.memref_slice %arg6[%mul3A_15, %dma_wait3A_22] : memref<10000x128xf32, #tpu.memory_space<hbm>> -> memref<1000x128xf32, #tpu.memory_space<hbm>>
        tpu.wait_dma2 semaphore(%run_scoped3A : memref<!tpu.dma_semaphore, #tpu.memory_space<semaphore_mem>>) src(%dma_wait3A_23 : memref<1000x128xf32, #tpu.memory_space<hbm>>) dst(%dma_wait3A_21 : memref<1000x128xf32, #tpu.memory_space<vmem_shared>>)
        tpu.yield
      }) : () -> ()
    } else {
    }
    %barrier3A = arith.constant 0 : index
    tpu.barrier barrier_id(%barrier3A)
    %scan3A = arith.constant 0 : i32
    %scan3A_3 = arith.constant 0 : i32
    %scan3A_4 = arith.constant 125 : i32
    %scan3A_5 = arith.addi %scan3A_3, %scan3A_4 : i32
    %scan3A_6 = arith.constant 1 : i32
    scf.for %scan3A_14 = %scan3A_3 to %scan3A_5 step %scan3A_6  : i32 {
      %mul3A_15 = arith.constant 80 : i32
      %mul3A_16 = arith.muli %scan3A_14, %mul3A_15 : i32
      %dma_start3A = tpu.memref_slice %arg8[%mul3A_16] : memref<10000xi32, #tpu.memory_space<vmem>> -> memref<80xi32, #tpu.memory_space<vmem>>
      %dma_start3A_17 = arith.constant 0 : i32
      %dma_start3A_18 = arith.constant 0 : i32
      %dma_start3A_19 = tpu.memref_slice %arg2[%dma_start3A_17, %dma_start3A_18] : memref<10000x128xf32, #tpu.memory_space<hbm>> -> memref<10000x128xf32, #tpu.memory_space<hbm>>
      tpu.enqueue_indirect_dma source(%dma_start3A_19 : memref<10000x128xf32, #tpu.memory_space<hbm>>) target(%arg10 : memref<80x128xf32, #tpu.memory_space<vmem>>) offsets(%dma_start3A : memref<80xi32, #tpu.memory_space<vmem>>) semaphore(%arg13 : memref<!tpu.dma_semaphore, #tpu.memory_space<semaphore_mem>>)
      %mul3A_20 = arith.constant 10000 : i32
      %mul3A_21 = arith.muli %add3A, %mul3A_20 : i32
      %mul3A_22 = arith.constant 80 : i32
      %mul3A_23 = arith.muli %scan3A_14, %mul3A_22 : i32
      %add3A_24 = arith.addi %mul3A_21, %mul3A_23 : i32
      "tpu.region"() ({
        %run_scoped3A = tpu.sem_alloc : memref<!tpu.dma_semaphore, #tpu.memory_space<semaphore_mem>>
        %dma_start3A_34 = arith.constant 0 : i32
        %dma_start3A_35 = tpu.memref_slice %arg3[%add3A_24, %dma_start3A_34] : memref<320000x128xf32, #tpu.memory_space<hbm>> -> memref<80x128xf32, #tpu.memory_space<hbm>>
        %dma_start3A_36 = arith.constant 0 : i32
        %dma_start3A_37 = tpu.memref_slice %arg3[%add3A_24, %dma_start3A_36] : memref<320000x128xf32, #tpu.memory_space<hbm>> -> memref<80x128xf32, #tpu.memory_space<hbm>>
        tpu.enqueue_dma source(%dma_start3A_37 : memref<80x128xf32, #tpu.memory_space<hbm>>) target(%arg11 : memref<80x128xf32, #tpu.memory_space<vmem>>) target_semaphore(%run_scoped3A : memref<!tpu.dma_semaphore, #tpu.memory_space<semaphore_mem>>)
        %dma_wait3A_38 = arith.constant 0 : i32
        %dma_wait3A_39 = tpu.memref_slice %arg3[%add3A_24, %dma_wait3A_38] : memref<320000x128xf32, #tpu.memory_space<hbm>> -> memref<80x128xf32, #tpu.memory_space<hbm>>
        %dma_wait3A_40 = arith.constant 0 : i32
        %dma_wait3A_41 = tpu.memref_slice %arg3[%add3A_24, %dma_wait3A_40] : memref<320000x128xf32, #tpu.memory_space<hbm>> -> memref<80x128xf32, #tpu.memory_space<hbm>>
        tpu.wait_dma2 semaphore(%run_scoped3A : memref<!tpu.dma_semaphore, #tpu.memory_space<semaphore_mem>>) src(%dma_wait3A_41 : memref<80x128xf32, #tpu.memory_space<hbm>>) dst(%arg11 : memref<80x128xf32, #tpu.memory_space<vmem>>)
        tpu.yield
      }) : () -> ()
      %dma_wait3A = tpu.memref_slice %arg8[%mul3A_16] : memref<10000xi32, #tpu.memory_space<vmem>> -> memref<80xi32, #tpu.memory_space<vmem>>
      %dma_wait3A_25 = arith.constant 0 : i32
      %dma_wait3A_26 = arith.constant 0 : i32
      %dma_wait3A_27 = tpu.memref_slice %arg2[%dma_wait3A_25, %dma_wait3A_26] : memref<10000x128xf32, #tpu.memory_space<hbm>> -> memref<10000x128xf32, #tpu.memory_space<hbm>>
      tpu.wait_indirect_dma semaphore(%arg13 : memref<!tpu.dma_semaphore, #tpu.memory_space<semaphore_mem>>) src(%dma_wait3A_27 : memref<10000x128xf32, #tpu.memory_space<hbm>>) dst(%arg10 : memref<80x128xf32, #tpu.memory_space<vmem>>)
      %scan3A_28 = arith.constant 0 : i32
      %scan3A_29 = arith.constant 0 : i32
      %scan3A_30 = arith.constant 80 : i32
      %scan3A_31 = arith.addi %scan3A_29, %scan3A_30 : i32
      %scan3A_32 = arith.constant 1 : i32
      scf.for %scan3A_34 = %scan3A_29 to %scan3A_31 step %scan3A_32  : i32 {
        %scan3A_35 = arith.constant 0 : i32
        %scan3A_36 = arith.constant 0 : i32
        %scan3A_37 = arith.constant 8 : i32
        %scan3A_38 = arith.addi %scan3A_36, %scan3A_37 : i32
        %scan3A_39 = arith.constant 1 : i32
        scf.for %scan3A_41 = %scan3A_36 to %scan3A_38 step %scan3A_39  : i32 {
          %mul3A_42 = arith.constant 16 : i32
          %mul3A_43 = arith.muli %scan3A_41, %mul3A_42 : i32
          %get3A = arith.index_cast %scan3A_34 : i32 to index
          %get3A_44 = arith.index_cast %mul3A_43 : i32 to index
          %get3A_45 = tpu.vector_load %arg10[%get3A, %get3A_44] {strides = array<i32>} : memref<80x128xf32, #tpu.memory_space<vmem>>, vector<16xf32>,
          %get3A_46 = arith.index_cast %scan3A_34 : i32 to index
          %get3A_47 = arith.index_cast %mul3A_43 : i32 to index
          %get3A_48 = tpu.vector_load %arg11[%get3A_46, %get3A_47] {strides = array<i32>} : memref<80x128xf32, #tpu.memory_space<vmem>>, vector<16xf32>,
          %mul3A_49 = arith.mulf %get3A_45, %get3A_48 : vector<16xf32>
          %swap3A = arith.index_cast %scan3A_34 : i32 to index
          %swap3A_50 = arith.index_cast %mul3A_43 : i32 to index
          %swap3A_51 = tpu.vector_load %arg10[%swap3A, %swap3A_50] {strides = array<i32>} : memref<80x128xf32, #tpu.memory_space<vmem>>, vector<16xf32>,
          tpu.vector_store %arg10[%swap3A, %swap3A_50], %mul3A_49 {strides = array<i32>} : memref<80x128xf32, #tpu.memory_space<vmem>>, vector<16xf32>,
        }
        %scan3A_40 = arith.constant 8 : i32
      }
      %scan3A_33 = arith.constant 80 : i32
      "tpu.region"() ({
        %run_scoped3A = tpu.sem_alloc : memref<!tpu.dma_semaphore, #tpu.memory_space<semaphore_mem>>
        %dma_start3A_34 = arith.constant 0 : i32
        %dma_start3A_35 = tpu.memref_slice %arg9[%scan3A_14, %dma_start3A_34] : memref<125x80xi32, #tpu.memory_space<vmem>> -> memref<1x80xi32, #tpu.memory_space<vmem>>
        %dma_start3A_36 = tpu.memref_squeeze %dma_start3A_35 : memref<1x80xi32, #tpu.memory_space<vmem>> -> memref<80xi32, #tpu.memory_space<vmem>>
        %dma_start3A_37 = arith.constant 0 : i32
        %dma_start3A_38 = arith.constant 0 : i32
        %dma_start3A_39 = tpu.memref_slice %arg12[%dma_start3A_37, %dma_start3A_38] : memref<10000x128xf32, #tpu.memory_space<vmem_shared>> -> memref<10000x128xf32, #tpu.memory_space<vmem_shared>>
        tpu.enqueue_indirect_dma source(%arg10 : memref<80x128xf32, #tpu.memory_space<vmem>>) target(%dma_start3A_39 : memref<10000x128xf32, #tpu.memory_space<vmem_shared>>) offsets(%dma_start3A_36 : memref<80xi32, #tpu.memory_space<vmem>>) semaphore(%run_scoped3A : memref<!tpu.dma_semaphore, #tpu.memory_space<semaphore_mem>>) {add = true}
        %dma_wait3A_40 = arith.constant 0 : i32
        %dma_wait3A_41 = tpu.memref_slice %arg9[%scan3A_14, %dma_wait3A_40] : memref<125x80xi32, #tpu.memory_space<vmem>> -> memref<1x80xi32, #tpu.memory_space<vmem>>
        %dma_wait3A_42 = tpu.memref_squeeze %dma_wait3A_41 : memref<1x80xi32, #tpu.memory_space<vmem>> -> memref<80xi32, #tpu.memory_space<vmem>>
        %dma_wait3A_43 = arith.constant 0 : i32
        %dma_wait3A_44 = arith.constant 0 : i32
        %dma_wait3A_45 = tpu.memref_slice %arg12[%dma_wait3A_43, %dma_wait3A_44] : memref<10000x128xf32, #tpu.memory_space<vmem_shared>> -> memref<10000x128xf32, #tpu.memory_space<vmem_shared>>
        tpu.wait_indirect_dma semaphore(%run_scoped3A : memref<!tpu.dma_semaphore, #tpu.memory_space<semaphore_mem>>) src(%arg10 : memref<80x128xf32, #tpu.memory_space<vmem>>) dst(%dma_wait3A_45 : memref<10000x128xf32, #tpu.memory_space<vmem_shared>>)
        tpu.yield
      }) : () -> ()
    }
    %scan3A_7 = arith.constant 125 : i32
    %barrier3A_8 = arith.constant 0 : index
    tpu.barrier barrier_id(%barrier3A_8)
    %lt3A_9 = arith.constant 10 : i32
    %lt3A_10 = arith.cmpi slt, %arg1, %lt3A_9 : i32
    %convert_element_type3A_11 = arith.extui %lt3A_10 : i1 to i32
    %cond3A_12 = arith.constant 0 : i32
    %cond3A_13 = arith.cmpi ne, %convert_element_type3A_11, %cond3A_12 : i32
    scf.if %cond3A_13 {
      %mul3A_14 = arith.constant 1000 : i32
      %mul3A_15 = arith.muli %arg1, %mul3A_14 : i32
      %mul3A_16 = arith.constant 1000 : i32
      %mul3A_17 = arith.muli %arg1, %mul3A_16 : i32
      "tpu.region"() ({
        %run_scoped3A = tpu.sem_alloc : memref<!tpu.dma_semaphore, #tpu.memory_space<semaphore_mem>>
        %dma_start3A = arith.constant 0 : i32
        %dma_start3A_18 = tpu.memref_slice %arg7[%arg0, %mul3A_17, %dma_start3A] : memref<2x10000x128xf32, #tpu.memory_space<hbm>> -> memref<1x1000x128xf32, #tpu.memory_space<hbm>>
        %dma_start3A_19 = tpu.memref_squeeze %dma_start3A_18 : memref<1x1000x128xf32, #tpu.memory_space<hbm>> -> memref<1000x128xf32, #tpu.memory_space<hbm>>
        %dma_start3A_20 = arith.constant 0 : i32
        %dma_start3A_21 = tpu.memref_slice %arg12[%mul3A_15, %dma_start3A_20] : memref<10000x128xf32, #tpu.memory_space<vmem_shared>> -> memref<1000x128xf32, #tpu.memory_space<vmem_shared>>
        tpu.enqueue_dma source(%dma_start3A_21 : memref<1000x128xf32, #tpu.memory_space<vmem_shared>>) target(%dma_start3A_19 : memref<1000x128xf32, #tpu.memory_space<hbm>>) target_semaphore(%run_scoped3A : memref<!tpu.dma_semaphore, #tpu.memory_space<semaphore_mem>>)
        %dma_wait3A = arith.constant 0 : i32
        %dma_wait3A_22 = tpu.memref_slice %arg7[%arg0, %mul3A_17, %dma_wait3A] : memref<2x10000x128xf32, #tpu.memory_space<hbm>> -> memref<1x1000x128xf32, #tpu.memory_space<hbm>>
        %dma_wait3A_23 = tpu.memref_squeeze %dma_wait3A_22 : memref<1x1000x128xf32, #tpu.memory_space<hbm>> -> memref<1000x128xf32, #tpu.memory_space<hbm>>
        %dma_wait3A_24 = arith.constant 0 : i32
        %dma_wait3A_25 = tpu.memref_slice %arg12[%mul3A_15, %dma_wait3A_24] : memref<10000x128xf32, #tpu.memory_space<vmem_shared>> -> memref<1000x128xf32, #tpu.memory_space<vmem_shared>>
        tpu.wait_dma2 semaphore(%run_scoped3A : memref<!tpu.dma_semaphore, #tpu.memory_space<semaphore_mem>>) src(%dma_wait3A_25 : memref<1000x128xf32, #tpu.memory_space<vmem_shared>>) dst(%dma_wait3A_23 : memref<1000x128xf32, #tpu.memory_space<hbm>>)
        tpu.yield
      }) : () -> ()
    } else {
    }
    return
  }
}

module attributes {stable_mosaic.version = 14 : i64} {
  func.func @tc_x0(%arg0: i32, %arg1: memref<1x1x1000xi32, #tpu.memory_space<vmem>>, %arg2: memref<100x128xf32, #tpu.memory_space<vmem>>, %arg3: memref<128x128xf32, #tpu.memory_space<vmem>>, %arg4: memref<1x128xf32, #tpu.memory_space<vmem>>, %arg5: memref<1000x128xf32, #tpu.memory_space<vmem>>, %arg6: memref<1000x128xf32, #tpu.memory_space<vmem>>) attributes {dimension_semantics = [#tpu.dimension_semantics<arbitrary>], iteration_bounds = array<i64: 10>, scalar_prefetch = 0 : i64, scratch_operands = 0 : i64, tpu.core_type = #tpu.core_type<tc>, window_params = [{transform_indices = @transform_0, window_bounds = array<i64: 1, 1, 1000>}, {pipeline_mode = #tpu.pipeline_mode<synchronous>, transform_indices = @transform_1, window_bounds = array<i64: 100, 128>}, {pipeline_mode = #tpu.pipeline_mode<synchronous>, transform_indices = @transform_2, window_bounds = array<i64: 128, 128>}, {pipeline_mode = #tpu.pipeline_mode<synchronous>, transform_indices = @transform_3, window_bounds = array<i64: 1, 128>}, {transform_indices = @transform_4, window_bounds = array<i64: 1000, 128>}, {transform_indices = @transform_5, window_bounds = array<i64: 1000, 128>}]} {
    %get3A = arith.constant 0 : index
    %get3A_0 = arith.constant 0 : index
    %get3A_1 = arith.constant 0 : index
    %get3A_2 = vector.load %arg1[%get3A, %get3A_0, %get3A_1] : memref<1x1x1000xi32, #tpu.memory_space<vmem>>, vector<1x1x1000xi32>
    %get3A_3 = vector.shape_cast %get3A_2 : vector<1x1x1000xi32> to vector<1x1000xi32>
    %iota3A = tpu.iota {dimensions = array<i32: 0>} : vector<100x1xi32>
    %eq3A = vector.broadcast %get3A_3 : vector<1x1000xi32> to vector<100x1000xi32>
    %eq3A_4 = vector.broadcast %iota3A : vector<100x1xi32> to vector<100x1000xi32>
    %eq3A_5 = arith.cmpi eq, %eq3A, %eq3A_4 : vector<100x1000xi32>
    %convert_element_type3A = arith.extui %eq3A_5 : vector<100x1000xi1> to vector<100x1000xi32>
    %convert_element_type3A_6 = arith.sitofp %convert_element_type3A : vector<100x1000xi32> to vector<100x1000xf32>
    %get3A_7 = arith.constant 0 : index
    %get3A_8 = arith.constant 0 : index
    %get3A_9 = vector.load %arg2[%get3A_7, %get3A_8] : memref<100x128xf32, #tpu.memory_space<vmem>>, vector<100x128xf32>
    %dot_general3A = arith.constant dense<0.000000e+00> : vector<1000x128xf32>
    %dot_general3A_10 = tpu.matmul %convert_element_type3A_6, %get3A_9, %dot_general3A {dimension_numbers = #tpu.dot_dimension_numbers<[0], [0], [1], [1], [0, 1, 1, 1], [], []>, precision = #tpu.contract_precision<fp32>, transpose_lhs_hint = false} : vector<100x1000xf32>, vector<100x128xf32>, vector<1000x128xf32> -> vector<1000x128xf32>
    %swap3A = arith.constant 0 : index
    %swap3A_11 = arith.constant 0 : index
    %swap3A_12 = vector.load %arg5[%swap3A, %swap3A_11] : memref<1000x128xf32, #tpu.memory_space<vmem>>, vector<1000x128xf32>
    tpu.vector_store %arg5[%swap3A, %swap3A_11], %dot_general3A_10 {strides = array<i32>} : memref<1000x128xf32, #tpu.memory_space<vmem>>, vector<1000x128xf32>,
    %get3A_13 = arith.constant 0 : index
    %get3A_14 = arith.constant 0 : index
    %get3A_15 = vector.load %arg3[%get3A_13, %get3A_14] : memref<128x128xf32, #tpu.memory_space<vmem>>, vector<128x128xf32>
    %convert_element_type3A_16 = arith.truncf %dot_general3A_10 : vector<1000x128xf32> to vector<1000x128xbf16>
    %convert_element_type3A_17 = arith.truncf %get3A_15 : vector<128x128xf32> to vector<128x128xbf16>
    %dot_general3A_18 = arith.constant dense<0.000000e+00> : vector<1000x128xf32>
    %dot_general3A_19 = tpu.matmul %convert_element_type3A_16, %convert_element_type3A_17, %dot_general3A_18 {dimension_numbers = #tpu.dot_dimension_numbers<[1], [0], [0], [1], [0, 0, 1, 1], [], []>, transpose_lhs_hint = false} : vector<1000x128xbf16>, vector<128x128xbf16>, vector<1000x128xf32> -> vector<1000x128xf32>
    %get3A_20 = arith.constant 0 : index
    %get3A_21 = arith.constant 0 : index
    %get3A_22 = vector.load %arg4[%get3A_20, %get3A_21] : memref<1x128xf32, #tpu.memory_space<vmem>>, vector<1x128xf32>
    %add3A = vector.broadcast %get3A_22 : vector<1x128xf32> to vector<1000x128xf32>
    %add3A_23 = arith.addf %dot_general3A_19, %add3A : vector<1000x128xf32>
    %swap3A_24 = arith.constant 0 : index
    %swap3A_25 = arith.constant 0 : index
    %swap3A_26 = vector.load %arg6[%swap3A_24, %swap3A_25] : memref<1000x128xf32, #tpu.memory_space<vmem>>, vector<1000x128xf32>
    tpu.vector_store %arg6[%swap3A_24, %swap3A_25], %add3A_23 {strides = array<i32>} : memref<1000x128xf32, #tpu.memory_space<vmem>>, vector<1000x128xf32>,
    return
  }
  func.func @transform_0(%arg0: i32) -> (i32, i32, i32) {
    %c0_i32 = arith.constant 0 : i32
    %c0_i32_0 = arith.constant 0 : i32
    %c0_i32_1 = arith.constant 0 : i32
    return %arg0, %c0_i32, %c0_i32_0 : i32, i32, i32
  }
  func.func @transform_1(%arg0: i32) -> (i32, i32) {
    %c0_i32 = arith.constant 0 : i32
    %c0_i32_0 = arith.constant 0 : i32
    %c0_i32_1 = arith.constant 0 : i32
    return %c0_i32, %c0_i32_0 : i32, i32
  }
  func.func @transform_2(%arg0: i32) -> (i32, i32) {
    %c0_i32 = arith.constant 0 : i32
    %c0_i32_0 = arith.constant 0 : i32
    %c0_i32_1 = arith.constant 0 : i32
    return %c0_i32, %c0_i32_0 : i32, i32
  }
  func.func @transform_3(%arg0: i32) -> (i32, i32) {
    %c0_i32 = arith.constant 0 : i32
    %c0_i32_0 = arith.constant 0 : i32
    %c0_i32_1 = arith.constant 0 : i32
    return %c0_i32, %c0_i32_0 : i32, i32
  }
  func.func @transform_4(%arg0: i32) -> (i32, i32) {
    %c0_i32 = arith.constant 0 : i32
    %c0_i32_0 = arith.constant 0 : i32
    return %arg0, %c0_i32 : i32, i32
  }
  func.func @transform_5(%arg0: i32) -> (i32, i32) {
    %c0_i32 = arith.constant 0 : i32
    %c0_i32_0 = arith.constant 0 : i32
    return %arg0, %c0_i32 : i32, i32
  }
}

module attributes {stable_mosaic.version = 14 : i64} {
  func.func @tc_filters0(%arg0: i32, %arg1: memref<1x1x2000xf32, #tpu.memory_space<vmem>>, %arg2: memref<1x64x128xf32, #tpu.memory_space<vmem>>, %arg3: memref<1x1x128xf32, #tpu.memory_space<vmem>>, %arg4: memref<1x128x128xf32, #tpu.memory_space<vmem>>, %arg5: memref<1x1x128xf32, #tpu.memory_space<vmem>>, %arg6: memref<2000x128xf32, #tpu.memory_space<vmem>>) attributes {dimension_semantics = [#tpu.dimension_semantics<arbitrary>], iteration_bounds = array<i64: 160>, scalar_prefetch = 0 : i64, scratch_operands = 0 : i64, tpu.core_type = #tpu.core_type<tc>, window_params = [{transform_indices = @transform_0, window_bounds = array<i64: 1, 1, 2000>}, {pipeline_mode = #tpu.pipeline_mode<synchronous>, transform_indices = @transform_1, window_bounds = array<i64: 1, 64, 128>}, {pipeline_mode = #tpu.pipeline_mode<synchronous>, transform_indices = @transform_2, window_bounds = array<i64: 1, 1, 128>}, {pipeline_mode = #tpu.pipeline_mode<synchronous>, transform_indices = @transform_3, window_bounds = array<i64: 1, 128, 128>}, {pipeline_mode = #tpu.pipeline_mode<synchronous>, transform_indices = @transform_4, window_bounds = array<i64: 1, 1, 128>}, {transform_indices = @transform_5, window_bounds = array<i64: 2000, 128>}]} {
    %get3A = arith.constant 0 : index
    %get3A_0 = arith.constant 0 : index
    %get3A_1 = arith.constant 0 : index
    %get3A_2 = vector.load %arg1[%get3A, %get3A_0, %get3A_1] : memref<1x1x2000xf32, #tpu.memory_space<vmem>>, vector<1x1x2000xf32>
    %get3A_3 = vector.shape_cast %get3A_2 : vector<1x1x2000xf32> to vector<1x2000xf32>
    %add3A = arith.constant 9.99999996E-13 : f32
    %add3A_4 = vector.broadcast %add3A : f32 to vector<1x2000xf32>
    %add3A_5 = arith.addf %get3A_3, %add3A_4 : vector<1x2000xf32>
    %sqrt3A = math.sqrt %add3A_5 : vector<1x2000xf32>
    %jit3A = arith.constant 0.000000e+00 : f32
    %jit3A_6 = arith.constant 1.000000e+01 : f32
    %max3A = vector.broadcast %jit3A : f32 to vector<1x2000xf32>
    %max3A_7 = arith.maximumf %max3A, %sqrt3A : vector<1x2000xf32>
    %min3A = vector.broadcast %jit3A_6 : f32 to vector<1x2000xf32>
    %min3A_8 = arith.minimumf %min3A, %max3A_7 : vector<1x2000xf32>
    %mul3A = arith.constant 3.14159274 : f32
    %mul3A_9 = vector.broadcast %mul3A : f32 to vector<1x2000xf32>
    %mul3A_10 = arith.mulf %mul3A_9, %min3A_8 : vector<1x2000xf32>
    %div3A = arith.constant 1.000000e+01 : f32
    %div3A_11 = vector.broadcast %div3A : f32 to vector<1x2000xf32>
    %div3A_12 = arith.divf %mul3A_10, %div3A_11 : vector<1x2000xf32>
    %cos3A = math.cos %div3A_12 : vector<1x2000xf32>
    %add3A_13 = arith.constant 1.000000e+00 : f32
    %add3A_14 = vector.broadcast %add3A_13 : f32 to vector<1x2000xf32>
    %add3A_15 = arith.addf %cos3A, %add3A_14 : vector<1x2000xf32>
    %mul3A_16 = arith.constant 5.000000e-01 : f32
    %mul3A_17 = vector.broadcast %mul3A_16 : f32 to vector<1x2000xf32>
    %mul3A_18 = arith.mulf %mul3A_17, %add3A_15 : vector<1x2000xf32>
    %broadcast_in_dim3A = arith.constant 1.000000e+00 : f32
    %broadcast_in_dim3A_19 = vector.broadcast %broadcast_in_dim3A : f32 to vector<1x64xf32>
    %broadcast_in_dim3A_20 = arith.constant 1.000000e+00 : f32
    %broadcast_in_dim3A_21 = vector.broadcast %broadcast_in_dim3A_20 : f32 to vector<1x128xf32>
    %dot_general3A = arith.constant dense<0.000000e+00> : vector<2000x64xf32>
    %dot_general3A_22 = tpu.matmul %sqrt3A, %broadcast_in_dim3A_19, %dot_general3A {dimension_numbers = #tpu.dot_dimension_numbers<[0], [0], [1], [1], [0, 1, 1, 1], [], []>, precision = #tpu.contract_precision<fp32>, transpose_lhs_hint = false} : vector<1x2000xf32>, vector<1x64xf32>, vector<2000x64xf32> -> vector<2000x64xf32>
    %dot_general3A_23 = arith.constant dense<0.000000e+00> : vector<2000x128xf32>
    %dot_general3A_24 = tpu.matmul %mul3A_18, %broadcast_in_dim3A_21, %dot_general3A_23 {dimension_numbers = #tpu.dot_dimension_numbers<[0], [0], [1], [1], [0, 1, 1, 1], [], []>, precision = #tpu.contract_precision<fp32>, transpose_lhs_hint = false} : vector<1x2000xf32>, vector<1x128xf32>, vector<2000x128xf32> -> vector<2000x128xf32>
    %iota3A = tpu.iota {dimensions = array<i32: 1>} : vector<1x64xi32>
    %convert_element_type3A = arith.sitofp %iota3A : vector<1x64xi32> to vector<1x64xf32>
    %mul3A_25 = arith.constant 0.158730164 : f32
    %mul3A_26 = vector.broadcast %mul3A_25 : f32 to vector<1x64xf32>
    %mul3A_27 = arith.mulf %convert_element_type3A, %mul3A_26 : vector<1x64xf32>
    %sub3A = vector.broadcast %mul3A_27 : vector<1x64xf32> to vector<2000x64xf32>
    %sub3A_28 = arith.subf %dot_general3A_22, %sub3A : vector<2000x64xf32>
    %integer_pow3A = arith.mulf %sub3A_28, %sub3A_28 : vector<2000x64xf32>
    %mul3A_29 = arith.constant -1.000000e+00 : f32
    %mul3A_30 = vector.broadcast %mul3A_29 : f32 to vector<2000x64xf32>
    %mul3A_31 = arith.mulf %mul3A_30, %integer_pow3A : vector<2000x64xf32>
    %exp3A = math.exp %mul3A_31 : vector<2000x64xf32>
    %get3A_32 = arith.constant 0 : index
    %get3A_33 = arith.constant 0 : index
    %get3A_34 = arith.constant 0 : index
    %get3A_35 = vector.load %arg2[%get3A_32, %get3A_33, %get3A_34] : memref<1x64x128xf32, #tpu.memory_space<vmem>>, vector<1x64x128xf32>
    %get3A_36 = vector.shape_cast %get3A_35 : vector<1x64x128xf32> to vector<64x128xf32>
    %convert_element_type3A_37 = arith.truncf %exp3A : vector<2000x64xf32> to vector<2000x64xbf16>
    %convert_element_type3A_38 = arith.truncf %get3A_36 : vector<64x128xf32> to vector<64x128xbf16>
    %dot_general3A_39 = arith.constant dense<0.000000e+00> : vector<2000x128xf32>
    %dot_general3A_40 = tpu.matmul %convert_element_type3A_37, %convert_element_type3A_38, %dot_general3A_39 {dimension_numbers = #tpu.dot_dimension_numbers<[1], [0], [0], [1], [0, 0, 1, 1], [], []>, transpose_lhs_hint = false} : vector<2000x64xbf16>, vector<64x128xbf16>, vector<2000x128xf32> -> vector<2000x128xf32>
    %get3A_41 = arith.constant 0 : index
    %get3A_42 = arith.constant 0 : index
    %get3A_43 = arith.constant 0 : index
    %get3A_44 = vector.load %arg3[%get3A_41, %get3A_42, %get3A_43] : memref<1x1x128xf32, #tpu.memory_space<vmem>>, vector<1x1x128xf32>
    %get3A_45 = vector.shape_cast %get3A_44 : vector<1x1x128xf32> to vector<1x128xf32>
    %add3A_46 = vector.broadcast %get3A_45 : vector<1x128xf32> to vector<2000x128xf32>
    %add3A_47 = arith.addf %dot_general3A_40, %add3A_46 : vector<2000x128xf32>
    %max3A_48 = arith.constant 0.000000e+00 : f32
    %max3A_49 = vector.broadcast %max3A_48 : f32 to vector<2000x128xf32>
    %max3A_50 = arith.maximumf %add3A_47, %max3A_49 : vector<2000x128xf32>
    %abs3A = math.absf %add3A_47 : vector<2000x128xf32>
    %neg3A = arith.constant 0.000000e+00 : f32
    %neg3A_51 = vector.broadcast %neg3A : f32 to vector<2000x128xf32>
    %neg3A_52 = arith.subf %neg3A_51, %abs3A : vector<2000x128xf32>
    %exp3A_53 = math.exp %neg3A_52 : vector<2000x128xf32>
    %add3A_54 = arith.constant 1.000000e+00 : f32
    %add3A_55 = vector.broadcast %add3A_54 : f32 to vector<2000x128xf32>
    %add3A_56 = arith.addf %add3A_55, %exp3A_53 : vector<2000x128xf32>
    %log3A = math.log %add3A_56 : vector<2000x128xf32>
    %add3A_57 = arith.addf %max3A_50, %log3A : vector<2000x128xf32>
    %sub3A_58 = arith.constant 0.693147182 : f32
    %sub3A_59 = vector.broadcast %sub3A_58 : f32 to vector<2000x128xf32>
    %sub3A_60 = arith.subf %add3A_57, %sub3A_59 : vector<2000x128xf32>
    %get3A_61 = arith.constant 0 : index
    %get3A_62 = arith.constant 0 : index
    %get3A_63 = arith.constant 0 : index
    %get3A_64 = vector.load %arg4[%get3A_61, %get3A_62, %get3A_63] : memref<1x128x128xf32, #tpu.memory_space<vmem>>, vector<1x128x128xf32>
    %get3A_65 = vector.shape_cast %get3A_64 : vector<1x128x128xf32> to vector<128x128xf32>
    %convert_element_type3A_66 = arith.truncf %sub3A_60 : vector<2000x128xf32> to vector<2000x128xbf16>
    %convert_element_type3A_67 = arith.truncf %get3A_65 : vector<128x128xf32> to vector<128x128xbf16>
    %dot_general3A_68 = arith.constant dense<0.000000e+00> : vector<2000x128xf32>
    %dot_general3A_69 = tpu.matmul %convert_element_type3A_66, %convert_element_type3A_67, %dot_general3A_68 {dimension_numbers = #tpu.dot_dimension_numbers<[1], [0], [0], [1], [0, 0, 1, 1], [], []>, transpose_lhs_hint = false} : vector<2000x128xbf16>, vector<128x128xbf16>, vector<2000x128xf32> -> vector<2000x128xf32>
    %get3A_70 = arith.constant 0 : index
    %get3A_71 = arith.constant 0 : index
    %get3A_72 = arith.constant 0 : index
    %get3A_73 = vector.load %arg5[%get3A_70, %get3A_71, %get3A_72] : memref<1x1x128xf32, #tpu.memory_space<vmem>>, vector<1x1x128xf32>
    %get3A_74 = vector.shape_cast %get3A_73 : vector<1x1x128xf32> to vector<1x128xf32>
    %add3A_75 = vector.broadcast %get3A_74 : vector<1x128xf32> to vector<2000x128xf32>
    %add3A_76 = arith.addf %dot_general3A_69, %add3A_75 : vector<2000x128xf32>
    %mul3A_77 = arith.mulf %add3A_76, %dot_general3A_24 : vector<2000x128xf32>
    %swap3A = arith.constant 0 : index
    %swap3A_78 = arith.constant 0 : index
    %swap3A_79 = vector.load %arg6[%swap3A, %swap3A_78] : memref<2000x128xf32, #tpu.memory_space<vmem>>, vector<2000x128xf32>
    tpu.vector_store %arg6[%swap3A, %swap3A_78], %mul3A_77 {strides = array<i32>} : memref<2000x128xf32, #tpu.memory_space<vmem>>, vector<2000x128xf32>,
    return
  }
  func.func @transform_0(%arg0: i32) -> (i32, i32, i32) {
    %c0_i32 = arith.constant 0 : i32
    %c0_i32_0 = arith.constant 0 : i32
    %c0_i32_1 = arith.constant 0 : i32
    return %arg0, %c0_i32, %c0_i32_0 : i32, i32, i32
  }
  func.func @transform_1(%arg0: i32) -> (i32, i32, i32) {
    %c0_i32 = arith.constant 0 : i32
    %c0_i32_0 = arith.constant 0 : i32
    %c0_i32_1 = arith.constant 0 : i32
    %c0_i32_2 = arith.constant 0 : i32
    return %c0_i32, %c0_i32_0, %c0_i32_1 : i32, i32, i32
  }
  func.func @transform_2(%arg0: i32) -> (i32, i32, i32) {
    %c0_i32 = arith.constant 0 : i32
    %c0_i32_0 = arith.constant 0 : i32
    %c0_i32_1 = arith.constant 0 : i32
    %c0_i32_2 = arith.constant 0 : i32
    return %c0_i32, %c0_i32_0, %c0_i32_1 : i32, i32, i32
  }
  func.func @transform_3(%arg0: i32) -> (i32, i32, i32) {
    %c0_i32 = arith.constant 0 : i32
    %c0_i32_0 = arith.constant 0 : i32
    %c0_i32_1 = arith.constant 0 : i32
    %c0_i32_2 = arith.constant 0 : i32
    return %c0_i32, %c0_i32_0, %c0_i32_1 : i32, i32, i32
  }
  func.func @transform_4(%arg0: i32) -> (i32, i32, i32) {
    %c0_i32 = arith.constant 0 : i32
    %c0_i32_0 = arith.constant 0 : i32
    %c0_i32_1 = arith.constant 0 : i32
    %c0_i32_2 = arith.constant 0 : i32
    return %c0_i32, %c0_i32_0, %c0_i32_1 : i32, i32, i32
  }
  func.func @transform_5(%arg0: i32) -> (i32, i32) {
    %c0_i32 = arith.constant 0 : i32
    %c0_i32_0 = arith.constant 0 : i32
    return %arg0, %c0_i32 : i32, i32
  }
}

module attributes {stable_mosaic.version = 14 : i64} {
  func.func @tc_filters12(%arg0: i32, %arg1: memref<1x1x2000xf32, #tpu.memory_space<vmem>>, %arg2: memref<2x64x128xf32, #tpu.memory_space<vmem>>, %arg3: memref<2x1x128xf32, #tpu.memory_space<vmem>>, %arg4: memref<2x128x128xf32, #tpu.memory_space<vmem>>, %arg5: memref<2x1x128xf32, #tpu.memory_space<vmem>>, %arg6: memref<2000x128xf32, #tpu.memory_space<vmem>>, %arg7: memref<2000x128xf32, #tpu.memory_space<vmem>>) attributes {dimension_semantics = [#tpu.dimension_semantics<arbitrary>], iteration_bounds = array<i64: 160>, scalar_prefetch = 0 : i64, scratch_operands = 0 : i64, tpu.core_type = #tpu.core_type<tc>, window_params = [{transform_indices = @transform_0, window_bounds = array<i64: 1, 1, 2000>}, {pipeline_mode = #tpu.pipeline_mode<synchronous>, transform_indices = @transform_1, window_bounds = array<i64: 2, 64, 128>}, {pipeline_mode = #tpu.pipeline_mode<synchronous>, transform_indices = @transform_2, window_bounds = array<i64: 2, 1, 128>}, {pipeline_mode = #tpu.pipeline_mode<synchronous>, transform_indices = @transform_3, window_bounds = array<i64: 2, 128, 128>}, {pipeline_mode = #tpu.pipeline_mode<synchronous>, transform_indices = @transform_4, window_bounds = array<i64: 2, 1, 128>}, {transform_indices = @transform_5, window_bounds = array<i64: 2000, 128>}, {transform_indices = @transform_6, window_bounds = array<i64: 2000, 128>}]} {
    %get3A = arith.constant 0 : index
    %get3A_0 = arith.constant 0 : index
    %get3A_1 = arith.constant 0 : index
    %get3A_2 = vector.load %arg1[%get3A, %get3A_0, %get3A_1] : memref<1x1x2000xf32, #tpu.memory_space<vmem>>, vector<1x1x2000xf32>
    %get3A_3 = vector.shape_cast %get3A_2 : vector<1x1x2000xf32> to vector<1x2000xf32>
    %add3A = arith.constant 9.99999996E-13 : f32
    %add3A_4 = vector.broadcast %add3A : f32 to vector<1x2000xf32>
    %add3A_5 = arith.addf %get3A_3, %add3A_4 : vector<1x2000xf32>
    %sqrt3A = math.sqrt %add3A_5 : vector<1x2000xf32>
    %jit3A = arith.constant 0.000000e+00 : f32
    %jit3A_6 = arith.constant 1.000000e+01 : f32
    %max3A = vector.broadcast %jit3A : f32 to vector<1x2000xf32>
    %max3A_7 = arith.maximumf %max3A, %sqrt3A : vector<1x2000xf32>
    %min3A = vector.broadcast %jit3A_6 : f32 to vector<1x2000xf32>
    %min3A_8 = arith.minimumf %min3A, %max3A_7 : vector<1x2000xf32>
    %mul3A = arith.constant 3.14159274 : f32
    %mul3A_9 = vector.broadcast %mul3A : f32 to vector<1x2000xf32>
    %mul3A_10 = arith.mulf %mul3A_9, %min3A_8 : vector<1x2000xf32>
    %div3A = arith.constant 1.000000e+01 : f32
    %div3A_11 = vector.broadcast %div3A : f32 to vector<1x2000xf32>
    %div3A_12 = arith.divf %mul3A_10, %div3A_11 : vector<1x2000xf32>
    %cos3A = math.cos %div3A_12 : vector<1x2000xf32>
    %add3A_13 = arith.constant 1.000000e+00 : f32
    %add3A_14 = vector.broadcast %add3A_13 : f32 to vector<1x2000xf32>
    %add3A_15 = arith.addf %cos3A, %add3A_14 : vector<1x2000xf32>
    %mul3A_16 = arith.constant 5.000000e-01 : f32
    %mul3A_17 = vector.broadcast %mul3A_16 : f32 to vector<1x2000xf32>
    %mul3A_18 = arith.mulf %mul3A_17, %add3A_15 : vector<1x2000xf32>
    %broadcast_in_dim3A = arith.constant 1.000000e+00 : f32
    %broadcast_in_dim3A_19 = vector.broadcast %broadcast_in_dim3A : f32 to vector<1x64xf32>
    %broadcast_in_dim3A_20 = arith.constant 1.000000e+00 : f32
    %broadcast_in_dim3A_21 = vector.broadcast %broadcast_in_dim3A_20 : f32 to vector<1x128xf32>
    %dot_general3A = arith.constant dense<0.000000e+00> : vector<2000x64xf32>
    %dot_general3A_22 = tpu.matmul %sqrt3A, %broadcast_in_dim3A_19, %dot_general3A {dimension_numbers = #tpu.dot_dimension_numbers<[0], [0], [1], [1], [0, 1, 1, 1], [], []>, precision = #tpu.contract_precision<fp32>, transpose_lhs_hint = false} : vector<1x2000xf32>, vector<1x64xf32>, vector<2000x64xf32> -> vector<2000x64xf32>
    %dot_general3A_23 = arith.constant dense<0.000000e+00> : vector<2000x128xf32>
    %dot_general3A_24 = tpu.matmul %mul3A_18, %broadcast_in_dim3A_21, %dot_general3A_23 {dimension_numbers = #tpu.dot_dimension_numbers<[0], [0], [1], [1], [0, 1, 1, 1], [], []>, precision = #tpu.contract_precision<fp32>, transpose_lhs_hint = false} : vector<1x2000xf32>, vector<1x128xf32>, vector<2000x128xf32> -> vector<2000x128xf32>
    %iota3A = tpu.iota {dimensions = array<i32: 1>} : vector<1x64xi32>
    %convert_element_type3A = arith.sitofp %iota3A : vector<1x64xi32> to vector<1x64xf32>
    %mul3A_25 = arith.constant 0.158730164 : f32
    %mul3A_26 = vector.broadcast %mul3A_25 : f32 to vector<1x64xf32>
    %mul3A_27 = arith.mulf %convert_element_type3A, %mul3A_26 : vector<1x64xf32>
    %sub3A = vector.broadcast %mul3A_27 : vector<1x64xf32> to vector<2000x64xf32>
    %sub3A_28 = arith.subf %dot_general3A_22, %sub3A : vector<2000x64xf32>
    %integer_pow3A = arith.mulf %sub3A_28, %sub3A_28 : vector<2000x64xf32>
    %mul3A_29 = arith.constant -1.000000e+00 : f32
    %mul3A_30 = vector.broadcast %mul3A_29 : f32 to vector<2000x64xf32>
    %mul3A_31 = arith.mulf %mul3A_30, %integer_pow3A : vector<2000x64xf32>
    %exp3A = math.exp %mul3A_31 : vector<2000x64xf32>
    %get3A_32 = arith.constant 0 : index
    %get3A_33 = arith.constant 0 : index
    %get3A_34 = arith.constant 0 : index
    %get3A_35 = vector.load %arg2[%get3A_32, %get3A_33, %get3A_34] : memref<2x64x128xf32, #tpu.memory_space<vmem>>, vector<1x64x128xf32>
    %get3A_36 = vector.shape_cast %get3A_35 : vector<1x64x128xf32> to vector<64x128xf32>
    %convert_element_type3A_37 = arith.truncf %exp3A : vector<2000x64xf32> to vector<2000x64xbf16>
    %convert_element_type3A_38 = arith.truncf %get3A_36 : vector<64x128xf32> to vector<64x128xbf16>
    %dot_general3A_39 = arith.constant dense<0.000000e+00> : vector<2000x128xf32>
    %dot_general3A_40 = tpu.matmul %convert_element_type3A_37, %convert_element_type3A_38, %dot_general3A_39 {dimension_numbers = #tpu.dot_dimension_numbers<[1], [0], [0], [1], [0, 0, 1, 1], [], []>, transpose_lhs_hint = false} : vector<2000x64xbf16>, vector<64x128xbf16>, vector<2000x128xf32> -> vector<2000x128xf32>
    %get3A_41 = arith.constant 0 : index
    %get3A_42 = arith.constant 0 : index
    %get3A_43 = arith.constant 0 : index
    %get3A_44 = vector.load %arg3[%get3A_41, %get3A_42, %get3A_43] : memref<2x1x128xf32, #tpu.memory_space<vmem>>, vector<1x1x128xf32>
    %get3A_45 = vector.shape_cast %get3A_44 : vector<1x1x128xf32> to vector<1x128xf32>
    %add3A_46 = vector.broadcast %get3A_45 : vector<1x128xf32> to vector<2000x128xf32>
    %add3A_47 = arith.addf %dot_general3A_40, %add3A_46 : vector<2000x128xf32>
    %max3A_48 = arith.constant 0.000000e+00 : f32
    %max3A_49 = vector.broadcast %max3A_48 : f32 to vector<2000x128xf32>
    %max3A_50 = arith.maximumf %add3A_47, %max3A_49 : vector<2000x128xf32>
    %abs3A = math.absf %add3A_47 : vector<2000x128xf32>
    %neg3A = arith.constant 0.000000e+00 : f32
    %neg3A_51 = vector.broadcast %neg3A : f32 to vector<2000x128xf32>
    %neg3A_52 = arith.subf %neg3A_51, %abs3A : vector<2000x128xf32>
    %exp3A_53 = math.exp %neg3A_52 : vector<2000x128xf32>
    %add3A_54 = arith.constant 1.000000e+00 : f32
    %add3A_55 = vector.broadcast %add3A_54 : f32 to vector<2000x128xf32>
    %add3A_56 = arith.addf %add3A_55, %exp3A_53 : vector<2000x128xf32>
    %log3A = math.log %add3A_56 : vector<2000x128xf32>
    %add3A_57 = arith.addf %max3A_50, %log3A : vector<2000x128xf32>
    %sub3A_58 = arith.constant 0.693147182 : f32
    %sub3A_59 = vector.broadcast %sub3A_58 : f32 to vector<2000x128xf32>
    %sub3A_60 = arith.subf %add3A_57, %sub3A_59 : vector<2000x128xf32>
    %get3A_61 = arith.constant 0 : index
    %get3A_62 = arith.constant 0 : index
    %get3A_63 = arith.constant 0 : index
    %get3A_64 = vector.load %arg4[%get3A_61, %get3A_62, %get3A_63] : memref<2x128x128xf32, #tpu.memory_space<vmem>>, vector<1x128x128xf32>
    %get3A_65 = vector.shape_cast %get3A_64 : vector<1x128x128xf32> to vector<128x128xf32>
    %convert_element_type3A_66 = arith.truncf %sub3A_60 : vector<2000x128xf32> to vector<2000x128xbf16>
    %convert_element_type3A_67 = arith.truncf %get3A_65 : vector<128x128xf32> to vector<128x128xbf16>
    %dot_general3A_68 = arith.constant dense<0.000000e+00> : vector<2000x128xf32>
    %dot_general3A_69 = tpu.matmul %convert_element_type3A_66, %convert_element_type3A_67, %dot_general3A_68 {dimension_numbers = #tpu.dot_dimension_numbers<[1], [0], [0], [1], [0, 0, 1, 1], [], []>, transpose_lhs_hint = false} : vector<2000x128xbf16>, vector<128x128xbf16>, vector<2000x128xf32> -> vector<2000x128xf32>
    %get3A_70 = arith.constant 0 : index
    %get3A_71 = arith.constant 0 : index
    %get3A_72 = arith.constant 0 : index
    %get3A_73 = vector.load %arg5[%get3A_70, %get3A_71, %get3A_72] : memref<2x1x128xf32, #tpu.memory_space<vmem>>, vector<1x1x128xf32>
    %get3A_74 = vector.shape_cast %get3A_73 : vector<1x1x128xf32> to vector<1x128xf32>
    %add3A_75 = vector.broadcast %get3A_74 : vector<1x128xf32> to vector<2000x128xf32>
    %add3A_76 = arith.addf %dot_general3A_69, %add3A_75 : vector<2000x128xf32>
    %mul3A_77 = arith.mulf %add3A_76, %dot_general3A_24 : vector<2000x128xf32>
    %swap3A = arith.constant 0 : index
    %swap3A_78 = arith.constant 0 : index
    %swap3A_79 = vector.load %arg6[%swap3A, %swap3A_78] : memref<2000x128xf32, #tpu.memory_space<vmem>>, vector<2000x128xf32>
    tpu.vector_store %arg6[%swap3A, %swap3A_78], %mul3A_77 {strides = array<i32>} : memref<2000x128xf32, #tpu.memory_space<vmem>>, vector<2000x128xf32>,
    %get3A_80 = arith.constant 1 : index
    %get3A_81 = arith.constant 0 : index
    %get3A_82 = arith.constant 0 : index
    %get3A_83 = vector.load %arg2[%get3A_80, %get3A_81, %get3A_82] : memref<2x64x128xf32, #tpu.memory_space<vmem>>, vector<1x64x128xf32>
    %get3A_84 = vector.shape_cast %get3A_83 : vector<1x64x128xf32> to vector<64x128xf32>
    %convert_element_type3A_85 = arith.truncf %exp3A : vector<2000x64xf32> to vector<2000x64xbf16>
    %convert_element_type3A_86 = arith.truncf %get3A_84 : vector<64x128xf32> to vector<64x128xbf16>
    %dot_general3A_87 = arith.constant dense<0.000000e+00> : vector<2000x128xf32>
    %dot_general3A_88 = tpu.matmul %convert_element_type3A_85, %convert_element_type3A_86, %dot_general3A_87 {dimension_numbers = #tpu.dot_dimension_numbers<[1], [0], [0], [1], [0, 0, 1, 1], [], []>, transpose_lhs_hint = false} : vector<2000x64xbf16>, vector<64x128xbf16>, vector<2000x128xf32> -> vector<2000x128xf32>
    %get3A_89 = arith.constant 1 : index
    %get3A_90 = arith.constant 0 : index
    %get3A_91 = arith.constant 0 : index
    %get3A_92 = vector.load %arg3[%get3A_89, %get3A_90, %get3A_91] : memref<2x1x128xf32, #tpu.memory_space<vmem>>, vector<1x1x128xf32>
    %get3A_93 = vector.shape_cast %get3A_92 : vector<1x1x128xf32> to vector<1x128xf32>
    %add3A_94 = vector.broadcast %get3A_93 : vector<1x128xf32> to vector<2000x128xf32>
    %add3A_95 = arith.addf %dot_general3A_88, %add3A_94 : vector<2000x128xf32>
    %max3A_96 = arith.constant 0.000000e+00 : f32
    %max3A_97 = vector.broadcast %max3A_96 : f32 to vector<2000x128xf32>
    %max3A_98 = arith.maximumf %add3A_95, %max3A_97 : vector<2000x128xf32>
    %abs3A_99 = math.absf %add3A_95 : vector<2000x128xf32>
    %neg3A_100 = arith.constant 0.000000e+00 : f32
    %neg3A_101 = vector.broadcast %neg3A_100 : f32 to vector<2000x128xf32>
    %neg3A_102 = arith.subf %neg3A_101, %abs3A_99 : vector<2000x128xf32>
    %exp3A_103 = math.exp %neg3A_102 : vector<2000x128xf32>
    %add3A_104 = arith.constant 1.000000e+00 : f32
    %add3A_105 = vector.broadcast %add3A_104 : f32 to vector<2000x128xf32>
    %add3A_106 = arith.addf %add3A_105, %exp3A_103 : vector<2000x128xf32>
    %log3A_107 = math.log %add3A_106 : vector<2000x128xf32>
    %add3A_108 = arith.addf %max3A_98, %log3A_107 : vector<2000x128xf32>
    %sub3A_109 = arith.constant 0.693147182 : f32
    %sub3A_110 = vector.broadcast %sub3A_109 : f32 to vector<2000x128xf32>
    %sub3A_111 = arith.subf %add3A_108, %sub3A_110 : vector<2000x128xf32>
    %get3A_112 = arith.constant 1 : index
    %get3A_113 = arith.constant 0 : index
    %get3A_114 = arith.constant 0 : index
    %get3A_115 = vector.load %arg4[%get3A_112, %get3A_113, %get3A_114] : memref<2x128x128xf32, #tpu.memory_space<vmem>>, vector<1x128x128xf32>
    %get3A_116 = vector.shape_cast %get3A_115 : vector<1x128x128xf32> to vector<128x128xf32>
    %convert_element_type3A_117 = arith.truncf %sub3A_111 : vector<2000x128xf32> to vector<2000x128xbf16>
    %convert_element_type3A_118 = arith.truncf %get3A_116 : vector<128x128xf32> to vector<128x128xbf16>
    %dot_general3A_119 = arith.constant dense<0.000000e+00> : vector<2000x128xf32>
    %dot_general3A_120 = tpu.matmul %convert_element_type3A_117, %convert_element_type3A_118, %dot_general3A_119 {dimension_numbers = #tpu.dot_dimension_numbers<[1], [0], [0], [1], [0, 0, 1, 1], [], []>, transpose_lhs_hint = false} : vector<2000x128xbf16>, vector<128x128xbf16>, vector<2000x128xf32> -> vector<2000x128xf32>
    %get3A_121 = arith.constant 1 : index
    %get3A_122 = arith.constant 0 : index
    %get3A_123 = arith.constant 0 : index
    %get3A_124 = vector.load %arg5[%get3A_121, %get3A_122, %get3A_123] : memref<2x1x128xf32, #tpu.memory_space<vmem>>, vector<1x1x128xf32>
    %get3A_125 = vector.shape_cast %get3A_124 : vector<1x1x128xf32> to vector<1x128xf32>
    %add3A_126 = vector.broadcast %get3A_125 : vector<1x128xf32> to vector<2000x128xf32>
    %add3A_127 = arith.addf %dot_general3A_120, %add3A_126 : vector<2000x128xf32>
    %mul3A_128 = arith.mulf %add3A_127, %dot_general3A_24 : vector<2000x128xf32>
    %swap3A_129 = arith.constant 0 : index
    %swap3A_130 = arith.constant 0 : index
    %swap3A_131 = vector.load %arg7[%swap3A_129, %swap3A_130] : memref<2000x128xf32, #tpu.memory_space<vmem>>, vector<2000x128xf32>
    tpu.vector_store %arg7[%swap3A_129, %swap3A_130], %mul3A_128 {strides = array<i32>} : memref<2000x128xf32, #tpu.memory_space<vmem>>, vector<2000x128xf32>,
    return
  }
  func.func @transform_0(%arg0: i32) -> (i32, i32, i32) {
    %c0_i32 = arith.constant 0 : i32
    %c0_i32_0 = arith.constant 0 : i32
    %c0_i32_1 = arith.constant 0 : i32
    return %arg0, %c0_i32, %c0_i32_0 : i32, i32, i32
  }
  func.func @transform_1(%arg0: i32) -> (i32, i32, i32) {
    %c0_i32 = arith.constant 0 : i32
    %c0_i32_0 = arith.constant 0 : i32
    %c0_i32_1 = arith.constant 0 : i32
    %c0_i32_2 = arith.constant 0 : i32
    return %c0_i32, %c0_i32_0, %c0_i32_1 : i32, i32, i32
  }
  func.func @transform_2(%arg0: i32) -> (i32, i32, i32) {
    %c0_i32 = arith.constant 0 : i32
    %c0_i32_0 = arith.constant 0 : i32
    %c0_i32_1 = arith.constant 0 : i32
    %c0_i32_2 = arith.constant 0 : i32
    return %c0_i32, %c0_i32_0, %c0_i32_1 : i32, i32, i32
  }
  func.func @transform_3(%arg0: i32) -> (i32, i32, i32) {
    %c0_i32 = arith.constant 0 : i32
    %c0_i32_0 = arith.constant 0 : i32
    %c0_i32_1 = arith.constant 0 : i32
    %c0_i32_2 = arith.constant 0 : i32
    return %c0_i32, %c0_i32_0, %c0_i32_1 : i32, i32, i32
  }
  func.func @transform_4(%arg0: i32) -> (i32, i32, i32) {
    %c0_i32 = arith.constant 0 : i32
    %c0_i32_0 = arith.constant 0 : i32
    %c0_i32_1 = arith.constant 0 : i32
    %c0_i32_2 = arith.constant 0 : i32
    return %c0_i32, %c0_i32_0, %c0_i32_1 : i32, i32, i32
  }
  func.func @transform_5(%arg0: i32) -> (i32, i32) {
    %c0_i32 = arith.constant 0 : i32
    %c0_i32_0 = arith.constant 0 : i32
    return %arg0, %c0_i32 : i32, i32
  }
  func.func @transform_6(%arg0: i32) -> (i32, i32) {
    %c0_i32 = arith.constant 0 : i32
    %c0_i32_0 = arith.constant 0 : i32
    return %arg0, %c0_i32 : i32, i32
  }
}

module attributes {stable_mosaic.version = 14 : i64} {
  func.func @tc_update(%arg0: i32, %arg1: memref<1000x128xf32, #tpu.memory_space<vmem>>, %arg2: memref<1x1000x128xf32, #tpu.memory_space<vmem>>, %arg3: memref<1x1000x128xf32, #tpu.memory_space<vmem>>, %arg4: memref<128x128xf32, #tpu.memory_space<vmem>>, %arg5: memref<1x128xf32, #tpu.memory_space<vmem>>, %arg6: memref<128x128xf32, #tpu.memory_space<vmem>>, %arg7: memref<1x128xf32, #tpu.memory_space<vmem>>, %arg8: memref<1000x128xf32, #tpu.memory_space<vmem>>, %arg9: memref<1000x128xf32, #tpu.memory_space<vmem>>) attributes {dimension_semantics = [#tpu.dimension_semantics<arbitrary>], iteration_bounds = array<i64: 10>, scalar_prefetch = 0 : i64, scratch_operands = 0 : i64, tpu.core_type = #tpu.core_type<tc>, window_params = [{transform_indices = @transform_0, window_bounds = array<i64: 1000, 128>}, {transform_indices = @transform_1, window_bounds = array<i64: 1, 1000, 128>}, {transform_indices = @transform_2, window_bounds = array<i64: 1, 1000, 128>}, {pipeline_mode = #tpu.pipeline_mode<synchronous>, transform_indices = @transform_3, window_bounds = array<i64: 128, 128>}, {pipeline_mode = #tpu.pipeline_mode<synchronous>, transform_indices = @transform_4, window_bounds = array<i64: 1, 128>}, {pipeline_mode = #tpu.pipeline_mode<synchronous>, transform_indices = @transform_5, window_bounds = array<i64: 128, 128>}, {pipeline_mode = #tpu.pipeline_mode<synchronous>, transform_indices = @transform_6, window_bounds = array<i64: 1, 128>}, {transform_indices = @transform_7, window_bounds = array<i64: 1000, 128>}, {transform_indices = @transform_8, window_bounds = array<i64: 1000, 128>}]} {
    %get3A = arith.constant 0 : index
    %get3A_0 = arith.constant 0 : index
    %get3A_1 = arith.constant 0 : index
    %get3A_2 = vector.load %arg2[%get3A, %get3A_0, %get3A_1] : memref<1x1000x128xf32, #tpu.memory_space<vmem>>, vector<1x1000x128xf32>
    %get3A_3 = vector.shape_cast %get3A_2 : vector<1x1000x128xf32> to vector<1000x128xf32>
    %get3A_4 = arith.constant 0 : index
    %get3A_5 = arith.constant 0 : index
    %get3A_6 = arith.constant 0 : index
    %get3A_7 = vector.load %arg3[%get3A_4, %get3A_5, %get3A_6] : memref<1x1000x128xf32, #tpu.memory_space<vmem>>, vector<1x1000x128xf32>
    %get3A_8 = vector.shape_cast %get3A_7 : vector<1x1000x128xf32> to vector<1000x128xf32>
    %add3A = arith.addf %get3A_3, %get3A_8 : vector<1000x128xf32>
    %max3A = arith.constant 0.000000e+00 : f32
    %max3A_9 = vector.broadcast %max3A : f32 to vector<1000x128xf32>
    %max3A_10 = arith.maximumf %add3A, %max3A_9 : vector<1000x128xf32>
    %abs3A = math.absf %add3A : vector<1000x128xf32>
    %neg3A = arith.constant 0.000000e+00 : f32
    %neg3A_11 = vector.broadcast %neg3A : f32 to vector<1000x128xf32>
    %neg3A_12 = arith.subf %neg3A_11, %abs3A : vector<1000x128xf32>
    %exp3A = math.exp %neg3A_12 : vector<1000x128xf32>
    %add3A_13 = arith.constant 1.000000e+00 : f32
    %add3A_14 = vector.broadcast %add3A_13 : f32 to vector<1000x128xf32>
    %add3A_15 = arith.addf %add3A_14, %exp3A : vector<1000x128xf32>
    %log3A = math.log %add3A_15 : vector<1000x128xf32>
    %add3A_16 = arith.addf %max3A_10, %log3A : vector<1000x128xf32>
    %sub3A = arith.constant 0.693147182 : f32
    %sub3A_17 = vector.broadcast %sub3A : f32 to vector<1000x128xf32>
    %sub3A_18 = arith.subf %add3A_16, %sub3A_17 : vector<1000x128xf32>
    %get3A_19 = arith.constant 0 : index
    %get3A_20 = arith.constant 0 : index
    %get3A_21 = vector.load %arg1[%get3A_19, %get3A_20] : memref<1000x128xf32, #tpu.memory_space<vmem>>, vector<1000x128xf32>
    %get3A_22 = arith.constant 0 : index
    %get3A_23 = arith.constant 0 : index
    %get3A_24 = vector.load %arg4[%get3A_22, %get3A_23] : memref<128x128xf32, #tpu.memory_space<vmem>>, vector<128x128xf32>
    %convert_element_type3A = arith.truncf %sub3A_18 : vector<1000x128xf32> to vector<1000x128xbf16>
    %convert_element_type3A_25 = arith.truncf %get3A_24 : vector<128x128xf32> to vector<128x128xbf16>
    %dot_general3A = arith.constant dense<0.000000e+00> : vector<1000x128xf32>
    %dot_general3A_26 = tpu.matmul %convert_element_type3A, %convert_element_type3A_25, %dot_general3A {dimension_numbers = #tpu.dot_dimension_numbers<[1], [0], [0], [1], [0, 0, 1, 1], [], []>, transpose_lhs_hint = false} : vector<1000x128xbf16>, vector<128x128xbf16>, vector<1000x128xf32> -> vector<1000x128xf32>
    %add3A_27 = arith.addf %get3A_21, %dot_general3A_26 : vector<1000x128xf32>
    %get3A_28 = arith.constant 0 : index
    %get3A_29 = arith.constant 0 : index
    %get3A_30 = vector.load %arg5[%get3A_28, %get3A_29] : memref<1x128xf32, #tpu.memory_space<vmem>>, vector<1x128xf32>
    %add3A_31 = vector.broadcast %get3A_30 : vector<1x128xf32> to vector<1000x128xf32>
    %add3A_32 = arith.addf %add3A_27, %add3A_31 : vector<1000x128xf32>
    %swap3A = arith.constant 0 : index
    %swap3A_33 = arith.constant 0 : index
    %swap3A_34 = vector.load %arg8[%swap3A, %swap3A_33] : memref<1000x128xf32, #tpu.memory_space<vmem>>, vector<1000x128xf32>
    tpu.vector_store %arg8[%swap3A, %swap3A_33], %add3A_32 {strides = array<i32>} : memref<1000x128xf32, #tpu.memory_space<vmem>>, vector<1000x128xf32>,
    %get3A_35 = arith.constant 0 : index
    %get3A_36 = arith.constant 0 : index
    %get3A_37 = vector.load %arg6[%get3A_35, %get3A_36] : memref<128x128xf32, #tpu.memory_space<vmem>>, vector<128x128xf32>
    %convert_element_type3A_38 = arith.truncf %add3A_32 : vector<1000x128xf32> to vector<1000x128xbf16>
    %convert_element_type3A_39 = arith.truncf %get3A_37 : vector<128x128xf32> to vector<128x128xbf16>
    %dot_general3A_40 = arith.constant dense<0.000000e+00> : vector<1000x128xf32>
    %dot_general3A_41 = tpu.matmul %convert_element_type3A_38, %convert_element_type3A_39, %dot_general3A_40 {dimension_numbers = #tpu.dot_dimension_numbers<[1], [0], [0], [1], [0, 0, 1, 1], [], []>, transpose_lhs_hint = false} : vector<1000x128xbf16>, vector<128x128xbf16>, vector<1000x128xf32> -> vector<1000x128xf32>
    %get3A_42 = arith.constant 0 : index
    %get3A_43 = arith.constant 0 : index
    %get3A_44 = vector.load %arg7[%get3A_42, %get3A_43] : memref<1x128xf32, #tpu.memory_space<vmem>>, vector<1x128xf32>
    %add3A_45 = vector.broadcast %get3A_44 : vector<1x128xf32> to vector<1000x128xf32>
    %add3A_46 = arith.addf %dot_general3A_41, %add3A_45 : vector<1000x128xf32>
    %swap3A_47 = arith.constant 0 : index
    %swap3A_48 = arith.constant 0 : index
    %swap3A_49 = vector.load %arg9[%swap3A_47, %swap3A_48] : memref<1000x128xf32, #tpu.memory_space<vmem>>, vector<1000x128xf32>
    tpu.vector_store %arg9[%swap3A_47, %swap3A_48], %add3A_46 {strides = array<i32>} : memref<1000x128xf32, #tpu.memory_space<vmem>>, vector<1000x128xf32>,
    return
  }
  func.func @transform_0(%arg0: i32) -> (i32, i32) {
    %c0_i32 = arith.constant 0 : i32
    %c0_i32_0 = arith.constant 0 : i32
    return %arg0, %c0_i32 : i32, i32
  }
  func.func @transform_1(%arg0: i32) -> (i32, i32, i32) {
    %c0_i32 = arith.constant 0 : i32
    %c0_i32_0 = arith.constant 0 : i32
    %c0_i32_1 = arith.constant 0 : i32
    return %c0_i32, %arg0, %c0_i32_0 : i32, i32, i32
  }
  func.func @transform_2(%arg0: i32) -> (i32, i32, i32) {
    %c1_i32 = arith.constant 1 : i32
    %c0_i32 = arith.constant 0 : i32
    %c0_i32_0 = arith.constant 0 : i32
    return %c1_i32, %arg0, %c0_i32 : i32, i32, i32
  }
  func.func @transform_3(%arg0: i32) -> (i32, i32) {
    %c0_i32 = arith.constant 0 : i32
    %c0_i32_0 = arith.constant 0 : i32
    %c0_i32_1 = arith.constant 0 : i32
    return %c0_i32, %c0_i32_0 : i32, i32
  }
  func.func @transform_4(%arg0: i32) -> (i32, i32) {
    %c0_i32 = arith.constant 0 : i32
    %c0_i32_0 = arith.constant 0 : i32
    %c0_i32_1 = arith.constant 0 : i32
    return %c0_i32, %c0_i32_0 : i32, i32
  }
  func.func @transform_5(%arg0: i32) -> (i32, i32) {
    %c0_i32 = arith.constant 0 : i32
    %c0_i32_0 = arith.constant 0 : i32
    %c0_i32_1 = arith.constant 0 : i32
    return %c0_i32, %c0_i32_0 : i32, i32
  }
  func.func @transform_6(%arg0: i32) -> (i32, i32) {
    %c0_i32 = arith.constant 0 : i32
    %c0_i32_0 = arith.constant 0 : i32
    %c0_i32_1 = arith.constant 0 : i32
    return %c0_i32, %c0_i32_0 : i32, i32
  }
  func.func @transform_7(%arg0: i32) -> (i32, i32) {
    %c0_i32 = arith.constant 0 : i32
    %c0_i32_0 = arith.constant 0 : i32
    return %arg0, %c0_i32 : i32, i32
  }
  func.func @transform_8(%arg0: i32) -> (i32, i32) {
    %c0_i32 = arith.constant 0 : i32
    %c0_i32_0 = arith.constant 0 : i32
    return %arg0, %c0_i32 : i32, i32
  }
}

module attributes {stable_mosaic.version = 14 : i64} {
  func.func @tc_readout(%arg0: i32, %arg1: memref<1000x128xf32, #tpu.memory_space<vmem>>, %arg2: memref<1x1000x128xf32, #tpu.memory_space<vmem>>, %arg3: memref<1x1000x128xf32, #tpu.memory_space<vmem>>, %arg4: memref<128x128xf32, #tpu.memory_space<vmem>>, %arg5: memref<1x128xf32, #tpu.memory_space<vmem>>, %arg6: memref<128x64xf32, #tpu.memory_space<vmem>>, %arg7: memref<1x64xf32, #tpu.memory_space<vmem>>, %arg8: memref<64x128xf32, #tpu.memory_space<vmem>>, %arg9: memref<1x128xf32, #tpu.memory_space<vmem>>, %arg10: memref<1x1x1000xi32, #tpu.memory_space<vmem>>, %arg11: memref<32x128xf32, #tpu.memory_space<vmem>>) attributes {dimension_semantics = [#tpu.dimension_semantics<arbitrary>], iteration_bounds = array<i64: 10>, scalar_prefetch = 0 : i64, scratch_operands = 0 : i64, tpu.core_type = #tpu.core_type<tc>, window_params = [{transform_indices = @transform_0, window_bounds = array<i64: 1000, 128>}, {transform_indices = @transform_1, window_bounds = array<i64: 1, 1000, 128>}, {transform_indices = @transform_2, window_bounds = array<i64: 1, 1000, 128>}, {pipeline_mode = #tpu.pipeline_mode<synchronous>, transform_indices = @transform_3, window_bounds = array<i64: 128, 128>}, {pipeline_mode = #tpu.pipeline_mode<synchronous>, transform_indices = @transform_4, window_bounds = array<i64: 1, 128>}, {pipeline_mode = #tpu.pipeline_mode<synchronous>, transform_indices = @transform_5, window_bounds = array<i64: 128, 64>}, {pipeline_mode = #tpu.pipeline_mode<synchronous>, transform_indices = @transform_6, window_bounds = array<i64: 1, 64>}, {pipeline_mode = #tpu.pipeline_mode<synchronous>, transform_indices = @transform_7, window_bounds = array<i64: 64, 128>}, {pipeline_mode = #tpu.pipeline_mode<synchronous>, transform_indices = @transform_8, window_bounds = array<i64: 1, 128>}, {transform_indices = @transform_9, window_bounds = array<i64: 1, 1, 1000>}, {pipeline_mode = #tpu.pipeline_mode<synchronous>, transform_indices = @transform_10, window_bounds = array<i64: 32, 128>}]} {
    %eq3A = arith.constant 0 : i32
    %eq3A_0 = arith.cmpi eq, %arg0, %eq3A : i32
    %convert_element_type3A = arith.extui %eq3A_0 : i1 to i32
    %cond3A = arith.constant 0 : i32
    %cond3A_1 = arith.cmpi ne, %convert_element_type3A, %cond3A : i32
    scf.if %cond3A_1 {
      %broadcast_in_dim3A = arith.constant 0.000000e+00 : f32
      %broadcast_in_dim3A_94 = vector.broadcast %broadcast_in_dim3A : f32 to vector<32x128xf32>
      %swap3A_95 = arith.constant 0 : index
      %swap3A_96 = arith.constant 0 : index
      %swap3A_97 = vector.load %arg11[%swap3A_95, %swap3A_96] : memref<32x128xf32, #tpu.memory_space<vmem>>, vector<32x128xf32>
      tpu.vector_store %arg11[%swap3A_95, %swap3A_96], %broadcast_in_dim3A_94 {strides = array<i32>} : memref<32x128xf32, #tpu.memory_space<vmem>>, vector<32x128xf32>,
    } else {
    }
    %get3A = arith.constant 0 : index
    %get3A_2 = arith.constant 0 : index
    %get3A_3 = arith.constant 0 : index
    %get3A_4 = vector.load %arg2[%get3A, %get3A_2, %get3A_3] : memref<1x1000x128xf32, #tpu.memory_space<vmem>>, vector<1x1000x128xf32>
    %get3A_5 = vector.shape_cast %get3A_4 : vector<1x1000x128xf32> to vector<1000x128xf32>
    %get3A_6 = arith.constant 0 : index
    %get3A_7 = arith.constant 0 : index
    %get3A_8 = arith.constant 0 : index
    %get3A_9 = vector.load %arg3[%get3A_6, %get3A_7, %get3A_8] : memref<1x1000x128xf32, #tpu.memory_space<vmem>>, vector<1x1000x128xf32>
    %get3A_10 = vector.shape_cast %get3A_9 : vector<1x1000x128xf32> to vector<1000x128xf32>
    %add3A = arith.addf %get3A_5, %get3A_10 : vector<1000x128xf32>
    %max3A = arith.constant 0.000000e+00 : f32
    %max3A_11 = vector.broadcast %max3A : f32 to vector<1000x128xf32>
    %max3A_12 = arith.maximumf %add3A, %max3A_11 : vector<1000x128xf32>
    %abs3A = math.absf %add3A : vector<1000x128xf32>
    %neg3A = arith.constant 0.000000e+00 : f32
    %neg3A_13 = vector.broadcast %neg3A : f32 to vector<1000x128xf32>
    %neg3A_14 = arith.subf %neg3A_13, %abs3A : vector<1000x128xf32>
    %exp3A = math.exp %neg3A_14 : vector<1000x128xf32>
    %add3A_15 = arith.constant 1.000000e+00 : f32
    %add3A_16 = vector.broadcast %add3A_15 : f32 to vector<1000x128xf32>
    %add3A_17 = arith.addf %add3A_16, %exp3A : vector<1000x128xf32>
    %log3A = math.log %add3A_17 : vector<1000x128xf32>
    %add3A_18 = arith.addf %max3A_12, %log3A : vector<1000x128xf32>
    %sub3A = arith.constant 0.693147182 : f32
    %sub3A_19 = vector.broadcast %sub3A : f32 to vector<1000x128xf32>
    %sub3A_20 = arith.subf %add3A_18, %sub3A_19 : vector<1000x128xf32>
    %get3A_21 = arith.constant 0 : index
    %get3A_22 = arith.constant 0 : index
    %get3A_23 = vector.load %arg1[%get3A_21, %get3A_22] : memref<1000x128xf32, #tpu.memory_space<vmem>>, vector<1000x128xf32>
    %get3A_24 = arith.constant 0 : index
    %get3A_25 = arith.constant 0 : index
    %get3A_26 = vector.load %arg4[%get3A_24, %get3A_25] : memref<128x128xf32, #tpu.memory_space<vmem>>, vector<128x128xf32>
    %convert_element_type3A_27 = arith.truncf %sub3A_20 : vector<1000x128xf32> to vector<1000x128xbf16>
    %convert_element_type3A_28 = arith.truncf %get3A_26 : vector<128x128xf32> to vector<128x128xbf16>
    %dot_general3A = arith.constant dense<0.000000e+00> : vector<1000x128xf32>
    %dot_general3A_29 = tpu.matmul %convert_element_type3A_27, %convert_element_type3A_28, %dot_general3A {dimension_numbers = #tpu.dot_dimension_numbers<[1], [0], [0], [1], [0, 0, 1, 1], [], []>, transpose_lhs_hint = false} : vector<1000x128xbf16>, vector<128x128xbf16>, vector<1000x128xf32> -> vector<1000x128xf32>
    %add3A_30 = arith.addf %get3A_23, %dot_general3A_29 : vector<1000x128xf32>
    %get3A_31 = arith.constant 0 : index
    %get3A_32 = arith.constant 0 : index
    %get3A_33 = vector.load %arg5[%get3A_31, %get3A_32] : memref<1x128xf32, #tpu.memory_space<vmem>>, vector<1x128xf32>
    %add3A_34 = vector.broadcast %get3A_33 : vector<1x128xf32> to vector<1000x128xf32>
    %add3A_35 = arith.addf %add3A_30, %add3A_34 : vector<1000x128xf32>
    %get3A_36 = arith.constant 0 : index
    %get3A_37 = arith.constant 0 : index
    %get3A_38 = vector.load %arg6[%get3A_36, %get3A_37] : memref<128x64xf32, #tpu.memory_space<vmem>>, vector<128x64xf32>
    %convert_element_type3A_39 = arith.truncf %add3A_35 : vector<1000x128xf32> to vector<1000x128xbf16>
    %convert_element_type3A_40 = arith.truncf %get3A_38 : vector<128x64xf32> to vector<128x64xbf16>
    %dot_general3A_41 = arith.constant dense<0.000000e+00> : vector<1000x64xf32>
    %dot_general3A_42 = tpu.matmul %convert_element_type3A_39, %convert_element_type3A_40, %dot_general3A_41 {dimension_numbers = #tpu.dot_dimension_numbers<[1], [0], [0], [1], [0, 0, 1, 1], [], []>, transpose_lhs_hint = false} : vector<1000x128xbf16>, vector<128x64xbf16>, vector<1000x64xf32> -> vector<1000x64xf32>
    %get3A_43 = arith.constant 0 : index
    %get3A_44 = arith.constant 0 : index
    %get3A_45 = vector.load %arg7[%get3A_43, %get3A_44] : memref<1x64xf32, #tpu.memory_space<vmem>>, vector<1x64xf32>
    %add3A_46 = vector.broadcast %get3A_45 : vector<1x64xf32> to vector<1000x64xf32>
    %add3A_47 = arith.addf %dot_general3A_42, %add3A_46 : vector<1000x64xf32>
    %max3A_48 = arith.constant 0.000000e+00 : f32
    %max3A_49 = vector.broadcast %max3A_48 : f32 to vector<1000x64xf32>
    %max3A_50 = arith.maximumf %add3A_47, %max3A_49 : vector<1000x64xf32>
    %abs3A_51 = math.absf %add3A_47 : vector<1000x64xf32>
    %neg3A_52 = arith.constant 0.000000e+00 : f32
    %neg3A_53 = vector.broadcast %neg3A_52 : f32 to vector<1000x64xf32>
    %neg3A_54 = arith.subf %neg3A_53, %abs3A_51 : vector<1000x64xf32>
    %exp3A_55 = math.exp %neg3A_54 : vector<1000x64xf32>
    %add3A_56 = arith.constant 1.000000e+00 : f32
    %add3A_57 = vector.broadcast %add3A_56 : f32 to vector<1000x64xf32>
    %add3A_58 = arith.addf %add3A_57, %exp3A_55 : vector<1000x64xf32>
    %log3A_59 = math.log %add3A_58 : vector<1000x64xf32>
    %add3A_60 = arith.addf %max3A_50, %log3A_59 : vector<1000x64xf32>
    %sub3A_61 = arith.constant 0.693147182 : f32
    %sub3A_62 = vector.broadcast %sub3A_61 : f32 to vector<1000x64xf32>
    %sub3A_63 = arith.subf %add3A_60, %sub3A_62 : vector<1000x64xf32>
    %get3A_64 = arith.constant 0 : index
    %get3A_65 = arith.constant 0 : index
    %get3A_66 = vector.load %arg8[%get3A_64, %get3A_65] : memref<64x128xf32, #tpu.memory_space<vmem>>, vector<64x128xf32>
    %convert_element_type3A_67 = arith.truncf %sub3A_63 : vector<1000x64xf32> to vector<1000x64xbf16>
    %convert_element_type3A_68 = arith.truncf %get3A_66 : vector<64x128xf32> to vector<64x128xbf16>
    %dot_general3A_69 = arith.constant dense<0.000000e+00> : vector<1000x128xf32>
    %dot_general3A_70 = tpu.matmul %convert_element_type3A_67, %convert_element_type3A_68, %dot_general3A_69 {dimension_numbers = #tpu.dot_dimension_numbers<[1], [0], [0], [1], [0, 0, 1, 1], [], []>, transpose_lhs_hint = false} : vector<1000x64xbf16>, vector<64x128xbf16>, vector<1000x128xf32> -> vector<1000x128xf32>
    %get3A_71 = arith.constant 0 : index
    %get3A_72 = arith.constant 0 : index
    %get3A_73 = vector.load %arg9[%get3A_71, %get3A_72] : memref<1x128xf32, #tpu.memory_space<vmem>>, vector<1x128xf32>
    %add3A_74 = vector.broadcast %get3A_73 : vector<1x128xf32> to vector<1000x128xf32>
    %add3A_75 = arith.addf %dot_general3A_70, %add3A_74 : vector<1000x128xf32>
    %get3A_76 = arith.constant 0 : index
    %get3A_77 = arith.constant 0 : index
    %get3A_78 = arith.constant 0 : index
    %get3A_79 = vector.load %arg10[%get3A_76, %get3A_77, %get3A_78] : memref<1x1x1000xi32, #tpu.memory_space<vmem>>, vector<1x1x1000xi32>
    %get3A_80 = vector.shape_cast %get3A_79 : vector<1x1x1000xi32> to vector<1x1000xi32>
    %iota3A = tpu.iota {dimensions = array<i32: 0>} : vector<32x1xi32>
    %eq3A_81 = vector.broadcast %get3A_80 : vector<1x1000xi32> to vector<32x1000xi32>
    %eq3A_82 = vector.broadcast %iota3A : vector<32x1xi32> to vector<32x1000xi32>
    %eq3A_83 = arith.cmpi eq, %eq3A_81, %eq3A_82 : vector<32x1000xi32>
    %convert_element_type3A_84 = arith.extui %eq3A_83 : vector<32x1000xi1> to vector<32x1000xi32>
    %convert_element_type3A_85 = arith.sitofp %convert_element_type3A_84 : vector<32x1000xi32> to vector<32x1000xf32>
    %get3A_86 = arith.constant 0 : index
    %get3A_87 = arith.constant 0 : index
    %get3A_88 = vector.load %arg11[%get3A_86, %get3A_87] : memref<32x128xf32, #tpu.memory_space<vmem>>, vector<32x128xf32>
    %dot_general3A_89 = arith.constant dense<0.000000e+00> : vector<32x128xf32>
    %dot_general3A_90 = tpu.matmul %convert_element_type3A_85, %add3A_75, %dot_general3A_89 {dimension_numbers = #tpu.dot_dimension_numbers<[1], [0], [0], [1], [0, 0, 1, 1], [], []>, precision = #tpu.contract_precision<fp32>, transpose_lhs_hint = false} : vector<32x1000xf32>, vector<1000x128xf32>, vector<32x128xf32> -> vector<32x128xf32>
    %add3A_91 = arith.addf %get3A_88, %dot_general3A_90 : vector<32x128xf32>
    %swap3A = arith.constant 0 : index
    %swap3A_92 = arith.constant 0 : index
    %swap3A_93 = vector.load %arg11[%swap3A, %swap3A_92] : memref<32x128xf32, #tpu.memory_space<vmem>>, vector<32x128xf32>
    tpu.vector_store %arg11[%swap3A, %swap3A_92], %add3A_91 {strides = array<i32>} : memref<32x128xf32, #tpu.memory_space<vmem>>, vector<32x128xf32>,
    return
  }
  func.func @transform_0(%arg0: i32) -> (i32, i32) {
    %c0_i32 = arith.constant 0 : i32
    %c0_i32_0 = arith.constant 0 : i32
    return %arg0, %c0_i32 : i32, i32
  }
  func.func @transform_1(%arg0: i32) -> (i32, i32, i32) {
    %c0_i32 = arith.constant 0 : i32
    %c0_i32_0 = arith.constant 0 : i32
    %c0_i32_1 = arith.constant 0 : i32
    return %c0_i32, %arg0, %c0_i32_0 : i32, i32, i32
  }
  func.func @transform_2(%arg0: i32) -> (i32, i32, i32) {
    %c1_i32 = arith.constant 1 : i32
    %c0_i32 = arith.constant 0 : i32
    %c0_i32_0 = arith.constant 0 : i32
    return %c1_i32, %arg0, %c0_i32 : i32, i32, i32
  }
  func.func @transform_3(%arg0: i32) -> (i32, i32) {
    %c0_i32 = arith.constant 0 : i32
    %c0_i32_0 = arith.constant 0 : i32
    %c0_i32_1 = arith.constant 0 : i32
    return %c0_i32, %c0_i32_0 : i32, i32
  }
  func.func @transform_4(%arg0: i32) -> (i32, i32) {
    %c0_i32 = arith.constant 0 : i32
    %c0_i32_0 = arith.constant 0 : i32
    %c0_i32_1 = arith.constant 0 : i32
    return %c0_i32, %c0_i32_0 : i32, i32
  }
  func.func @transform_5(%arg0: i32) -> (i32, i32) {
    %c0_i32 = arith.constant 0 : i32
    %c0_i32_0 = arith.constant 0 : i32
    %c0_i32_1 = arith.constant 0 : i32
    return %c0_i32, %c0_i32_0 : i32, i32
  }
  func.func @transform_6(%arg0: i32) -> (i32, i32) {
    %c0_i32 = arith.constant 0 : i32
    %c0_i32_0 = arith.constant 0 : i32
    %c0_i32_1 = arith.constant 0 : i32
    return %c0_i32, %c0_i32_0 : i32, i32
  }
  func.func @transform_7(%arg0: i32) -> (i32, i32) {
    %c0_i32 = arith.constant 0 : i32
    %c0_i32_0 = arith.constant 0 : i32
    %c0_i32_1 = arith.constant 0 : i32
    return %c0_i32, %c0_i32_0 : i32, i32
  }
  func.func @transform_8(%arg0: i32) -> (i32, i32) {
    %c0_i32 = arith.constant 0 : i32
    %c0_i32_0 = arith.constant 0 : i32
    %c0_i32_1 = arith.constant 0 : i32
    return %c0_i32, %c0_i32_0 : i32, i32
  }
  func.func @transform_9(%arg0: i32) -> (i32, i32, i32) {
    %c0_i32 = arith.constant 0 : i32
    %c0_i32_0 = arith.constant 0 : i32
    %c0_i32_1 = arith.constant 0 : i32
    return %arg0, %c0_i32, %c0_i32_0 : i32, i32, i32
  }
  func.func @transform_10(%arg0: i32) -> (i32, i32) {
    %c0_i32 = arith.constant 0 : i32
    %c0_i32_0 = arith.constant 0 : i32
    %c0_i32_1 = arith.constant 0 : i32
    return %c0_i32, %c0_i32_0 : i32, i32
  }
}

module attributes {stable_mosaic.version = 14 : i64} {
  func.func @tc_heads(%arg0: i32, %arg1: memref<32x128xf32, #tpu.memory_space<vmem>>, %arg2: memref<128x128xf32, #tpu.memory_space<vmem>>, %arg3: memref<1x128xf32, #tpu.memory_space<vmem>>, %arg4: memref<128x128xf32, #tpu.memory_space<vmem>>, %arg5: memref<1x128xf32, #tpu.memory_space<vmem>>, %arg6: memref<32x128xf32, #tpu.memory_space<vmem>>, %arg7: memref<32x128xf32, #tpu.memory_space<vmem>>) attributes {dimension_semantics = [#tpu.dimension_semantics<arbitrary>], iteration_bounds = array<i64: 1>, scalar_prefetch = 0 : i64, scratch_operands = 0 : i64, tpu.core_type = #tpu.core_type<tc>, window_params = [{pipeline_mode = #tpu.pipeline_mode<synchronous>, transform_indices = @transform_0, window_bounds = array<i64: 32, 128>}, {pipeline_mode = #tpu.pipeline_mode<synchronous>, transform_indices = @transform_1, window_bounds = array<i64: 128, 128>}, {pipeline_mode = #tpu.pipeline_mode<synchronous>, transform_indices = @transform_2, window_bounds = array<i64: 1, 128>}, {pipeline_mode = #tpu.pipeline_mode<synchronous>, transform_indices = @transform_3, window_bounds = array<i64: 128, 128>}, {pipeline_mode = #tpu.pipeline_mode<synchronous>, transform_indices = @transform_4, window_bounds = array<i64: 1, 128>}, {pipeline_mode = #tpu.pipeline_mode<synchronous>, transform_indices = @transform_5, window_bounds = array<i64: 32, 128>}, {pipeline_mode = #tpu.pipeline_mode<synchronous>, transform_indices = @transform_6, window_bounds = array<i64: 32, 128>}]} {
    %get3A = arith.constant 0 : index
    %get3A_0 = arith.constant 0 : index
    %get3A_1 = vector.load %arg1[%get3A, %get3A_0] : memref<32x128xf32, #tpu.memory_space<vmem>>, vector<32x128xf32>
    %get3A_2 = arith.constant 0 : index
    %get3A_3 = arith.constant 0 : index
    %get3A_4 = vector.load %arg2[%get3A_2, %get3A_3] : memref<128x128xf32, #tpu.memory_space<vmem>>, vector<128x128xf32>
    %convert_element_type3A = arith.truncf %get3A_1 : vector<32x128xf32> to vector<32x128xbf16>
    %convert_element_type3A_5 = arith.truncf %get3A_4 : vector<128x128xf32> to vector<128x128xbf16>
    %dot_general3A = arith.constant dense<0.000000e+00> : vector<32x128xf32>
    %dot_general3A_6 = tpu.matmul %convert_element_type3A, %convert_element_type3A_5, %dot_general3A {dimension_numbers = #tpu.dot_dimension_numbers<[1], [0], [0], [1], [0, 0, 1, 1], [], []>, transpose_lhs_hint = false} : vector<32x128xbf16>, vector<128x128xbf16>, vector<32x128xf32> -> vector<32x128xf32>
    %get3A_7 = arith.constant 0 : index
    %get3A_8 = arith.constant 0 : index
    %get3A_9 = vector.load %arg3[%get3A_7, %get3A_8] : memref<1x128xf32, #tpu.memory_space<vmem>>, vector<1x128xf32>
    %add3A = vector.broadcast %get3A_9 : vector<1x128xf32> to vector<32x128xf32>
    %add3A_10 = arith.addf %dot_general3A_6, %add3A : vector<32x128xf32>
    %iota3A = tpu.iota {dimensions = array<i32: 1>} : vector<1x128xi32>
    %lt3A = arith.constant 10 : i32
    %lt3A_11 = vector.broadcast %lt3A : i32 to vector<1x128xi32>
    %lt3A_12 = arith.cmpi slt, %iota3A, %lt3A_11 : vector<1x128xi32>
    %jit3A = arith.constant -1.000000e+30 : f32
    %broadcast_in_dim3A = vector.shape_cast %lt3A_12 : vector<1x128xi1> to vector<1x128xi1>
    %broadcast_in_dim3A_13 = vector.broadcast %broadcast_in_dim3A : vector<1x128xi1> to vector<32x128xi1>
    %broadcast_in_dim3A_14 = vector.broadcast %jit3A : f32 to vector<32x128xf32>
    %select_n3A = arith.select %broadcast_in_dim3A_13, %add3A_10, %broadcast_in_dim3A_14 : vector<32x128xi1>, vector<32x128xf32>
    %reduce_max3A = arith.constant dense<0xFF800000> : vector<32xf32>
    %reduce_max3A_15 = vector.multi_reduction <maximumf>, %select_n3A, %reduce_max3A [1] : vector<32x128xf32> to vector<32xf32>
    %broadcast_in_dim3A_16 = vector.shape_cast %reduce_max3A_15 : vector<32xf32> to vector<32x1xf32>
    %sub3A = vector.broadcast %broadcast_in_dim3A_16 : vector<32x1xf32> to vector<32x128xf32>
    %sub3A_17 = arith.subf %select_n3A, %sub3A : vector<32x128xf32>
    %exp3A = math.exp %sub3A_17 : vector<32x128xf32>
    %lt3A_18 = arith.constant 10 : i32
    %lt3A_19 = vector.broadcast %lt3A_18 : i32 to vector<1x128xi32>
    %lt3A_20 = arith.cmpi slt, %iota3A, %lt3A_19 : vector<1x128xi32>
    %jit3A_21 = arith.constant 0.000000e+00 : f32
    %broadcast_in_dim3A_22 = vector.shape_cast %lt3A_20 : vector<1x128xi1> to vector<1x128xi1>
    %broadcast_in_dim3A_23 = vector.broadcast %broadcast_in_dim3A_22 : vector<1x128xi1> to vector<32x128xi1>
    %broadcast_in_dim3A_24 = vector.broadcast %jit3A_21 : f32 to vector<32x128xf32>
    %select_n3A_25 = arith.select %broadcast_in_dim3A_23, %exp3A, %broadcast_in_dim3A_24 : vector<32x128xi1>, vector<32x128xf32>
    %reduce_sum3A = arith.constant dense<0.000000e+00> : vector<32xf32>
    %reduce_sum3A_26 = vector.multi_reduction <add>, %select_n3A_25, %reduce_sum3A [1] : vector<32x128xf32> to vector<32xf32>
    %broadcast_in_dim3A_27 = vector.shape_cast %reduce_sum3A_26 : vector<32xf32> to vector<32x1xf32>
    %div3A = vector.broadcast %broadcast_in_dim3A_27 : vector<32x1xf32> to vector<32x128xf32>
    %div3A_28 = arith.divf %select_n3A_25, %div3A : vector<32x128xf32>
    %swap3A = arith.constant 0 : index
    %swap3A_29 = arith.constant 0 : index
    %swap3A_30 = vector.load %arg6[%swap3A, %swap3A_29] : memref<32x128xf32, #tpu.memory_space<vmem>>, vector<32x128xf32>
    tpu.vector_store %arg6[%swap3A, %swap3A_29], %div3A_28 {strides = array<i32>} : memref<32x128xf32, #tpu.memory_space<vmem>>, vector<32x128xf32>,
    %get3A_31 = arith.constant 0 : index
    %get3A_32 = arith.constant 0 : index
    %get3A_33 = vector.load %arg4[%get3A_31, %get3A_32] : memref<128x128xf32, #tpu.memory_space<vmem>>, vector<128x128xf32>
    %convert_element_type3A_34 = arith.truncf %get3A_1 : vector<32x128xf32> to vector<32x128xbf16>
    %convert_element_type3A_35 = arith.truncf %get3A_33 : vector<128x128xf32> to vector<128x128xbf16>
    %dot_general3A_36 = arith.constant dense<0.000000e+00> : vector<32x128xf32>
    %dot_general3A_37 = tpu.matmul %convert_element_type3A_34, %convert_element_type3A_35, %dot_general3A_36 {dimension_numbers = #tpu.dot_dimension_numbers<[1], [0], [0], [1], [0, 0, 1, 1], [], []>, transpose_lhs_hint = false} : vector<32x128xbf16>, vector<128x128xbf16>, vector<32x128xf32> -> vector<32x128xf32>
    %get3A_38 = arith.constant 0 : index
    %get3A_39 = arith.constant 0 : index
    %get3A_40 = vector.load %arg5[%get3A_38, %get3A_39] : memref<1x128xf32, #tpu.memory_space<vmem>>, vector<1x128xf32>
    %add3A_41 = vector.broadcast %get3A_40 : vector<1x128xf32> to vector<32x128xf32>
    %add3A_42 = arith.addf %dot_general3A_37, %add3A_41 : vector<32x128xf32>
    %swap3A_43 = arith.constant 0 : index
    %swap3A_44 = arith.constant 0 : index
    %swap3A_45 = vector.load %arg7[%swap3A_43, %swap3A_44] : memref<32x128xf32, #tpu.memory_space<vmem>>, vector<32x128xf32>
    tpu.vector_store %arg7[%swap3A_43, %swap3A_44], %add3A_42 {strides = array<i32>} : memref<32x128xf32, #tpu.memory_space<vmem>>, vector<32x128xf32>,
    return
  }
  func.func @transform_0(%arg0: i32) -> (i32, i32) {
    %c0_i32 = arith.constant 0 : i32
    %c0_i32_0 = arith.constant 0 : i32
    %c0_i32_1 = arith.constant 0 : i32
    return %c0_i32, %c0_i32_0 : i32, i32
  }
  func.func @transform_1(%arg0: i32) -> (i32, i32) {
    %c0_i32 = arith.constant 0 : i32
    %c0_i32_0 = arith.constant 0 : i32
    %c0_i32_1 = arith.constant 0 : i32
    return %c0_i32, %c0_i32_0 : i32, i32
  }
  func.func @transform_2(%arg0: i32) -> (i32, i32) {
    %c0_i32 = arith.constant 0 : i32
    %c0_i32_0 = arith.constant 0 : i32
    %c0_i32_1 = arith.constant 0 : i32
    return %c0_i32, %c0_i32_0 : i32, i32
  }
  func.func @transform_3(%arg0: i32) -> (i32, i32) {
    %c0_i32 = arith.constant 0 : i32
    %c0_i32_0 = arith.constant 0 : i32
    %c0_i32_1 = arith.constant 0 : i32
    return %c0_i32, %c0_i32_0 : i32, i32
  }
  func.func @transform_4(%arg0: i32) -> (i32, i32) {
    %c0_i32 = arith.constant 0 : i32
    %c0_i32_0 = arith.constant 0 : i32
    %c0_i32_1 = arith.constant 0 : i32
    return %c0_i32, %c0_i32_0 : i32, i32
  }
  func.func @transform_5(%arg0: i32) -> (i32, i32) {
    %c0_i32 = arith.constant 0 : i32
    %c0_i32_0 = arith.constant 0 : i32
    %c0_i32_1 = arith.constant 0 : i32
    return %c0_i32, %c0_i32_0 : i32, i32
  }
  func.func @transform_6(%arg0: i32) -> (i32, i32) {
    %c0_i32 = arith.constant 0 : i32
    %c0_i32_0 = arith.constant 0 : i32
    %c0_i32_1 = arith.constant 0 : i32
    return %c0_i32, %c0_i32_0 : i32, i32
  }
}

</mosaic_0001>

<sc_bundles>
// kernel: sc_mp.11.cloned.1.call-start
scs
__scs_entry_jumppad:
0x0: {  	(pc) =	sbr.rel $0x88, $3  }
0x1: {  	(tag) =	ssettag $0x0;
	lr =	simm.s32 $0x1  }
0x2: {  	[smem:$0x3F7C] =	sst lr;
	_ =	strace $0xD0000000  }
0x3: {  	_ = 	snop  }
0x4: {  	_ = 	snop  }
0x5: {  	_ = 	snop  }
0x6: {  	_ = 	snop  }
0x7: {  	_ = 	snop  }
__scs_overlays_trampoline_lowered:
0x8: {  	[smem:$0x3F8B] =	sst s0  }
0x9: {  	[smem:$0x3F8C] =	sst s1  }
0xa: {  	[smem:$0x3F8D] =	sst s2  }
0xb: {  	[smem:$0x3F8E] =	sst s3  }
0xc: {  	[smem:$0x3F8F] =	sst s4  }
0xd: {  	[smem:$0x3F90] =	sst s5  }
0xe: {  	[smem:$0x3F91] =	sst s6  }
0xf: {  	[smem:$0x3F92] =	sst s7  }
0x10: {  	[smem:$0x3F93] =	sst s8  }
0x11: {  	[smem:$0x3F94] =	sst s9;
	s0 =	simm.s32 @!p0 $0x0  }
0x12: {  	s1 =	sld [smem:$0x3F7A];
	s0 =	simm.s32 @p0 $0x1  }
0x13: {  	[smem:$0x3F95] =	sst s0;
	s0 =	simm.s32 @!p1 $0x0  }
0x14: {  	s2 =	sld [smem:$0x3F79];
	s0 =	simm.s32 @p1 $0x1  }
0x15: {  	[smem:$0x3F96] =	sst s0;
	s0 =	simm.s32 @!p2 $0x0  }
0x16: {  	s3 =	sld [smem:$0x3FDB];
	s0 =	simm.s32 @p2 $0x1  }
0x17: {  	s4 =	simm.s32 $0x1BF5;
	[smem:$0x3F98] =	sst s0  }
0x18: {  	s0 =	sld [smem:$0x3F7B];
	_ =	swait.ge [sflag:s4], $0x0  }
0x19: {  	s7 =	sld [smem:$0x3F7C]  }
0x1a: {  	s8 =	sadd.s32 $0xFFFFE003, lr  }
0x1b: {  	s9 =	sadd.s32 $0xFFFFFEF7, lr;
	s5 =	simm.s32 $0xFFFFFFFF;
	p2 =	slt.u32 s8, $0xFFFFF086  }
0x1c: {  	p1 =	slt.u32 s9, $0xF7A;
	s5 =	simm.s32 @!p2 $0x0  }
0x1d: {  	s5 =	simm.s32 @p1 $0x1;
	p0 =	seq.s32 s7, s2  }
0x1e: {  	s7 =	smul.u32 @!p0 $0xF7A, s2;
	p2 =	seq.s32 @!p0 s5, $0x0  }
0x1f: {  	s9 =	smul.u32 $0xF7A, s1;
	s8 =	simm.s32 @!p0 $0x1BF5;
	p2 =	por !p2, p0  }
0x20: {  	[sflag:s8] =	ssyncset.s32 @!p0 $0xFFFFF086;
	s6 =	sadd.s32 @!p0 s3, s7;
	s7 =	simm.s32 @!p0 $0x108  }
0x21: {  	s3 =	sadd.s32 s3, s9;
	s6 =	sadd.s32 @!p0 $0x88, s6;
	s7 =	simm.s32 @p2 $0x1082  }
0x22: {  	[simem:s7], [sflag:s8] =	dma.local @!p0 [hbm:s6], $0xF7A  }
0x23: {  	s9 =	sor.u32 $0xD0000000, s2;
	s6 =	simm.s32 $0x108;
	_ =	swait.ge @!p0 [sflag:s8], $0x0  }
0x24: {  	s3 =	sadd.s32 $0x88, s3;
	s6 =	simm.s32 @!p1 $0x1082;
	[sflag:s4] =	ssyncset.s32 $0xFFFFF086  }
0x25: {  	[simem:s6], [sflag:s4] =	dma.local [hbm:s3], $0xF7A  }
0x26: {  	[smem:$0x3F7C] =	sst s1;
	(tag) =	ssettag s2;
	_ =	strace s9  }
0x27: {  	s1 =	sld [smem:$0x3F8C]  }
0x28: {  	s2 =	sld [smem:$0x3F8D]  }
0x29: {  	s4 =	sld [smem:$0x3F8F]  }
0x2a: {  	p0 =	seq.s32 s5, $0x0;
	s5 =	sld [smem:$0x3F90]  }
0x2b: {  	s6 =	sld [smem:$0x3F91]  }
0x2c: {  	s7 =	sld [smem:$0x3F92]  }
0x2d: {  	s3 =	simm.s32 $0x108;
	s8 =	sld [smem:$0x3F93]  }
0x2e: {  	s3 =	simm.s32 @!p0 $0x1082;
	s9 =	sld [smem:$0x3F94]  }
0x2f: {  	lr =	sadd.s32 s0, s3;
	s0 =	sld [smem:$0x3F8B]  }
0x30: {  	s3 =	sld [smem:$0x3F8E]  }
0x31: {  	[smem:$0x3F97] =	sst s10  }
0x32: {  	s10 =	sld [smem:$0x3F95];
	_ =	sdelay $0x3  }
0x33: {  	p0 =	seq.s32 s10, $0x1;
	s10 =	sld [smem:$0x3F97];
	_ =	sdelay $0x3  }
0x34: {  	[smem:$0x3F97] =	sst s10  }
0x35: {  	s10 =	sld [smem:$0x3F96];
	_ =	sdelay $0x3  }
0x36: {  	p1 =	seq.s32 s10, $0x1;
	s10 =	sld [smem:$0x3F97];
	_ =	sdelay $0x3  }
0x37: {  	[smem:$0x3F97] =	sst s10  }
0x38: {  	s10 =	sld [smem:$0x3F98]  }
0x39: {  	_ = 	snop;
	(pc) =	sbr.ind lr, $3  }
0x3a: {  	_ = 	snop  }
0x3b: {  	_ = 	snop  }
0x3c: {  	p2 =	seq.s32 s10, $0x1;
	s10 =	sld [smem:$0x3F97]  }
0x3d: {  	_ =	shalt  }
0x3e: {  	_ =	shalt  }
0x3f: {  	_ =	shalt  }
0x40: {  	_ =	shalt  }
0x41: {  	_ =	shalt  }
0x42: {  	_ =	shalt  }
0x43: {  	_ =	shalt  }
0x44: {  	_ =	shalt  }
0x45: {  	_ =	shalt  }
0x46: {  	_ =	shalt  }
0x47: {  	_ =	shalt  }
0x48: {  	_ =	shalt  }
0x49: {  	_ =	shalt  }
0x4a: {  	_ =	shalt  }
0x4b: {  	_ =	shalt  }
0x4c: {  	_ =	shalt  }
0x4d: {  	_ =	shalt  }
0x4e: {  	_ =	shalt  }
0x4f: {  	_ =	shalt  }
0x50: {  	_ =	shalt  }
0x51: {  	_ =	shalt  }
0x52: {  	_ =	shalt  }
0x53: {  	_ =	shalt  }
0x54: {  	_ =	shalt  }
0x55: {  	_ =	shalt  }
0x56: {  	_ =	shalt  }
0x57: {  	_ =	shalt  }
0x58: {  	_ =	shalt  }
0x59: {  	_ =	shalt  }
0x5a: {  	_ =	shalt  }
0x5b: {  	_ =	shalt  }
0x5c: {  	_ =	shalt  }
0x5d: {  	_ =	shalt  }
0x5e: {  	_ =	shalt  }
0x5f: {  	_ =	shalt  }
0x60: {  	_ =	shalt  }
0x61: {  	_ =	shalt  }
0x62: {  	_ =	shalt  }
0x63: {  	_ =	shalt  }
0x64: {  	_ =	shalt  }
0x65: {  	_ =	shalt  }
0x66: {  	_ =	shalt  }
0x67: {  	_ =	shalt  }
0x68: {  	_ =	shalt  }
0x69: {  	_ =	shalt  }
0x6a: {  	_ =	shalt  }
0x6b: {  	_ =	shalt  }
0x6c: {  	_ =	shalt  }
0x6d: {  	_ =	shalt  }
0x6e: {  	_ =	shalt  }
0x6f: {  	_ =	shalt  }
0x70: {  	_ =	shalt  }
0x71: {  	_ =	shalt  }
0x72: {  	_ =	shalt  }
0x73: {  	_ =	shalt  }
0x74: {  	_ =	shalt  }
0x75: {  	_ =	shalt  }
0x76: {  	_ =	shalt  }
0x77: {  	_ =	shalt  }
0x78: {  	_ =	shalt  }
0x79: {  	_ =	shalt  }
0x7a: {  	_ =	shalt  }
0x7b: {  	_ =	shalt  }
0x7c: {  	_ =	shalt  }
0x7d: {  	_ =	shalt  }
0x7e: {  	_ =	shalt  }
0x7f: {  	_ =	shalt  }
0x80: {  	_ =	shalt  }
0x81: {  	_ =	shalt  }
0x82: {  	_ =	shalt  }
0x83: {  	_ =	shalt  }
0x84: {  	_ =	shalt  }
0x85: {  	_ =	shalt  }
0x86: {  	_ =	shalt  }
0x87: {  	_ =	shalt  }
.Lfunc_end0:
.L_simem_size_0:
called_computation.3_lowered:
.L_overlay_start_0:
0x88: {  	s2 =	sld [smem:$0x3FD9]  }
0x89: {  	s3 =	sld [smem:$0x3FFE];
	_ =	sdelay $0x1  }
0x8a: {  	s1 =	srdreg.scid  }
0x8b: {  	s0 =	sand.u32 $0x1, s1  }
0x8c: {  	s16 =	sshll.u32 s0, $0xA;
	s2 =	sadd.s32 s3, s2  }
0x8d: {  	s2 =	sadd.s32 s2, s16  }
0x8e: {  	[smem:$0x3FA3] =	sst s2  }
0x8f: {  	_ = 	snop  }
0x90: {  	(tm) =	ssettm $0x1  }
0x91: {  	s17 =	sld [smem:$0x3FFB];
	_ =	sdelay $0x3  }
0x92: {  	_ =	strace s17  }
0x93: {  	s2 =	sld [smem:$0x3FFC];
	_ =	sdelay $0x3  }
0x94: {  	_ =	strace s2  }
0x95: {  	s2 =	sld [smem:$0x3FFD];
	_ =	sdelay $0x3  }
0x96: {  	_ =	strace s2  }
0x97: {  	_ =	strace $0x8FFFFFFF  }
0x98: {  	s18 =	sld [smem:$0x3FDB];
	_ =	sdelay $0x1  }
0x99: {  	s19 =	simm.s32 $_scs_section_size  }
0x9a: {  	s4 =	simm.s32 $_size__tile_overlayer_lowered;
	s5 =	simm.s32 $_tile_overlayer_lowered  }
0x9b: {  	s22 =	simm.s32 $0x1BFF;
	s21 =	sshll.u32 s5, $0x1;
	s2 =	sadd.s32 s19, s18  }
0x9c: {  	s6 =	simm.s32 $0x0;
	s20 =	sshll.u32 s4, $0x1;
	s4 =	sadd.s32 s21, s2  }
0x9d: {  	[timem:s6], [sflag:s22] =	dma.local [hbm:s4], s20  }
0x9e: {  	_ =	swait.ge [sflag:s22], s20  }
0x9f: {  	s3 =	ssub.s32 $0x0, s20;
	[sflag:s22] =	ssyncset.done $0x0  }
0xa0: {  	[sflag:s22] =	ssyncadd.s32 s3;
	_ =	sdelay $0x1  }
0xa1: {  	s23 =	simm.s32 $0x1B8B  }
0xa2: {  	_ =	swait.ge [sflag:s23], $0x1  }
0xa3: {  	[sflag:s23] =	ssyncset.done $0x0  }
0xa4: {  	s25 =	simm.s32 $0x1B8E;
	s24 =	sld [smem:$0x3FFE];
	[sflag:s23] =	ssyncadd.s32 $0xFFFFFFFF  }
0xa5: {  	s26 =	simm.s32 $execute0_lowered;
	[smem:$0x3FD2] =	sst s25  }
0xa6: {  	s4 =	sshll.u32 s26, $0x1;
	_ =	strace $0x8000004F;
	[dreg:$0x1] =	wrdreg $0xFFFFFFFF  }
0xa7: {  	s28 =	simm.s32 $_size_execute0_lowered;
	s2 =	sadd.s32 s2, s4;
	[dreg:$0x0] =	wrdreg $0x0  }
0xa8: {  	s4 =	sshll.u32 s28, $0x1;
	[dreg:$0x2] =	wrdreg s2  }
0xa9: {  	[dreg:$0x3] =	wrdreg s4  }
0xaa: {  	[dreg:$0x4] =	wrdreg $0xC0  }
0xab: {  	_ =	task [dreg:s6], $0x5FFFF  }
0xac: {  	[dreg:$0x1] =	wrdreg $0xFFFFFFFF  }
0xad: {  	[dreg:$0x0] =	wrdreg $0x60  }
0xae: {  	[dreg:$0x2] =	wrdreg s24  }
0xaf: {  	[dreg:$0x3] =	wrdreg $0xB7800  }
0xb0: {  	[dreg:$0x4] =	wrdreg $0x9  }
0xb1: {  	_ =	task.clear_ibuf [dreg:s6], $0x5FFFF;
	_ =	strace $0x9000004F  }
0xb2: {  	s29 =	simm.s32 $0x9;
	_ =	strace $0x80000051  }
0xb3: {  	_ =	swait.ge [sflag:s29], $0x1  }
0xb4: {  	[sflag:s29] =	ssyncadd.s32 $0xFFFFFFFF  }
0xb5: {  	_ =	strace $0x90000051  }
0xb6: {  	_ =	sfence  }
0xb7: {  	s30 =	sld [smem:$0x0];
	_ =	sdelay $0x2  }
0xb8: {  	s31 =	sshll.u32 s1, $0xD;
	s1 =	sshrl.u32 s1, $0x2  }
0xb9: {  	s3 =	sand.u32 $0x4000, s31;
	s1 =	sadd.s32 s1, s30  }
0xba: {  	s0 =	sor.u32 s3, s0;
	s1 =	sshll.u32 s1, $0x11  }
0xbb: {  	s0 =	sor.u32 s1, s0  }
0xbc: {  	s0 =	sadd.s32 $0x8F2B, s0  }
0xbd: {  	[sflag:s0] =	ssyncadd.remote.s32 $0x1  }
0xbe: {  	_ =	sfence.sel $0xFFFF  }
0xbf: {  	[dreg:$0x0] =	wrdreg $0xFFFFFFFF;
	(pc) =	sbr.abs _section_cstart, $3  }
0xc0: {  	[dreg:$0x1] =	wrdreg $0xFFFFFFFF  }
0xc1: {  	_ =	task.clear_ibuf [dreg:s6], $0x2FFFF;
	_ =	strace $0x9FFFFFFF  }
0xc2: {  	(tm) =	ssettm $0x7FFFFFFF  }
0xc3: {  	_ =	shalt  }
tec
execute0_lowered:
.L_overlay_start_1:
0x0: {  	(tag) =	ssettag $0x1  }
0x1: {  	s6 =	rddreg [dreg:$0x0]  }
0x2: {  	s2 =	rddreg [dreg:$0x1];
	s3 =	srdreg.scid  }
0x3: {  	s1 =	stileid.u32;
	s0 =	rddreg [dreg:$0x2];
	s18 =	simm.s32 $0x50  }
0x4: {  	s19 =	simm.s32 $0x6780;
	s20 =	simm.s32 $0x8F80;
	s21 =	simm.s32 $0x1  }
0x5: {  	s22 =	simm.s32 $0x0;
	s7 =	sand.u32 $0x1, s3;
	s12 =	smul.u32 $0x1F400, s1  }
0x6: {  	s4 =	sshll.u32 s1, $0x1;
	s3 =	simm.s32 $0x0;
	s13 =	smul.u32 $0x3E80, s1  }
0x7: {  	s26 =	sshrl.u32 s1, $0x2;
	s14 =	smul.u32 $0x7D000, s1;
	p0 =	sgt.u32 s1, $0x9  }
0x8: {  	s9 =	sor.u32 s7, s4;
	[smem:$0x7FF] =	sst s3;
	s5 =	smul.u32 $0x13C00, s26  }
0x9: {  	s4 =	sadd.s32 $0x58C400, s6;
	s29 =	smul.u32 $0x138800, s7;
	s7 =	ssub.s32 $0x2, s7  }
0xa: {  	s16 =	sshll.u32 @!p0 s1, $0x6;
	s28 =	sshll.u32 s9, $0x7;
	_ =	strace $0x80000050  }
0xb: {  	s11 =	sshll.u32 s9, $0xB;
	s30 =	sshrl.u32 s7, $0x1;
	s13 =	sadd.s32 s13, s6  }
0xc: {  	s31 =	sshrl.u32 s14, $0x2;
	s9 =	smul.u32 $0x2710, s9;
	s14 =	simm.s32 $0x2  }
0xd: {  	s16 =	sor.u32 @!p0 $0x1C02, s16;
	s8 =	sand.u32 $0x380, s28;
	s11 =	sadd.s32 s11, s6  }
0xe: {  	s17 =	sadd.s32 s31, s2;
	s5 =	sor.u32 s5, s8;
	s8 =	sadd.s32 s12, s29  }
0xf: {  	s12 =	ssub.s32 s7, s30;
	s7 =	sadd.s32 $0x24E00, s11;
	s17 =	sshrl.u32 @!p0 s17, $0x3  }
0x10: {  	s10 =	sshrl.u32 s5, $0x3;
	s5 =	sadd.s32 $0xABC600, s6;
	s8 =	sshrl.u32 s8, $0x3  }
0x11: {  	s11 =	smax.u32 s12, $0x1;
	s12 =	simm.s32 $0x80;
	s10 =	sadd.s32 s10, s6  }
0x12: {  	s15 =	sadd.s32 s8, s6;
	s8 =	sadd.s32 $0x565200, s13;
	s13 =	simm.s32 $0x400  }
0x13: {  	s6 =	sadd.s32 $0x7400, s10;
	s10 =	sadd.s32 $0x5DA800, s15;
	s15 =	simm.s32 $0x2780  }
.LBB2_1:
0x14: {  	[tilespmem:s3], [sflag:$0x2] =	stream.strided.gather [hbm4b:s6+s12], $0x2780, s13, s12, $0x38;
	[tilespmem:$0x1F000] =	vst v63  }
0x15: {  	_ =	swait.ge [sflag:s14], $0x2780  }
0x16: {  	[sflag:s14] =	ssyncset.done $0x0  }
0x17: {  	[sflag:s14] =	ssyncadd.s32 $0xFFFFD880  }
0x18: {  	[tilespmem:s15], [sflag:$0x2] =	stream.linear.gather [hbm4b:s7+s3], $0x3E80, $0x38;
	[tilespmem:$0x1F000] =	vst v63  }
0x19: {  	_ =	swait.ge [sflag:s14], $0x3E80  }
0x1a: {  	[sflag:s14] =	ssyncset.done $0x0  }
0x1b: {  	s23 =	simm.s32 @!p0 $0x2;
	[sflag:s14] =	ssyncadd.s32 $0xFFFFC180  }
0x1c: {  	[spmem:s17], [sflag:s16] =	dma.local @!p0 [hbm:s8], $0x3E80  }
0x1d: {  	_ =	swait.ge @!p0 [sflag:s23], $0x3E80  }
0x1e: {  	[sflag:s23] =	ssyncset.done @!p0 $0x0  }
0x1f: {  	[sflag:s23] =	ssyncadd.s32 @!p0 $0xFFFFC180  }
0x20: {  	s23 =	simm.s32 $0x0;
	[bflag:$0x0] =	sbarrier.arrive $0xFFFF  }
.LBB2_2:
0x21: {  	s24 =	smul.u32 $0x50, s23;
	_ =	sdelay $0x1  }
0x22: {  	[tilespmem:s19], [sflag:$0x1] =	stream.indirect.gather [hbm4b:s4+s18], $0x80, s24, s18, $0xb8;
	[tilespmem:$0x1F000] =	vst v63  }
0x23: {  	s24 =	sadd.s32 s9, s24  }
0x24: {  	s24 =	sshll.u32 s24, $0x4  }
0x25: {  	s25 =	simm.s32 $0x0;
	s24 =	sadd.s32 s5, s24  }
0x26: {  	[tilespmem:s20], [sflag:$0x2] =	stream.linear.gather [hbm4b:s24+s25], $0x2800, $0x38;
	[tilespmem:$0x1F000] =	vst v63  }
0x27: {  	_ =	swait.ge [sflag:s14], $0x2800  }
0x28: {  	[sflag:s14] =	ssyncset.done $0x0  }
0x29: {  	[sflag:s14] =	ssyncadd.s32 $0xFFFFD800  }
0x2a: {  	_ =	swait.ge [sflag:s21], $0x2800  }
0x2b: {  	[sflag:s21] =	ssyncset.done $0x0  }
0x2c: {  	s24 =	simm.s32 $0x0;
	[sflag:s21] =	ssyncadd.s32 $0xFFFFD800  }
0x2d: {  	v7 =	vld [tilespmem:s24+$0x8F80]  }
0x2e: {  	v11 =	vld [tilespmem:s24+$0x8F90]  }
0x2f: {  	v5 =	vld [tilespmem:s24+$0x8FA0]  }
0x30: {  	v4 =	vld [tilespmem:s24+$0x8FB0]  }
0x31: {  	v3 =	vld [tilespmem:s24+$0x8FC0]  }
0x32: {  	v2 =	vld [tilespmem:s24+$0x8FD0]  }
0x33: {  	v1 =	vld [tilespmem:s24+$0x8FE0]  }
0x34: {  	v0 =	vld [tilespmem:s24+$0x8FF0]  }
0x35: {  	v12 =	vld [tilespmem:s24+$0x6780]  }
0x36: {  	v13 =	vld [tilespmem:s24+$0x6790]  }
0x37: {  	v10 =	vld [tilespmem:s24+$0x67A0]  }
0x38: {  	v9 =	vld [tilespmem:s24+$0x67B0]  }
0x39: {  	v8 =	vld [tilespmem:s24+$0x67C0]  }
0x3a: {  	v6 =	vld [tilespmem:s24+$0x67D0];
	v12 =	vmul.f32 v7, v12  }
0x3b: {  	s25 =	simm.s32 $0x200;
	v11 =	vmul.f32 v11, v13;
	v7 =	vld [tilespmem:s24+$0x67E0]  }
.LBB2_3:
0x3c: {  	s26 =	sshra.s32 s25, $0x2;
	p1 =	sne.s32 s25, $0x9E00;
	[tilespmem:s24+$0x6780] =	vst v12;
	v5 =	vmul.f32 v5, v10;
	v10 =	vld [tilespmem:s24+$0x67F0]  }
0x3d: {  	v12 =	vld [tilespmem:s26+$0x8F80];
	[tilespmem:s24+$0x6790] =	vst v11;
	v4 =	vmul.f32 v4, v9  }
0x3e: {  	v11 =	vld [tilespmem:s26+$0x8F90];
	[tilespmem:s24+$0x67A0] =	vst v5;
	v3 =	vmul.f32 v3, v8  }
0x3f: {  	v5 =	vld [tilespmem:s26+$0x8FA0];
	[tilespmem:s24+$0x67B0] =	vst v4;
	v2 =	vmul.f32 v2, v6  }
0x40: {  	v4 =	vld [tilespmem:s26+$0x8FB0];
	[tilespmem:s24+$0x67C0] =	vst v3;
	v1 =	vmul.f32 v1, v7  }
0x41: {  	v3 =	vld [tilespmem:s26+$0x8FC0];
	[tilespmem:s24+$0x67D0] =	vst v2;
	v0 =	vmul.f32 v0, v10  }
0x42: {  	v2 =	vld [tilespmem:s26+$0x8FD0];
	[tilespmem:s24+$0x67E0] =	vst v1  }
0x43: {  	v1 =	vld [tilespmem:s26+$0x8FE0];
	[tilespmem:s24+$0x67F0] =	vst v0;
	s24 =	smov.u32 s26  }
0x44: {  	v0 =	vld [tilespmem:s24+$0x8FF0]  }
0x45: {  	v6 =	vld [tilespmem:s24+$0x6780]  }
0x46: {  	v7 =	vld [tilespmem:s24+$0x6790]  }
.Ltmp0:
0x47: {  	v10 =	vld [tilespmem:s24+$0x67A0];
	(pc) =	sbr.rel @p1 .LBB2_3-.Ltmp0, $4  }
0x48: {  	v9 =	vld [tilespmem:s24+$0x67B0]  }
0x49: {  	v8 =	vld [tilespmem:s24+$0x67C0]  }
0x4a: {  	v12 =	vmul.f32 v12, v6;
	v6 =	vld [tilespmem:s24+$0x67D0]  }
0x4b: {  	s25 =	sadd.s32 $0x200, s25;
	v11 =	vmul.f32 v11, v7;
	v7 =	vld [tilespmem:s24+$0x67E0]  }
0x4c: {  	[tilespmem:s24+$0x6780] =	vst v12;
	v5 =	vmul.f32 v5, v10;
	v63 =	vld [tilespmem:s24+$0x67F0]  }
0x4d: {  	[tilespmem:s24+$0x6790] =	vst v11;
	v4 =	vmul.f32 v4, v9  }
0x4e: {  	[tilespmem:s24+$0x67A0] =	vst v5;
	v3 =	vmul.f32 v3, v8  }
0x4f: {  	[tilespmem:s24+$0x67B0] =	vst v4;
	v2 =	vmul.f32 v2, v6  }
0x50: {  	[tilespmem:s24+$0x67C0] =	vst v3;
	v1 =	vmul.f32 v1, v7  }
0x51: {  	s25 =	sshll.u32 s23, $0x7;
	s23 =	sadd.s32 $0x1, s23;
	[tilespmem:s24+$0x67D0] =	vst v2;
	v0 =	vmul.f32 v0, v63  }
0x52: {  	s25 =	sand.u32 $0x3FFFFF80, s25;
	p1 =	sne.s32 s23, $0x7D;
	[tilespmem:s24+$0x67E0] =	vst v1  }
.Ltmp1:
0x53: {  	s31 =	sadd.s32 $0x2780, s25;
	[tilespmem:s24+$0x67F0] =	vst v0;
	(pc) =	sbr.rel @p1 .LBB2_2-.Ltmp1, $4  }
0x54: {  	[spmem:s2] =	stream.indirect.scatter.add.f32 [tilespmem:s19], [sflag:$0x2], $0x80, s31, s18, $0xb8;
	[tilespmem:$0x1F000] =	vst v63  }
0x55: {  	_ =	swait.ge [sflag:s14], $0x2800  }
0x56: {  	[sflag:s14] =	ssyncset.done $0x0  }
0x57: {  	[sflag:s14] =	ssyncadd.s32 $0xFFFFD800  }
0x58: {  	s22 =	sadd.s32 $0x1, s22  }
0x59: {  	p1 =	sne.s32 s22, s11  }
.Ltmp2:
0x5a: {  	[bflag:$0x0] =	sbarrier.arrive $0xFFFF;
	s23 =	simm.s32 @!p0 $0x2;
	(pc) =	sbr.rel @p1 .LBB2_1-.Ltmp2, $4  }
0x5b: {  	[hbm:s10], [sflag:s16] =	dma.local @!p0 [spmem:s17], $0x3E80  }
0x5c: {  	_ =	swait.ge @!p0 [sflag:s23], $0x3E80  }
0x5d: {  	[sflag:s23] =	ssyncset.done @!p0 $0x0  }
0x5e: {  	[sflag:s23] =	ssyncadd.s32 @!p0 $0xFFFFC180  }
0x5f: {  	_ =	sfence.sel $0x180000  }
0x60: {  	[bflag:$0x0] =	sbarrier.arrive $0xFFFF  }
0x61: {  	p0 =	sne.s32 s1, $0x0;
	_ =	strace $0x90000050  }
0x62: {  	s0 =	sadd.s32 @!p0 $0x100000, s0;
	[bflag:$0x2] =	sbarrier.arrive $0xFFFF  }
0x63: {  	[sflag:s0] =	ssyncadd.tile.s32 @!p0 $0x1;
	_ =	shalt  }
.Lfunc_end2:
_tile_overlayer_lowered:
.L_overlay_start_2:
0x64: {  	(tag) =	ssettag $0x2  }
0x65: {  	s0 =	rddreg [dreg:$0x0];
	s2 =	stileid.u32  }
0x66: {  	s1 =	rddreg [dreg:$0x1];
	p0 =	sne.s32 s2, $0x0  }
0x67: {  	s3 =	rddreg [dreg:$0x2];
	[bflag:$0x3] =	sbarrier.arrive $0xFFFF;
	s2 =	simm.s32 @!p0 $0x1C02  }
0x68: {  	[timem:s3], [sflag:s2] =	dma.local @!p0 [hbm:s0], s1  }
0x69: {  	s0 =	simm.s32 @!p0 $0x2  }
0x6a: {  	_ =	swait.ge @!p0 [sflag:s0], s1  }
0x6b: {  	s1 =	ssub.s32 @!p0 $0x0, s1;
	[sflag:s0] =	ssyncset.done @!p0 $0x0  }
0x6c: {  	[sflag:s0] =	ssyncadd.s32 @!p0 s1  }
0x6d: {  	[bflag:$0x3] =	sbarrier.arrive $0xFFFF  }
0x6e: {  	_ =	shalt  }

// kernel: sc_mp.5.cloned.1.call-start
scs
__scs_entry_jumppad:
0x0: {  	(pc) =	sbr.rel $0x88, $3  }
0x1: {  	(tag) =	ssettag $0x0;
	lr =	simm.s32 $0x1  }
0x2: {  	[smem:$0x3F7C] =	sst lr;
	_ =	strace $0xD0000000  }
0x3: {  	_ = 	snop  }
0x4: {  	_ = 	snop  }
0x5: {  	_ = 	snop  }
0x6: {  	_ = 	snop  }
0x7: {  	_ = 	snop  }
__scs_overlays_trampoline_lowered:
0x8: {  	[smem:$0x3F8B] =	sst s0  }
0x9: {  	[smem:$0x3F8C] =	sst s1  }
0xa: {  	[smem:$0x3F8D] =	sst s2  }
0xb: {  	[smem:$0x3F8E] =	sst s3  }
0xc: {  	[smem:$0x3F8F] =	sst s4  }
0xd: {  	[smem:$0x3F90] =	sst s5  }
0xe: {  	[smem:$0x3F91] =	sst s6  }
0xf: {  	[smem:$0x3F92] =	sst s7  }
0x10: {  	[smem:$0x3F93] =	sst s8  }
0x11: {  	[smem:$0x3F94] =	sst s9;
	s0 =	simm.s32 @!p0 $0x0  }
0x12: {  	s1 =	sld [smem:$0x3F7A];
	s0 =	simm.s32 @p0 $0x1  }
0x13: {  	[smem:$0x3F95] =	sst s0;
	s0 =	simm.s32 @!p1 $0x0  }
0x14: {  	s2 =	sld [smem:$0x3F79];
	s0 =	simm.s32 @p1 $0x1  }
0x15: {  	[smem:$0x3F96] =	sst s0;
	s0 =	simm.s32 @!p2 $0x0  }
0x16: {  	s3 =	sld [smem:$0x3FDB];
	s0 =	simm.s32 @p2 $0x1  }
0x17: {  	s4 =	simm.s32 $0x1BF5;
	[smem:$0x3F98] =	sst s0  }
0x18: {  	s0 =	sld [smem:$0x3F7B];
	_ =	swait.ge [sflag:s4], $0x0  }
0x19: {  	s7 =	sld [smem:$0x3F7C]  }
0x1a: {  	s8 =	sadd.s32 $0xFFFFE003, lr  }
0x1b: {  	s9 =	sadd.s32 $0xFFFFFEF7, lr;
	s5 =	simm.s32 $0xFFFFFFFF;
	p2 =	slt.u32 s8, $0xFFFFF086  }
0x1c: {  	p1 =	slt.u32 s9, $0xF7A;
	s5 =	simm.s32 @!p2 $0x0  }
0x1d: {  	s5 =	simm.s32 @p1 $0x1;
	p0 =	seq.s32 s7, s2  }
0x1e: {  	s7 =	smul.u32 @!p0 $0xF7A, s2;
	p2 =	seq.s32 @!p0 s5, $0x0  }
0x1f: {  	s9 =	smul.u32 $0xF7A, s1;
	s8 =	simm.s32 @!p0 $0x1BF5;
	p2 =	por !p2, p0  }
0x20: {  	[sflag:s8] =	ssyncset.s32 @!p0 $0xFFFFF086;
	s6 =	sadd.s32 @!p0 s3, s7;
	s7 =	simm.s32 @!p0 $0x108  }
0x21: {  	s3 =	sadd.s32 s3, s9;
	s6 =	sadd.s32 @!p0 $0x88, s6;
	s7 =	simm.s32 @p2 $0x1082  }
0x22: {  	[simem:s7], [sflag:s8] =	dma.local @!p0 [hbm:s6], $0xF7A  }
0x23: {  	s9 =	sor.u32 $0xD0000000, s2;
	s6 =	simm.s32 $0x108;
	_ =	swait.ge @!p0 [sflag:s8], $0x0  }
0x24: {  	s3 =	sadd.s32 $0x88, s3;
	s6 =	simm.s32 @!p1 $0x1082;
	[sflag:s4] =	ssyncset.s32 $0xFFFFF086  }
0x25: {  	[simem:s6], [sflag:s4] =	dma.local [hbm:s3], $0xF7A  }
0x26: {  	[smem:$0x3F7C] =	sst s1;
	(tag) =	ssettag s2;
	_ =	strace s9  }
0x27: {  	s1 =	sld [smem:$0x3F8C]  }
0x28: {  	s2 =	sld [smem:$0x3F8D]  }
0x29: {  	s4 =	sld [smem:$0x3F8F]  }
0x2a: {  	p0 =	seq.s32 s5, $0x0;
	s5 =	sld [smem:$0x3F90]  }
0x2b: {  	s6 =	sld [smem:$0x3F91]  }
0x2c: {  	s7 =	sld [smem:$0x3F92]  }
0x2d: {  	s3 =	simm.s32 $0x108;
	s8 =	sld [smem:$0x3F93]  }
0x2e: {  	s3 =	simm.s32 @!p0 $0x1082;
	s9 =	sld [smem:$0x3F94]  }
0x2f: {  	lr =	sadd.s32 s0, s3;
	s0 =	sld [smem:$0x3F8B]  }
0x30: {  	s3 =	sld [smem:$0x3F8E]  }
0x31: {  	[smem:$0x3F97] =	sst s10  }
0x32: {  	s10 =	sld [smem:$0x3F95];
	_ =	sdelay $0x3  }
0x33: {  	p0 =	seq.s32 s10, $0x1;
	s10 =	sld [smem:$0x3F97];
	_ =	sdelay $0x3  }
0x34: {  	[smem:$0x3F97] =	sst s10  }
0x35: {  	s10 =	sld [smem:$0x3F96];
	_ =	sdelay $0x3  }
0x36: {  	p1 =	seq.s32 s10, $0x1;
	s10 =	sld [smem:$0x3F97];
	_ =	sdelay $0x3  }
0x37: {  	[smem:$0x3F97] =	sst s10  }
0x38: {  	s10 =	sld [smem:$0x3F98]  }
0x39: {  	_ = 	snop;
	(pc) =	sbr.ind lr, $3  }
0x3a: {  	_ = 	snop  }
0x3b: {  	_ = 	snop  }
0x3c: {  	p2 =	seq.s32 s10, $0x1;
	s10 =	sld [smem:$0x3F97]  }
0x3d: {  	_ =	shalt  }
0x3e: {  	_ =	shalt  }
0x3f: {  	_ =	shalt  }
0x40: {  	_ =	shalt  }
0x41: {  	_ =	shalt  }
0x42: {  	_ =	shalt  }
0x43: {  	_ =	shalt  }
0x44: {  	_ =	shalt  }
0x45: {  	_ =	shalt  }
0x46: {  	_ =	shalt  }
0x47: {  	_ =	shalt  }
0x48: {  	_ =	shalt  }
0x49: {  	_ =	shalt  }
0x4a: {  	_ =	shalt  }
0x4b: {  	_ =	shalt  }
0x4c: {  	_ =	shalt  }
0x4d: {  	_ =	shalt  }
0x4e: {  	_ =	shalt  }
0x4f: {  	_ =	shalt  }
0x50: {  	_ =	shalt  }
0x51: {  	_ =	shalt  }
0x52: {  	_ =	shalt  }
0x53: {  	_ =	shalt  }
0x54: {  	_ =	shalt  }
0x55: {  	_ =	shalt  }
0x56: {  	_ =	shalt  }
0x57: {  	_ =	shalt  }
0x58: {  	_ =	shalt  }
0x59: {  	_ =	shalt  }
0x5a: {  	_ =	shalt  }
0x5b: {  	_ =	shalt  }
0x5c: {  	_ =	shalt  }
0x5d: {  	_ =	shalt  }
0x5e: {  	_ =	shalt  }
0x5f: {  	_ =	shalt  }
0x60: {  	_ =	shalt  }
0x61: {  	_ =	shalt  }
0x62: {  	_ =	shalt  }
0x63: {  	_ =	shalt  }
0x64: {  	_ =	shalt  }
0x65: {  	_ =	shalt  }
0x66: {  	_ =	shalt  }
0x67: {  	_ =	shalt  }
0x68: {  	_ =	shalt  }
0x69: {  	_ =	shalt  }
0x6a: {  	_ =	shalt  }
0x6b: {  	_ =	shalt  }
0x6c: {  	_ =	shalt  }
0x6d: {  	_ =	shalt  }
0x6e: {  	_ =	shalt  }
0x6f: {  	_ =	shalt  }
0x70: {  	_ =	shalt  }
0x71: {  	_ =	shalt  }
0x72: {  	_ =	shalt  }
0x73: {  	_ =	shalt  }
0x74: {  	_ =	shalt  }
0x75: {  	_ =	shalt  }
0x76: {  	_ =	shalt  }
0x77: {  	_ =	shalt  }
0x78: {  	_ =	shalt  }
0x79: {  	_ =	shalt  }
0x7a: {  	_ =	shalt  }
0x7b: {  	_ =	shalt  }
0x7c: {  	_ =	shalt  }
0x7d: {  	_ =	shalt  }
0x7e: {  	_ =	shalt  }
0x7f: {  	_ =	shalt  }
0x80: {  	_ =	shalt  }
0x81: {  	_ =	shalt  }
0x82: {  	_ =	shalt  }
0x83: {  	_ =	shalt  }
0x84: {  	_ =	shalt  }
0x85: {  	_ =	shalt  }
0x86: {  	_ =	shalt  }
0x87: {  	_ =	shalt  }
.Lfunc_end0:
.L_simem_size_0:
called_computation.1_lowered:
.L_overlay_start_0:
0x88: {  	s2 =	sld [smem:$0x3FD9]  }
0x89: {  	s3 =	sld [smem:$0x3FFE];
	_ =	sdelay $0x1  }
0x8a: {  	s1 =	srdreg.scid  }
0x8b: {  	s0 =	sand.u32 $0x1, s1  }
0x8c: {  	s16 =	sshll.u32 s0, $0xA;
	s2 =	sadd.s32 s3, s2  }
0x8d: {  	s2 =	sadd.s32 s2, s16  }
0x8e: {  	[smem:$0x3FA3] =	sst s2  }
0x8f: {  	_ = 	snop  }
0x90: {  	(tm) =	ssettm $0x1  }
0x91: {  	s17 =	sld [smem:$0x3FFB];
	_ =	sdelay $0x3  }
0x92: {  	_ =	strace s17  }
0x93: {  	s2 =	sld [smem:$0x3FFC];
	_ =	sdelay $0x3  }
0x94: {  	_ =	strace s2  }
0x95: {  	s2 =	sld [smem:$0x3FFD];
	_ =	sdelay $0x3  }
0x96: {  	_ =	strace s2  }
0x97: {  	_ =	strace $0x8FFFFFFF  }
0x98: {  	s18 =	sld [smem:$0x3FDB];
	_ =	sdelay $0x1  }
0x99: {  	s19 =	simm.s32 $_scs_section_size  }
0x9a: {  	s4 =	simm.s32 $_size__tile_overlayer_lowered;
	s5 =	simm.s32 $_tile_overlayer_lowered  }
0x9b: {  	s22 =	simm.s32 $0x1BFF;
	s21 =	sshll.u32 s5, $0x1;
	s2 =	sadd.s32 s19, s18  }
0x9c: {  	s6 =	simm.s32 $0x0;
	s20 =	sshll.u32 s4, $0x1;
	s4 =	sadd.s32 s21, s2  }
0x9d: {  	[timem:s6], [sflag:s22] =	dma.local [hbm:s4], s20  }
0x9e: {  	_ =	swait.ge [sflag:s22], s20  }
0x9f: {  	s3 =	ssub.s32 $0x0, s20;
	[sflag:s22] =	ssyncset.done $0x0  }
0xa0: {  	[sflag:s22] =	ssyncadd.s32 s3;
	_ =	sdelay $0x1  }
0xa1: {  	s23 =	simm.s32 $0x1B8B  }
0xa2: {  	_ =	swait.ge [sflag:s23], $0x1  }
0xa3: {  	[sflag:s23] =	ssyncset.done $0x0  }
0xa4: {  	s25 =	simm.s32 $0x1B8E;
	s24 =	sld [smem:$0x3FFE];
	[sflag:s23] =	ssyncadd.s32 $0xFFFFFFFF  }
0xa5: {  	s26 =	simm.s32 $execute0_lowered;
	[smem:$0x3FD2] =	sst s25  }
0xa6: {  	s4 =	sshll.u32 s26, $0x1;
	_ =	strace $0x80000049;
	[dreg:$0x1] =	wrdreg $0xFFFFFFFF  }
0xa7: {  	s28 =	simm.s32 $_size_execute0_lowered;
	s2 =	sadd.s32 s2, s4;
	[dreg:$0x0] =	wrdreg $0x0  }
0xa8: {  	s4 =	sshll.u32 s28, $0x1;
	[dreg:$0x2] =	wrdreg s2  }
0xa9: {  	[dreg:$0x3] =	wrdreg s4  }
0xaa: {  	[dreg:$0x4] =	wrdreg $0xC0  }
0xab: {  	_ =	task [dreg:s6], $0x5FFFF  }
0xac: {  	[dreg:$0x1] =	wrdreg $0xFFFFFFFF  }
0xad: {  	[dreg:$0x0] =	wrdreg $0x60  }
0xae: {  	[dreg:$0x2] =	wrdreg s24  }
0xaf: {  	[dreg:$0x3] =	wrdreg $0xB7800  }
0xb0: {  	[dreg:$0x4] =	wrdreg $0x9  }
0xb1: {  	_ =	task.clear_ibuf [dreg:s6], $0x5FFFF;
	_ =	strace $0x90000049  }
0xb2: {  	s29 =	simm.s32 $0x9;
	_ =	strace $0x8000004B  }
0xb3: {  	_ =	swait.ge [sflag:s29], $0x1  }
0xb4: {  	[sflag:s29] =	ssyncadd.s32 $0xFFFFFFFF  }
0xb5: {  	_ =	strace $0x9000004B  }
0xb6: {  	_ =	sfence  }
0xb7: {  	s30 =	sld [smem:$0x0];
	_ =	sdelay $0x2  }
0xb8: {  	s31 =	sshll.u32 s1, $0xD;
	s1 =	sshrl.u32 s1, $0x2  }
0xb9: {  	s3 =	sand.u32 $0x4000, s31;
	s1 =	sadd.s32 s1, s30  }
0xba: {  	s0 =	sor.u32 s3, s0;
	s1 =	sshll.u32 s1, $0x11  }
0xbb: {  	s0 =	sor.u32 s1, s0  }
0xbc: {  	s0 =	sadd.s32 $0x8F2B, s0  }
0xbd: {  	[sflag:s0] =	ssyncadd.remote.s32 $0x1  }
0xbe: {  	_ =	sfence.sel $0xFFFF  }
0xbf: {  	[dreg:$0x0] =	wrdreg $0xFFFFFFFF;
	(pc) =	sbr.abs _section_cstart, $3  }
0xc0: {  	[dreg:$0x1] =	wrdreg $0xFFFFFFFF  }
0xc1: {  	_ =	task.clear_ibuf [dreg:s6], $0x2FFFF;
	_ =	strace $0x9FFFFFFF  }
0xc2: {  	(tm) =	ssettm $0x7FFFFFFF  }
0xc3: {  	_ =	shalt  }
tec
execute0_lowered:
.L_overlay_start_1:
0x0: {  	(tag) =	ssettag $0x1  }
0x1: {  	s6 =	rddreg [dreg:$0x0]  }
0x2: {  	s2 =	rddreg [dreg:$0x1];
	s3 =	srdreg.scid  }
0x3: {  	s1 =	stileid.u32;
	s0 =	rddreg [dreg:$0x2];
	s18 =	simm.s32 $0x50  }
0x4: {  	s19 =	simm.s32 $0x6780;
	s20 =	simm.s32 $0x8F80;
	s21 =	simm.s32 $0x1  }
0x5: {  	s22 =	simm.s32 $0x0;
	s7 =	sand.u32 $0x1, s3;
	s12 =	smul.u32 $0x1F400, s1  }
0x6: {  	s4 =	sshll.u32 s1, $0x1;
	s3 =	simm.s32 $0x0;
	s13 =	smul.u32 $0x3E80, s1  }
0x7: {  	s26 =	sshrl.u32 s1, $0x2;
	s14 =	smul.u32 $0x7D000, s1;
	p0 =	sgt.u32 s1, $0x9  }
0x8: {  	s9 =	sor.u32 s7, s4;
	[smem:$0x7FF] =	sst s3;
	s5 =	smul.u32 $0x13C00, s26  }
0x9: {  	s4 =	sadd.s32 $0x34E00, s6;
	s29 =	smul.u32 $0x138800, s7;
	s7 =	ssub.s32 $0x2, s7  }
0xa: {  	s16 =	sshll.u32 @!p0 s1, $0x6;
	s28 =	sshll.u32 s9, $0x7;
	_ =	strace $0x8000004A  }
0xb: {  	s11 =	sshll.u32 s9, $0xB;
	s30 =	sshrl.u32 s7, $0x1;
	s13 =	sadd.s32 s13, s6  }
0xc: {  	s31 =	sshrl.u32 s14, $0x2;
	s9 =	smul.u32 $0x2710, s9;
	s14 =	simm.s32 $0x2  }
0xd: {  	s16 =	sor.u32 @!p0 $0x1C02, s16;
	s8 =	sand.u32 $0x380, s28;
	s11 =	sadd.s32 s11, s6  }
0xe: {  	s17 =	sadd.s32 s31, s2;
	s5 =	sor.u32 s5, s8;
	s8 =	sadd.s32 s12, s29  }
0xf: {  	s12 =	ssub.s32 s7, s30;
	s7 =	sadd.s32 $0x24E00, s11;
	s17 =	sshrl.u32 @!p0 s17, $0x3  }
0x10: {  	s10 =	sshrl.u32 s5, $0x3;
	s5 =	sadd.s32 $0x83200, s6;
	s8 =	sshrl.u32 s8, $0x3  }
0x11: {  	s11 =	smax.u32 s12, $0x1;
	s12 =	simm.s32 $0x80;
	s10 =	sadd.s32 s10, s6  }
0x12: {  	s15 =	sadd.s32 s8, s6;
	s8 =	sadd.s32 $0x565200, s13;
	s13 =	simm.s32 $0x400  }
0x13: {  	s6 =	sadd.s32 $0x7400, s10;
	s10 =	sadd.s32 $0x58C400, s15;
	s15 =	simm.s32 $0x2780  }
.LBB2_1:
0x14: {  	[tilespmem:s3], [sflag:$0x2] =	stream.strided.gather [hbm4b:s6+s12], $0x2780, s13, s12, $0x38;
	[tilespmem:$0x1F000] =	vst v63  }
0x15: {  	_ =	swait.ge [sflag:s14], $0x2780  }
0x16: {  	[sflag:s14] =	ssyncset.done $0x0  }
0x17: {  	[sflag:s14] =	ssyncadd.s32 $0xFFFFD880  }
0x18: {  	[tilespmem:s15], [sflag:$0x2] =	stream.linear.gather [hbm4b:s7+s3], $0x3E80, $0x38;
	[tilespmem:$0x1F000] =	vst v63  }
0x19: {  	_ =	swait.ge [sflag:s14], $0x3E80  }
0x1a: {  	[sflag:s14] =	ssyncset.done $0x0  }
0x1b: {  	s23 =	simm.s32 @!p0 $0x2;
	[sflag:s14] =	ssyncadd.s32 $0xFFFFC180  }
0x1c: {  	[spmem:s17], [sflag:s16] =	dma.local @!p0 [hbm:s8], $0x3E80  }
0x1d: {  	_ =	swait.ge @!p0 [sflag:s23], $0x3E80  }
0x1e: {  	[sflag:s23] =	ssyncset.done @!p0 $0x0  }
0x1f: {  	[sflag:s23] =	ssyncadd.s32 @!p0 $0xFFFFC180  }
0x20: {  	s23 =	simm.s32 $0x0;
	[bflag:$0x0] =	sbarrier.arrive $0xFFFF  }
.LBB2_2:
0x21: {  	s24 =	smul.u32 $0x50, s23;
	_ =	sdelay $0x1  }
0x22: {  	[tilespmem:s19], [sflag:$0x1] =	stream.indirect.gather [hbm4b:s4+s18], $0x80, s24, s18, $0xb8;
	[tilespmem:$0x1F000] =	vst v63  }
0x23: {  	s24 =	sadd.s32 s9, s24  }
0x24: {  	s24 =	sshll.u32 s24, $0x4  }
0x25: {  	s25 =	simm.s32 $0x0;
	s24 =	sadd.s32 s5, s24  }
0x26: {  	[tilespmem:s20], [sflag:$0x2] =	stream.linear.gather [hbm4b:s24+s25], $0x2800, $0x38;
	[tilespmem:$0x1F000] =	vst v63  }
0x27: {  	_ =	swait.ge [sflag:s14], $0x2800  }
0x28: {  	[sflag:s14] =	ssyncset.done $0x0  }
0x29: {  	[sflag:s14] =	ssyncadd.s32 $0xFFFFD800  }
0x2a: {  	_ =	swait.ge [sflag:s21], $0x2800  }
0x2b: {  	[sflag:s21] =	ssyncset.done $0x0  }
0x2c: {  	s24 =	simm.s32 $0x0;
	[sflag:s21] =	ssyncadd.s32 $0xFFFFD800  }
0x2d: {  	v7 =	vld [tilespmem:s24+$0x8F80]  }
0x2e: {  	v11 =	vld [tilespmem:s24+$0x8F90]  }
0x2f: {  	v5 =	vld [tilespmem:s24+$0x8FA0]  }
0x30: {  	v4 =	vld [tilespmem:s24+$0x8FB0]  }
0x31: {  	v3 =	vld [tilespmem:s24+$0x8FC0]  }
0x32: {  	v2 =	vld [tilespmem:s24+$0x8FD0]  }
0x33: {  	v1 =	vld [tilespmem:s24+$0x8FE0]  }
0x34: {  	v0 =	vld [tilespmem:s24+$0x8FF0]  }
0x35: {  	v12 =	vld [tilespmem:s24+$0x6780]  }
0x36: {  	v13 =	vld [tilespmem:s24+$0x6790]  }
0x37: {  	v10 =	vld [tilespmem:s24+$0x67A0]  }
0x38: {  	v9 =	vld [tilespmem:s24+$0x67B0]  }
0x39: {  	v8 =	vld [tilespmem:s24+$0x67C0]  }
0x3a: {  	v6 =	vld [tilespmem:s24+$0x67D0];
	v12 =	vmul.f32 v7, v12  }
0x3b: {  	s25 =	simm.s32 $0x200;
	v11 =	vmul.f32 v11, v13;
	v7 =	vld [tilespmem:s24+$0x67E0]  }
.LBB2_3:
0x3c: {  	s26 =	sshra.s32 s25, $0x2;
	p1 =	sne.s32 s25, $0x9E00;
	[tilespmem:s24+$0x6780] =	vst v12;
	v5 =	vmul.f32 v5, v10;
	v10 =	vld [tilespmem:s24+$0x67F0]  }
0x3d: {  	v12 =	vld [tilespmem:s26+$0x8F80];
	[tilespmem:s24+$0x6790] =	vst v11;
	v4 =	vmul.f32 v4, v9  }
0x3e: {  	v11 =	vld [tilespmem:s26+$0x8F90];
	[tilespmem:s24+$0x67A0] =	vst v5;
	v3 =	vmul.f32 v3, v8  }
0x3f: {  	v5 =	vld [tilespmem:s26+$0x8FA0];
	[tilespmem:s24+$0x67B0] =	vst v4;
	v2 =	vmul.f32 v2, v6  }
0x40: {  	v4 =	vld [tilespmem:s26+$0x8FB0];
	[tilespmem:s24+$0x67C0] =	vst v3;
	v1 =	vmul.f32 v1, v7  }
0x41: {  	v3 =	vld [tilespmem:s26+$0x8FC0];
	[tilespmem:s24+$0x67D0] =	vst v2;
	v0 =	vmul.f32 v0, v10  }
0x42: {  	v2 =	vld [tilespmem:s26+$0x8FD0];
	[tilespmem:s24+$0x67E0] =	vst v1  }
0x43: {  	v1 =	vld [tilespmem:s26+$0x8FE0];
	[tilespmem:s24+$0x67F0] =	vst v0;
	s24 =	smov.u32 s26  }
0x44: {  	v0 =	vld [tilespmem:s24+$0x8FF0]  }
0x45: {  	v6 =	vld [tilespmem:s24+$0x6780]  }
0x46: {  	v7 =	vld [tilespmem:s24+$0x6790]  }
.Ltmp0:
0x47: {  	v10 =	vld [tilespmem:s24+$0x67A0];
	(pc) =	sbr.rel @p1 .LBB2_3-.Ltmp0, $4  }
0x48: {  	v9 =	vld [tilespmem:s24+$0x67B0]  }
0x49: {  	v8 =	vld [tilespmem:s24+$0x67C0]  }
0x4a: {  	v12 =	vmul.f32 v12, v6;
	v6 =	vld [tilespmem:s24+$0x67D0]  }
0x4b: {  	s25 =	sadd.s32 $0x200, s25;
	v11 =	vmul.f32 v11, v7;
	v7 =	vld [tilespmem:s24+$0x67E0]  }
0x4c: {  	[tilespmem:s24+$0x6780] =	vst v12;
	v5 =	vmul.f32 v5, v10;
	v63 =	vld [tilespmem:s24+$0x67F0]  }
0x4d: {  	[tilespmem:s24+$0x6790] =	vst v11;
	v4 =	vmul.f32 v4, v9  }
0x4e: {  	[tilespmem:s24+$0x67A0] =	vst v5;
	v3 =	vmul.f32 v3, v8  }
0x4f: {  	[tilespmem:s24+$0x67B0] =	vst v4;
	v2 =	vmul.f32 v2, v6  }
0x50: {  	[tilespmem:s24+$0x67C0] =	vst v3;
	v1 =	vmul.f32 v1, v7  }
0x51: {  	s25 =	sshll.u32 s23, $0x7;
	s23 =	sadd.s32 $0x1, s23;
	[tilespmem:s24+$0x67D0] =	vst v2;
	v0 =	vmul.f32 v0, v63  }
0x52: {  	s25 =	sand.u32 $0x3FFFFF80, s25;
	p1 =	sne.s32 s23, $0x7D;
	[tilespmem:s24+$0x67E0] =	vst v1  }
.Ltmp1:
0x53: {  	s31 =	sadd.s32 $0x2780, s25;
	[tilespmem:s24+$0x67F0] =	vst v0;
	(pc) =	sbr.rel @p1 .LBB2_2-.Ltmp1, $4  }
0x54: {  	[spmem:s2] =	stream.indirect.scatter.add.f32 [tilespmem:s19], [sflag:$0x2], $0x80, s31, s18, $0xb8;
	[tilespmem:$0x1F000] =	vst v63  }
0x55: {  	_ =	swait.ge [sflag:s14], $0x2800  }
0x56: {  	[sflag:s14] =	ssyncset.done $0x0  }
0x57: {  	[sflag:s14] =	ssyncadd.s32 $0xFFFFD800  }
0x58: {  	s22 =	sadd.s32 $0x1, s22  }
0x59: {  	p1 =	sne.s32 s22, s11  }
.Ltmp2:
0x5a: {  	[bflag:$0x0] =	sbarrier.arrive $0xFFFF;
	s23 =	simm.s32 @!p0 $0x2;
	(pc) =	sbr.rel @p1 .LBB2_1-.Ltmp2, $4  }
0x5b: {  	[hbm:s10], [sflag:s16] =	dma.local @!p0 [spmem:s17], $0x3E80  }
0x5c: {  	_ =	swait.ge @!p0 [sflag:s23], $0x3E80  }
0x5d: {  	[sflag:s23] =	ssyncset.done @!p0 $0x0  }
0x5e: {  	[sflag:s23] =	ssyncadd.s32 @!p0 $0xFFFFC180  }
0x5f: {  	_ =	sfence.sel $0x180000  }
0x60: {  	[bflag:$0x0] =	sbarrier.arrive $0xFFFF  }
0x61: {  	p0 =	sne.s32 s1, $0x0;
	_ =	strace $0x9000004A  }
0x62: {  	s0 =	sadd.s32 @!p0 $0x100000, s0;
	[bflag:$0x2] =	sbarrier.arrive $0xFFFF  }
0x63: {  	[sflag:s0] =	ssyncadd.tile.s32 @!p0 $0x1;
	_ =	shalt  }
.Lfunc_end2:
_tile_overlayer_lowered:
.L_overlay_start_2:
0x64: {  	(tag) =	ssettag $0x2  }
0x65: {  	s0 =	rddreg [dreg:$0x0];
	s2 =	stileid.u32  }
0x66: {  	s1 =	rddreg [dreg:$0x1];
	p0 =	sne.s32 s2, $0x0  }
0x67: {  	s3 =	rddreg [dreg:$0x2];
	[bflag:$0x3] =	sbarrier.arrive $0xFFFF;
	s2 =	simm.s32 @!p0 $0x1C02  }
0x68: {  	[timem:s3], [sflag:s2] =	dma.local @!p0 [hbm:s0], s1  }
0x69: {  	s0 =	simm.s32 @!p0 $0x2  }
0x6a: {  	_ =	swait.ge @!p0 [sflag:s0], s1  }
0x6b: {  	s1 =	ssub.s32 @!p0 $0x0, s1;
	[sflag:s0] =	ssyncset.done @!p0 $0x0  }
0x6c: {  	[sflag:s0] =	ssyncadd.s32 @!p0 s1  }
0x6d: {  	[bflag:$0x3] =	sbarrier.arrive $0xFFFF  }
0x6e: {  	_ =	shalt  }

// kernel: sc_mp.8.cloned.1.call-start
scs
__scs_entry_jumppad:
0x0: {  	(pc) =	sbr.rel $0x88, $3  }
0x1: {  	(tag) =	ssettag $0x0;
	lr =	simm.s32 $0x1  }
0x2: {  	[smem:$0x3F7C] =	sst lr;
	_ =	strace $0xD0000000  }
0x3: {  	_ = 	snop  }
0x4: {  	_ = 	snop  }
0x5: {  	_ = 	snop  }
0x6: {  	_ = 	snop  }
0x7: {  	_ = 	snop  }
__scs_overlays_trampoline_lowered:
0x8: {  	[smem:$0x3F8B] =	sst s0  }
0x9: {  	[smem:$0x3F8C] =	sst s1  }
0xa: {  	[smem:$0x3F8D] =	sst s2  }
0xb: {  	[smem:$0x3F8E] =	sst s3  }
0xc: {  	[smem:$0x3F8F] =	sst s4  }
0xd: {  	[smem:$0x3F90] =	sst s5  }
0xe: {  	[smem:$0x3F91] =	sst s6  }
0xf: {  	[smem:$0x3F92] =	sst s7  }
0x10: {  	[smem:$0x3F93] =	sst s8  }
0x11: {  	[smem:$0x3F94] =	sst s9;
	s0 =	simm.s32 @!p0 $0x0  }
0x12: {  	s1 =	sld [smem:$0x3F7A];
	s0 =	simm.s32 @p0 $0x1  }
0x13: {  	[smem:$0x3F95] =	sst s0;
	s0 =	simm.s32 @!p1 $0x0  }
0x14: {  	s2 =	sld [smem:$0x3F79];
	s0 =	simm.s32 @p1 $0x1  }
0x15: {  	[smem:$0x3F96] =	sst s0;
	s0 =	simm.s32 @!p2 $0x0  }
0x16: {  	s3 =	sld [smem:$0x3FDB];
	s0 =	simm.s32 @p2 $0x1  }
0x17: {  	s4 =	simm.s32 $0x1BF5;
	[smem:$0x3F98] =	sst s0  }
0x18: {  	s0 =	sld [smem:$0x3F7B];
	_ =	swait.ge [sflag:s4], $0x0  }
0x19: {  	s7 =	sld [smem:$0x3F7C]  }
0x1a: {  	s8 =	sadd.s32 $0xFFFFE003, lr  }
0x1b: {  	s9 =	sadd.s32 $0xFFFFFEF7, lr;
	s5 =	simm.s32 $0xFFFFFFFF;
	p2 =	slt.u32 s8, $0xFFFFF086  }
0x1c: {  	p1 =	slt.u32 s9, $0xF7A;
	s5 =	simm.s32 @!p2 $0x0  }
0x1d: {  	s5 =	simm.s32 @p1 $0x1;
	p0 =	seq.s32 s7, s2  }
0x1e: {  	s7 =	smul.u32 @!p0 $0xF7A, s2;
	p2 =	seq.s32 @!p0 s5, $0x0  }
0x1f: {  	s9 =	smul.u32 $0xF7A, s1;
	s8 =	simm.s32 @!p0 $0x1BF5;
	p2 =	por !p2, p0  }
0x20: {  	[sflag:s8] =	ssyncset.s32 @!p0 $0xFFFFF086;
	s6 =	sadd.s32 @!p0 s3, s7;
	s7 =	simm.s32 @!p0 $0x108  }
0x21: {  	s3 =	sadd.s32 s3, s9;
	s6 =	sadd.s32 @!p0 $0x88, s6;
	s7 =	simm.s32 @p2 $0x1082  }
0x22: {  	[simem:s7], [sflag:s8] =	dma.local @!p0 [hbm:s6], $0xF7A  }
0x23: {  	s9 =	sor.u32 $0xD0000000, s2;
	s6 =	simm.s32 $0x108;
	_ =	swait.ge @!p0 [sflag:s8], $0x0  }
0x24: {  	s3 =	sadd.s32 $0x88, s3;
	s6 =	simm.s32 @!p1 $0x1082;
	[sflag:s4] =	ssyncset.s32 $0xFFFFF086  }
0x25: {  	[simem:s6], [sflag:s4] =	dma.local [hbm:s3], $0xF7A  }
0x26: {  	[smem:$0x3F7C] =	sst s1;
	(tag) =	ssettag s2;
	_ =	strace s9  }
0x27: {  	s1 =	sld [smem:$0x3F8C]  }
0x28: {  	s2 =	sld [smem:$0x3F8D]  }
0x29: {  	s4 =	sld [smem:$0x3F8F]  }
0x2a: {  	p0 =	seq.s32 s5, $0x0;
	s5 =	sld [smem:$0x3F90]  }
0x2b: {  	s6 =	sld [smem:$0x3F91]  }
0x2c: {  	s7 =	sld [smem:$0x3F92]  }
0x2d: {  	s3 =	simm.s32 $0x108;
	s8 =	sld [smem:$0x3F93]  }
0x2e: {  	s3 =	simm.s32 @!p0 $0x1082;
	s9 =	sld [smem:$0x3F94]  }
0x2f: {  	lr =	sadd.s32 s0, s3;
	s0 =	sld [smem:$0x3F8B]  }
0x30: {  	s3 =	sld [smem:$0x3F8E]  }
0x31: {  	[smem:$0x3F97] =	sst s10  }
0x32: {  	s10 =	sld [smem:$0x3F95];
	_ =	sdelay $0x3  }
0x33: {  	p0 =	seq.s32 s10, $0x1;
	s10 =	sld [smem:$0x3F97];
	_ =	sdelay $0x3  }
0x34: {  	[smem:$0x3F97] =	sst s10  }
0x35: {  	s10 =	sld [smem:$0x3F96];
	_ =	sdelay $0x3  }
0x36: {  	p1 =	seq.s32 s10, $0x1;
	s10 =	sld [smem:$0x3F97];
	_ =	sdelay $0x3  }
0x37: {  	[smem:$0x3F97] =	sst s10  }
0x38: {  	s10 =	sld [smem:$0x3F98]  }
0x39: {  	_ = 	snop;
	(pc) =	sbr.ind lr, $3  }
0x3a: {  	_ = 	snop  }
0x3b: {  	_ = 	snop  }
0x3c: {  	p2 =	seq.s32 s10, $0x1;
	s10 =	sld [smem:$0x3F97]  }
0x3d: {  	_ =	shalt  }
0x3e: {  	_ =	shalt  }
0x3f: {  	_ =	shalt  }
0x40: {  	_ =	shalt  }
0x41: {  	_ =	shalt  }
0x42: {  	_ =	shalt  }
0x43: {  	_ =	shalt  }
0x44: {  	_ =	shalt  }
0x45: {  	_ =	shalt  }
0x46: {  	_ =	shalt  }
0x47: {  	_ =	shalt  }
0x48: {  	_ =	shalt  }
0x49: {  	_ =	shalt  }
0x4a: {  	_ =	shalt  }
0x4b: {  	_ =	shalt  }
0x4c: {  	_ =	shalt  }
0x4d: {  	_ =	shalt  }
0x4e: {  	_ =	shalt  }
0x4f: {  	_ =	shalt  }
0x50: {  	_ =	shalt  }
0x51: {  	_ =	shalt  }
0x52: {  	_ =	shalt  }
0x53: {  	_ =	shalt  }
0x54: {  	_ =	shalt  }
0x55: {  	_ =	shalt  }
0x56: {  	_ =	shalt  }
0x57: {  	_ =	shalt  }
0x58: {  	_ =	shalt  }
0x59: {  	_ =	shalt  }
0x5a: {  	_ =	shalt  }
0x5b: {  	_ =	shalt  }
0x5c: {  	_ =	shalt  }
0x5d: {  	_ =	shalt  }
0x5e: {  	_ =	shalt  }
0x5f: {  	_ =	shalt  }
0x60: {  	_ =	shalt  }
0x61: {  	_ =	shalt  }
0x62: {  	_ =	shalt  }
0x63: {  	_ =	shalt  }
0x64: {  	_ =	shalt  }
0x65: {  	_ =	shalt  }
0x66: {  	_ =	shalt  }
0x67: {  	_ =	shalt  }
0x68: {  	_ =	shalt  }
0x69: {  	_ =	shalt  }
0x6a: {  	_ =	shalt  }
0x6b: {  	_ =	shalt  }
0x6c: {  	_ =	shalt  }
0x6d: {  	_ =	shalt  }
0x6e: {  	_ =	shalt  }
0x6f: {  	_ =	shalt  }
0x70: {  	_ =	shalt  }
0x71: {  	_ =	shalt  }
0x72: {  	_ =	shalt  }
0x73: {  	_ =	shalt  }
0x74: {  	_ =	shalt  }
0x75: {  	_ =	shalt  }
0x76: {  	_ =	shalt  }
0x77: {  	_ =	shalt  }
0x78: {  	_ =	shalt  }
0x79: {  	_ =	shalt  }
0x7a: {  	_ =	shalt  }
0x7b: {  	_ =	shalt  }
0x7c: {  	_ =	shalt  }
0x7d: {  	_ =	shalt  }
0x7e: {  	_ =	shalt  }
0x7f: {  	_ =	shalt  }
0x80: {  	_ =	shalt  }
0x81: {  	_ =	shalt  }
0x82: {  	_ =	shalt  }
0x83: {  	_ =	shalt  }
0x84: {  	_ =	shalt  }
0x85: {  	_ =	shalt  }
0x86: {  	_ =	shalt  }
0x87: {  	_ =	shalt  }
.Lfunc_end0:
.L_simem_size_0:
called_computation.2_lowered:
.L_overlay_start_0:
0x88: {  	s2 =	sld [smem:$0x3FD9]  }
0x89: {  	s3 =	sld [smem:$0x3FFE];
	_ =	sdelay $0x1  }
0x8a: {  	s1 =	srdreg.scid  }
0x8b: {  	s0 =	sand.u32 $0x1, s1  }
0x8c: {  	s16 =	sshll.u32 s0, $0xA;
	s2 =	sadd.s32 s3, s2  }
0x8d: {  	s2 =	sadd.s32 s2, s16  }
0x8e: {  	[smem:$0x3FA3] =	sst s2  }
0x8f: {  	_ = 	snop  }
0x90: {  	(tm) =	ssettm $0x1  }
0x91: {  	s17 =	sld [smem:$0x3FFB];
	_ =	sdelay $0x3  }
0x92: {  	_ =	strace s17  }
0x93: {  	s2 =	sld [smem:$0x3FFC];
	_ =	sdelay $0x3  }
0x94: {  	_ =	strace s2  }
0x95: {  	s2 =	sld [smem:$0x3FFD];
	_ =	sdelay $0x3  }
0x96: {  	_ =	strace s2  }
0x97: {  	_ =	strace $0x8FFFFFFF  }
0x98: {  	s18 =	sld [smem:$0x3FDB];
	_ =	sdelay $0x1  }
0x99: {  	s19 =	simm.s32 $_scs_section_size  }
0x9a: {  	s4 =	simm.s32 $_size__tile_overlayer_lowered;
	s5 =	simm.s32 $_tile_overlayer_lowered  }
0x9b: {  	s22 =	simm.s32 $0x1BFF;
	s21 =	sshll.u32 s5, $0x1;
	s2 =	sadd.s32 s19, s18  }
0x9c: {  	s6 =	simm.s32 $0x0;
	s20 =	sshll.u32 s4, $0x1;
	s4 =	sadd.s32 s21, s2  }
0x9d: {  	[timem:s6], [sflag:s22] =	dma.local [hbm:s4], s20  }
0x9e: {  	_ =	swait.ge [sflag:s22], s20  }
0x9f: {  	s3 =	ssub.s32 $0x0, s20;
	[sflag:s22] =	ssyncset.done $0x0  }
0xa0: {  	[sflag:s22] =	ssyncadd.s32 s3;
	_ =	sdelay $0x1  }
0xa1: {  	s23 =	simm.s32 $0x1B8B  }
0xa2: {  	_ =	swait.ge [sflag:s23], $0x1  }
0xa3: {  	[sflag:s23] =	ssyncset.done $0x0  }
0xa4: {  	s25 =	simm.s32 $0x1B8E;
	s24 =	sld [smem:$0x3FFE];
	[sflag:s23] =	ssyncadd.s32 $0xFFFFFFFF  }
0xa5: {  	s26 =	simm.s32 $execute0_lowered;
	[smem:$0x3FD2] =	sst s25  }
0xa6: {  	s4 =	sshll.u32 s26, $0x1;
	_ =	strace $0x8000004C;
	[dreg:$0x1] =	wrdreg $0xFFFFFFFF  }
0xa7: {  	s28 =	simm.s32 $_size_execute0_lowered;
	s2 =	sadd.s32 s2, s4;
	[dreg:$0x0] =	wrdreg $0x0  }
0xa8: {  	s4 =	sshll.u32 s28, $0x1;
	[dreg:$0x2] =	wrdreg s2  }
0xa9: {  	[dreg:$0x3] =	wrdreg s4  }
0xaa: {  	[dreg:$0x4] =	wrdreg $0xC0  }
0xab: {  	_ =	task [dreg:s6], $0x5FFFF  }
0xac: {  	[dreg:$0x1] =	wrdreg $0xFFFFFFFF  }
0xad: {  	[dreg:$0x0] =	wrdreg $0x60  }
0xae: {  	[dreg:$0x2] =	wrdreg s24  }
0xaf: {  	[dreg:$0x3] =	wrdreg $0xB7800  }
0xb0: {  	[dreg:$0x4] =	wrdreg $0x9  }
0xb1: {  	_ =	task.clear_ibuf [dreg:s6], $0x5FFFF;
	_ =	strace $0x9000004C  }
0xb2: {  	s29 =	simm.s32 $0x9;
	_ =	strace $0x8000004E  }
0xb3: {  	_ =	swait.ge [sflag:s29], $0x1  }
0xb4: {  	[sflag:s29] =	ssyncadd.s32 $0xFFFFFFFF  }
0xb5: {  	_ =	strace $0x9000004E  }
0xb6: {  	_ =	sfence  }
0xb7: {  	s30 =	sld [smem:$0x0];
	_ =	sdelay $0x2  }
0xb8: {  	s31 =	sshll.u32 s1, $0xD;
	s1 =	sshrl.u32 s1, $0x2  }
0xb9: {  	s3 =	sand.u32 $0x4000, s31;
	s1 =	sadd.s32 s1, s30  }
0xba: {  	s0 =	sor.u32 s3, s0;
	s1 =	sshll.u32 s1, $0x11  }
0xbb: {  	s0 =	sor.u32 s1, s0  }
0xbc: {  	s0 =	sadd.s32 $0x8F2B, s0  }
0xbd: {  	[sflag:s0] =	ssyncadd.remote.s32 $0x1  }
0xbe: {  	_ =	sfence.sel $0xFFFF  }
0xbf: {  	[dreg:$0x0] =	wrdreg $0xFFFFFFFF;
	(pc) =	sbr.abs _section_cstart, $3  }
0xc0: {  	[dreg:$0x1] =	wrdreg $0xFFFFFFFF  }
0xc1: {  	_ =	task.clear_ibuf [dreg:s6], $0x2FFFF;
	_ =	strace $0x9FFFFFFF  }
0xc2: {  	(tm) =	ssettm $0x7FFFFFFF  }
0xc3: {  	_ =	shalt  }
tec
execute0_lowered:
.L_overlay_start_1:
0x0: {  	(tag) =	ssettag $0x1  }
0x1: {  	s6 =	rddreg [dreg:$0x0]  }
0x2: {  	s2 =	rddreg [dreg:$0x1];
	s3 =	srdreg.scid  }
0x3: {  	s1 =	stileid.u32;
	s0 =	rddreg [dreg:$0x2];
	s18 =	simm.s32 $0x50  }
0x4: {  	s19 =	simm.s32 $0x6780;
	s20 =	simm.s32 $0x8F80;
	s21 =	simm.s32 $0x1  }
0x5: {  	s22 =	simm.s32 $0x0;
	s7 =	sand.u32 $0x1, s3;
	s12 =	smul.u32 $0x1F400, s1  }
0x6: {  	s4 =	sshll.u32 s1, $0x1;
	s3 =	simm.s32 $0x0;
	s13 =	smul.u32 $0x3E80, s1  }
0x7: {  	s26 =	sshrl.u32 s1, $0x2;
	s14 =	smul.u32 $0x7D000, s1;
	p0 =	sgt.u32 s1, $0x9  }
0x8: {  	s9 =	sor.u32 s7, s4;
	[smem:$0x7FF] =	sst s3;
	s5 =	smul.u32 $0x13C00, s26  }
0x9: {  	s4 =	sadd.s32 $0x58C400, s6;
	s29 =	smul.u32 $0x138800, s7;
	s7 =	ssub.s32 $0x2, s7  }
0xa: {  	s16 =	sshll.u32 @!p0 s1, $0x6;
	s28 =	sshll.u32 s9, $0x7;
	_ =	strace $0x8000004D  }
0xb: {  	s11 =	sshll.u32 s9, $0xB;
	s30 =	sshrl.u32 s7, $0x1;
	s13 =	sadd.s32 s13, s6  }
0xc: {  	s31 =	sshrl.u32 s14, $0x2;
	s9 =	smul.u32 $0x2710, s9;
	s14 =	simm.s32 $0x2  }
0xd: {  	s16 =	sor.u32 @!p0 $0x1C02, s16;
	s8 =	sand.u32 $0x380, s28;
	s11 =	sadd.s32 s11, s6  }
0xe: {  	s17 =	sadd.s32 s31, s2;
	s5 =	sor.u32 s5, s8;
	s8 =	sadd.s32 s12, s29  }
0xf: {  	s12 =	ssub.s32 s7, s30;
	s7 =	sadd.s32 $0x24E00, s11;
	s17 =	sshrl.u32 @!p0 s17, $0x3  }
0x10: {  	s10 =	sshrl.u32 s5, $0x3;
	s5 =	sadd.s32 $0x5DA600, s6;
	s8 =	sshrl.u32 s8, $0x3  }
0x11: {  	s11 =	smax.u32 s12, $0x1;
	s12 =	simm.s32 $0x80;
	s10 =	sadd.s32 s10, s6  }
0x12: {  	s15 =	sadd.s32 s8, s6;
	s8 =	sadd.s32 $0x565200, s13;
	s13 =	simm.s32 $0x400  }
0x13: {  	s6 =	sadd.s32 $0x7400, s10;
	s10 =	sadd.s32 $0x5C000, s15;
	s15 =	simm.s32 $0x2780  }
.LBB2_1:
0x14: {  	[tilespmem:s3], [sflag:$0x2] =	stream.strided.gather [hbm4b:s6+s12], $0x2780, s13, s12, $0x38;
	[tilespmem:$0x1F000] =	vst v63  }
0x15: {  	_ =	swait.ge [sflag:s14], $0x2780  }
0x16: {  	[sflag:s14] =	ssyncset.done $0x0  }
0x17: {  	[sflag:s14] =	ssyncadd.s32 $0xFFFFD880  }
0x18: {  	[tilespmem:s15], [sflag:$0x2] =	stream.linear.gather [hbm4b:s7+s3], $0x3E80, $0x38;
	[tilespmem:$0x1F000] =	vst v63  }
0x19: {  	_ =	swait.ge [sflag:s14], $0x3E80  }
0x1a: {  	[sflag:s14] =	ssyncset.done $0x0  }
0x1b: {  	s23 =	simm.s32 @!p0 $0x2;
	[sflag:s14] =	ssyncadd.s32 $0xFFFFC180  }
0x1c: {  	[spmem:s17], [sflag:s16] =	dma.local @!p0 [hbm:s8], $0x3E80  }
0x1d: {  	_ =	swait.ge @!p0 [sflag:s23], $0x3E80  }
0x1e: {  	[sflag:s23] =	ssyncset.done @!p0 $0x0  }
0x1f: {  	[sflag:s23] =	ssyncadd.s32 @!p0 $0xFFFFC180  }
0x20: {  	s23 =	simm.s32 $0x0;
	[bflag:$0x0] =	sbarrier.arrive $0xFFFF  }
.LBB2_2:
0x21: {  	s24 =	smul.u32 $0x50, s23;
	_ =	sdelay $0x1  }
0x22: {  	[tilespmem:s19], [sflag:$0x1] =	stream.indirect.gather [hbm4b:s4+s18], $0x80, s24, s18, $0xb8;
	[tilespmem:$0x1F000] =	vst v63  }
0x23: {  	s24 =	sadd.s32 s9, s24  }
0x24: {  	s24 =	sshll.u32 s24, $0x4  }
0x25: {  	s25 =	simm.s32 $0x0;
	s24 =	sadd.s32 s5, s24  }
0x26: {  	[tilespmem:s20], [sflag:$0x2] =	stream.linear.gather [hbm4b:s24+s25], $0x2800, $0x38;
	[tilespmem:$0x1F000] =	vst v63  }
0x27: {  	_ =	swait.ge [sflag:s14], $0x2800  }
0x28: {  	[sflag:s14] =	ssyncset.done $0x0  }
0x29: {  	[sflag:s14] =	ssyncadd.s32 $0xFFFFD800  }
0x2a: {  	_ =	swait.ge [sflag:s21], $0x2800  }
0x2b: {  	[sflag:s21] =	ssyncset.done $0x0  }
0x2c: {  	s24 =	simm.s32 $0x0;
	[sflag:s21] =	ssyncadd.s32 $0xFFFFD800  }
0x2d: {  	v7 =	vld [tilespmem:s24+$0x8F80]  }
0x2e: {  	v11 =	vld [tilespmem:s24+$0x8F90]  }
0x2f: {  	v5 =	vld [tilespmem:s24+$0x8FA0]  }
0x30: {  	v4 =	vld [tilespmem:s24+$0x8FB0]  }
0x31: {  	v3 =	vld [tilespmem:s24+$0x8FC0]  }
0x32: {  	v2 =	vld [tilespmem:s24+$0x8FD0]  }
0x33: {  	v1 =	vld [tilespmem:s24+$0x8FE0]  }
0x34: {  	v0 =	vld [tilespmem:s24+$0x8FF0]  }
0x35: {  	v12 =	vld [tilespmem:s24+$0x6780]  }
0x36: {  	v13 =	vld [tilespmem:s24+$0x6790]  }
0x37: {  	v10 =	vld [tilespmem:s24+$0x67A0]  }
0x38: {  	v9 =	vld [tilespmem:s24+$0x67B0]  }
0x39: {  	v8 =	vld [tilespmem:s24+$0x67C0]  }
0x3a: {  	v6 =	vld [tilespmem:s24+$0x67D0];
	v12 =	vmul.f32 v7, v12  }
0x3b: {  	s25 =	simm.s32 $0x200;
	v11 =	vmul.f32 v11, v13;
	v7 =	vld [tilespmem:s24+$0x67E0]  }
.LBB2_3:
0x3c: {  	s26 =	sshra.s32 s25, $0x2;
	p1 =	sne.s32 s25, $0x9E00;
	[tilespmem:s24+$0x6780] =	vst v12;
	v5 =	vmul.f32 v5, v10;
	v10 =	vld [tilespmem:s24+$0x67F0]  }
0x3d: {  	v12 =	vld [tilespmem:s26+$0x8F80];
	[tilespmem:s24+$0x6790] =	vst v11;
	v4 =	vmul.f32 v4, v9  }
0x3e: {  	v11 =	vld [tilespmem:s26+$0x8F90];
	[tilespmem:s24+$0x67A0] =	vst v5;
	v3 =	vmul.f32 v3, v8  }
0x3f: {  	v5 =	vld [tilespmem:s26+$0x8FA0];
	[tilespmem:s24+$0x67B0] =	vst v4;
	v2 =	vmul.f32 v2, v6  }
0x40: {  	v4 =	vld [tilespmem:s26+$0x8FB0];
	[tilespmem:s24+$0x67C0] =	vst v3;
	v1 =	vmul.f32 v1, v7  }
0x41: {  	v3 =	vld [tilespmem:s26+$0x8FC0];
	[tilespmem:s24+$0x67D0] =	vst v2;
	v0 =	vmul.f32 v0, v10  }
0x42: {  	v2 =	vld [tilespmem:s26+$0x8FD0];
	[tilespmem:s24+$0x67E0] =	vst v1  }
0x43: {  	v1 =	vld [tilespmem:s26+$0x8FE0];
	[tilespmem:s24+$0x67F0] =	vst v0;
	s24 =	smov.u32 s26  }
0x44: {  	v0 =	vld [tilespmem:s24+$0x8FF0]  }
0x45: {  	v6 =	vld [tilespmem:s24+$0x6780]  }
0x46: {  	v7 =	vld [tilespmem:s24+$0x6790]  }
.Ltmp0:
0x47: {  	v10 =	vld [tilespmem:s24+$0x67A0];
	(pc) =	sbr.rel @p1 .LBB2_3-.Ltmp0, $4  }
0x48: {  	v9 =	vld [tilespmem:s24+$0x67B0]  }
0x49: {  	v8 =	vld [tilespmem:s24+$0x67C0]  }
0x4a: {  	v12 =	vmul.f32 v12, v6;
	v6 =	vld [tilespmem:s24+$0x67D0]  }
0x4b: {  	s25 =	sadd.s32 $0x200, s25;
	v11 =	vmul.f32 v11, v7;
	v7 =	vld [tilespmem:s24+$0x67E0]  }
0x4c: {  	[tilespmem:s24+$0x6780] =	vst v12;
	v5 =	vmul.f32 v5, v10;
	v63 =	vld [tilespmem:s24+$0x67F0]  }
0x4d: {  	[tilespmem:s24+$0x6790] =	vst v11;
	v4 =	vmul.f32 v4, v9  }
0x4e: {  	[tilespmem:s24+$0x67A0] =	vst v5;
	v3 =	vmul.f32 v3, v8  }
0x4f: {  	[tilespmem:s24+$0x67B0] =	vst v4;
	v2 =	vmul.f32 v2, v6  }
0x50: {  	[tilespmem:s24+$0x67C0] =	vst v3;
	v1 =	vmul.f32 v1, v7  }
0x51: {  	s25 =	sshll.u32 s23, $0x7;
	s23 =	sadd.s32 $0x1, s23;
	[tilespmem:s24+$0x67D0] =	vst v2;
	v0 =	vmul.f32 v0, v63  }
0x52: {  	s25 =	sand.u32 $0x3FFFFF80, s25;
	p1 =	sne.s32 s23, $0x7D;
	[tilespmem:s24+$0x67E0] =	vst v1  }
.Ltmp1:
0x53: {  	s31 =	sadd.s32 $0x2780, s25;
	[tilespmem:s24+$0x67F0] =	vst v0;
	(pc) =	sbr.rel @p1 .LBB2_2-.Ltmp1, $4  }
0x54: {  	[spmem:s2] =	stream.indirect.scatter.add.f32 [tilespmem:s19], [sflag:$0x2], $0x80, s31, s18, $0xb8;
	[tilespmem:$0x1F000] =	vst v63  }
0x55: {  	_ =	swait.ge [sflag:s14], $0x2800  }
0x56: {  	[sflag:s14] =	ssyncset.done $0x0  }
0x57: {  	[sflag:s14] =	ssyncadd.s32 $0xFFFFD800  }
0x58: {  	s22 =	sadd.s32 $0x1, s22  }
0x59: {  	p1 =	sne.s32 s22, s11  }
.Ltmp2:
0x5a: {  	[bflag:$0x0] =	sbarrier.arrive $0xFFFF;
	s23 =	simm.s32 @!p0 $0x2;
	(pc) =	sbr.rel @p1 .LBB2_1-.Ltmp2, $4  }
0x5b: {  	[hbm:s10], [sflag:s16] =	dma.local @!p0 [spmem:s17], $0x3E80  }
0x5c: {  	_ =	swait.ge @!p0 [sflag:s23], $0x3E80  }
0x5d: {  	[sflag:s23] =	ssyncset.done @!p0 $0x0  }
0x5e: {  	[sflag:s23] =	ssyncadd.s32 @!p0 $0xFFFFC180  }
0x5f: {  	_ =	sfence.sel $0x180000  }
0x60: {  	[bflag:$0x0] =	sbarrier.arrive $0xFFFF  }
0x61: {  	p0 =	sne.s32 s1, $0x0;
	_ =	strace $0x9000004D  }
0x62: {  	s0 =	sadd.s32 @!p0 $0x100000, s0;
	[bflag:$0x2] =	sbarrier.arrive $0xFFFF  }
0x63: {  	[sflag:s0] =	ssyncadd.tile.s32 @!p0 $0x1;
	_ =	shalt  }
.Lfunc_end2:
_tile_overlayer_lowered:
.L_overlay_start_2:
0x64: {  	(tag) =	ssettag $0x2  }
0x65: {  	s0 =	rddreg [dreg:$0x0];
	s2 =	stileid.u32  }
0x66: {  	s1 =	rddreg [dreg:$0x1];
	p0 =	sne.s32 s2, $0x0  }
0x67: {  	s3 =	rddreg [dreg:$0x2];
	[bflag:$0x3] =	sbarrier.arrive $0xFFFF;
	s2 =	simm.s32 @!p0 $0x1C02  }
0x68: {  	[timem:s3], [sflag:s2] =	dma.local @!p0 [hbm:s0], s1  }
0x69: {  	s0 =	simm.s32 @!p0 $0x2  }
0x6a: {  	_ =	swait.ge @!p0 [sflag:s0], s1  }
0x6b: {  	s1 =	ssub.s32 @!p0 $0x0, s1;
	[sflag:s0] =	ssyncset.done @!p0 $0x0  }
0x6c: {  	[sflag:s0] =	ssyncadd.s32 @!p0 s1  }
0x6d: {  	[bflag:$0x3] =	sbarrier.arrive $0xFFFF  }
0x6e: {  	_ =	shalt  }

// kernel: sc_posdiff.3.cloned.1.call-start
scs
__scs_entry_jumppad:
0x0: {  	(pc) =	sbr.rel $0x88, $3  }
0x1: {  	(tag) =	ssettag $0x0;
	lr =	simm.s32 $0x1  }
0x2: {  	[smem:$0x3F7C] =	sst lr;
	_ =	strace $0xD0000000  }
0x3: {  	_ = 	snop  }
0x4: {  	_ = 	snop  }
0x5: {  	_ = 	snop  }
0x6: {  	_ = 	snop  }
0x7: {  	_ = 	snop  }
__scs_overlays_trampoline_lowered:
0x8: {  	[smem:$0x3F8B] =	sst s0  }
0x9: {  	[smem:$0x3F8C] =	sst s1  }
0xa: {  	[smem:$0x3F8D] =	sst s2  }
0xb: {  	[smem:$0x3F8E] =	sst s3  }
0xc: {  	[smem:$0x3F8F] =	sst s4  }
0xd: {  	[smem:$0x3F90] =	sst s5  }
0xe: {  	[smem:$0x3F91] =	sst s6  }
0xf: {  	[smem:$0x3F92] =	sst s7  }
0x10: {  	[smem:$0x3F93] =	sst s8  }
0x11: {  	[smem:$0x3F94] =	sst s9;
	s0 =	simm.s32 @!p0 $0x0  }
0x12: {  	s1 =	sld [smem:$0x3F7A];
	s0 =	simm.s32 @p0 $0x1  }
0x13: {  	[smem:$0x3F95] =	sst s0;
	s0 =	simm.s32 @!p1 $0x0  }
0x14: {  	s2 =	sld [smem:$0x3F79];
	s0 =	simm.s32 @p1 $0x1  }
0x15: {  	[smem:$0x3F96] =	sst s0;
	s0 =	simm.s32 @!p2 $0x0  }
0x16: {  	s3 =	sld [smem:$0x3FDB];
	s0 =	simm.s32 @p2 $0x1  }
0x17: {  	s4 =	simm.s32 $0x1BF5;
	[smem:$0x3F98] =	sst s0  }
0x18: {  	s0 =	sld [smem:$0x3F7B];
	_ =	swait.ge [sflag:s4], $0x0  }
0x19: {  	s7 =	sld [smem:$0x3F7C]  }
0x1a: {  	s8 =	sadd.s32 $0xFFFFE003, lr  }
0x1b: {  	s9 =	sadd.s32 $0xFFFFFEF7, lr;
	s5 =	simm.s32 $0xFFFFFFFF;
	p2 =	slt.u32 s8, $0xFFFFF086  }
0x1c: {  	p1 =	slt.u32 s9, $0xF7A;
	s5 =	simm.s32 @!p2 $0x0  }
0x1d: {  	s5 =	simm.s32 @p1 $0x1;
	p0 =	seq.s32 s7, s2  }
0x1e: {  	s7 =	smul.u32 @!p0 $0xF7A, s2;
	p2 =	seq.s32 @!p0 s5, $0x0  }
0x1f: {  	s9 =	smul.u32 $0xF7A, s1;
	s8 =	simm.s32 @!p0 $0x1BF5;
	p2 =	por !p2, p0  }
0x20: {  	[sflag:s8] =	ssyncset.s32 @!p0 $0xFFFFF086;
	s6 =	sadd.s32 @!p0 s3, s7;
	s7 =	simm.s32 @!p0 $0x108  }
0x21: {  	s3 =	sadd.s32 s3, s9;
	s6 =	sadd.s32 @!p0 $0x88, s6;
	s7 =	simm.s32 @p2 $0x1082  }
0x22: {  	[simem:s7], [sflag:s8] =	dma.local @!p0 [hbm:s6], $0xF7A  }
0x23: {  	s9 =	sor.u32 $0xD0000000, s2;
	s6 =	simm.s32 $0x108;
	_ =	swait.ge @!p0 [sflag:s8], $0x0  }
0x24: {  	s3 =	sadd.s32 $0x88, s3;
	s6 =	simm.s32 @!p1 $0x1082;
	[sflag:s4] =	ssyncset.s32 $0xFFFFF086  }
0x25: {  	[simem:s6], [sflag:s4] =	dma.local [hbm:s3], $0xF7A  }
0x26: {  	[smem:$0x3F7C] =	sst s1;
	(tag) =	ssettag s2;
	_ =	strace s9  }
0x27: {  	s1 =	sld [smem:$0x3F8C]  }
0x28: {  	s2 =	sld [smem:$0x3F8D]  }
0x29: {  	s4 =	sld [smem:$0x3F8F]  }
0x2a: {  	p0 =	seq.s32 s5, $0x0;
	s5 =	sld [smem:$0x3F90]  }
0x2b: {  	s6 =	sld [smem:$0x3F91]  }
0x2c: {  	s7 =	sld [smem:$0x3F92]  }
0x2d: {  	s3 =	simm.s32 $0x108;
	s8 =	sld [smem:$0x3F93]  }
0x2e: {  	s3 =	simm.s32 @!p0 $0x1082;
	s9 =	sld [smem:$0x3F94]  }
0x2f: {  	lr =	sadd.s32 s0, s3;
	s0 =	sld [smem:$0x3F8B]  }
0x30: {  	s3 =	sld [smem:$0x3F8E]  }
0x31: {  	[smem:$0x3F97] =	sst s10  }
0x32: {  	s10 =	sld [smem:$0x3F95];
	_ =	sdelay $0x3  }
0x33: {  	p0 =	seq.s32 s10, $0x1;
	s10 =	sld [smem:$0x3F97];
	_ =	sdelay $0x3  }
0x34: {  	[smem:$0x3F97] =	sst s10  }
0x35: {  	s10 =	sld [smem:$0x3F96];
	_ =	sdelay $0x3  }
0x36: {  	p1 =	seq.s32 s10, $0x1;
	s10 =	sld [smem:$0x3F97];
	_ =	sdelay $0x3  }
0x37: {  	[smem:$0x3F97] =	sst s10  }
0x38: {  	s10 =	sld [smem:$0x3F98]  }
0x39: {  	_ = 	snop;
	(pc) =	sbr.ind lr, $3  }
0x3a: {  	_ = 	snop  }
0x3b: {  	_ = 	snop  }
0x3c: {  	p2 =	seq.s32 s10, $0x1;
	s10 =	sld [smem:$0x3F97]  }
0x3d: {  	_ =	shalt  }
0x3e: {  	_ =	shalt  }
0x3f: {  	_ =	shalt  }
0x40: {  	_ =	shalt  }
0x41: {  	_ =	shalt  }
0x42: {  	_ =	shalt  }
0x43: {  	_ =	shalt  }
0x44: {  	_ =	shalt  }
0x45: {  	_ =	shalt  }
0x46: {  	_ =	shalt  }
0x47: {  	_ =	shalt  }
0x48: {  	_ =	shalt  }
0x49: {  	_ =	shalt  }
0x4a: {  	_ =	shalt  }
0x4b: {  	_ =	shalt  }
0x4c: {  	_ =	shalt  }
0x4d: {  	_ =	shalt  }
0x4e: {  	_ =	shalt  }
0x4f: {  	_ =	shalt  }
0x50: {  	_ =	shalt  }
0x51: {  	_ =	shalt  }
0x52: {  	_ =	shalt  }
0x53: {  	_ =	shalt  }
0x54: {  	_ =	shalt  }
0x55: {  	_ =	shalt  }
0x56: {  	_ =	shalt  }
0x57: {  	_ =	shalt  }
0x58: {  	_ =	shalt  }
0x59: {  	_ =	shalt  }
0x5a: {  	_ =	shalt  }
0x5b: {  	_ =	shalt  }
0x5c: {  	_ =	shalt  }
0x5d: {  	_ =	shalt  }
0x5e: {  	_ =	shalt  }
0x5f: {  	_ =	shalt  }
0x60: {  	_ =	shalt  }
0x61: {  	_ =	shalt  }
0x62: {  	_ =	shalt  }
0x63: {  	_ =	shalt  }
0x64: {  	_ =	shalt  }
0x65: {  	_ =	shalt  }
0x66: {  	_ =	shalt  }
0x67: {  	_ =	shalt  }
0x68: {  	_ =	shalt  }
0x69: {  	_ =	shalt  }
0x6a: {  	_ =	shalt  }
0x6b: {  	_ =	shalt  }
0x6c: {  	_ =	shalt  }
0x6d: {  	_ =	shalt  }
0x6e: {  	_ =	shalt  }
0x6f: {  	_ =	shalt  }
0x70: {  	_ =	shalt  }
0x71: {  	_ =	shalt  }
0x72: {  	_ =	shalt  }
0x73: {  	_ =	shalt  }
0x74: {  	_ =	shalt  }
0x75: {  	_ =	shalt  }
0x76: {  	_ =	shalt  }
0x77: {  	_ =	shalt  }
0x78: {  	_ =	shalt  }
0x79: {  	_ =	shalt  }
0x7a: {  	_ =	shalt  }
0x7b: {  	_ =	shalt  }
0x7c: {  	_ =	shalt  }
0x7d: {  	_ =	shalt  }
0x7e: {  	_ =	shalt  }
0x7f: {  	_ =	shalt  }
0x80: {  	_ =	shalt  }
0x81: {  	_ =	shalt  }
0x82: {  	_ =	shalt  }
0x83: {  	_ =	shalt  }
0x84: {  	_ =	shalt  }
0x85: {  	_ =	shalt  }
0x86: {  	_ =	shalt  }
0x87: {  	_ =	shalt  }
.Lfunc_end0:
.L_simem_size_0:
called_computation_lowered:
.L_overlay_start_0:
0x88: {  	s2 =	sld [smem:$0x3FD9]  }
0x89: {  	s3 =	sld [smem:$0x3FFE];
	_ =	sdelay $0x1  }
0x8a: {  	s1 =	srdreg.scid  }
0x8b: {  	s0 =	sand.u32 $0x1, s1  }
0x8c: {  	s16 =	sshll.u32 s0, $0xA;
	s2 =	sadd.s32 s3, s2  }
0x8d: {  	s2 =	sadd.s32 s2, s16  }
0x8e: {  	[smem:$0x3FA3] =	sst s2  }
0x8f: {  	_ = 	snop  }
0x90: {  	(tm) =	ssettm $0x1  }
0x91: {  	s17 =	sld [smem:$0x3FFB];
	_ =	sdelay $0x3  }
0x92: {  	_ =	strace s17  }
0x93: {  	s2 =	sld [smem:$0x3FFC];
	_ =	sdelay $0x3  }
0x94: {  	_ =	strace s2  }
0x95: {  	s2 =	sld [smem:$0x3FFD];
	_ =	sdelay $0x3  }
0x96: {  	_ =	strace s2  }
0x97: {  	_ =	strace $0x8FFFFFFF  }
0x98: {  	s18 =	sld [smem:$0x3FDB];
	_ =	sdelay $0x1  }
0x99: {  	s19 =	simm.s32 $_scs_section_size  }
0x9a: {  	s4 =	simm.s32 $_size__tile_overlayer_lowered;
	s5 =	simm.s32 $_tile_overlayer_lowered  }
0x9b: {  	s22 =	simm.s32 $0x1BFF;
	s21 =	sshll.u32 s5, $0x1;
	s2 =	sadd.s32 s19, s18  }
0x9c: {  	s6 =	simm.s32 $0x0;
	s20 =	sshll.u32 s4, $0x1;
	s4 =	sadd.s32 s21, s2  }
0x9d: {  	[timem:s6], [sflag:s22] =	dma.local [hbm:s4], s20  }
0x9e: {  	_ =	swait.ge [sflag:s22], s20  }
0x9f: {  	s3 =	ssub.s32 $0x0, s20;
	[sflag:s22] =	ssyncset.done $0x0  }
0xa0: {  	[sflag:s22] =	ssyncadd.s32 s3;
	_ =	sdelay $0x1  }
0xa1: {  	s23 =	simm.s32 $0x1B8B  }
0xa2: {  	_ =	swait.ge [sflag:s23], $0x1  }
0xa3: {  	[sflag:s23] =	ssyncset.done $0x0  }
0xa4: {  	s25 =	simm.s32 $0x1B8E;
	s24 =	sld [smem:$0x3FFE];
	[sflag:s23] =	ssyncadd.s32 $0xFFFFFFFF  }
0xa5: {  	s26 =	simm.s32 $execute0_lowered;
	[smem:$0x3FD2] =	sst s25  }
0xa6: {  	s4 =	sshll.u32 s26, $0x1;
	_ =	strace $0x80000046;
	[dreg:$0x1] =	wrdreg $0xFFFFFFFF  }
0xa7: {  	s28 =	simm.s32 $_size_execute0_lowered;
	s2 =	sadd.s32 s2, s4;
	[dreg:$0x0] =	wrdreg $0x0  }
0xa8: {  	s4 =	sshll.u32 s28, $0x1;
	[dreg:$0x2] =	wrdreg s2  }
0xa9: {  	[dreg:$0x3] =	wrdreg s4  }
0xaa: {  	[dreg:$0x4] =	wrdreg $0xC0  }
0xab: {  	_ =	task [dreg:s6], $0x5FFFF  }
0xac: {  	[dreg:$0x1] =	wrdreg $0xFFFFFFFF  }
0xad: {  	[dreg:$0x0] =	wrdreg $0x60  }
0xae: {  	[dreg:$0x2] =	wrdreg s24  }
0xaf: {  	[dreg:$0x3] =	wrdreg $0x9  }
0xb0: {  	_ =	task.clear_ibuf [dreg:s6], $0x4FFFF;
	_ =	strace $0x90000046  }
0xb1: {  	s29 =	simm.s32 $0x9;
	_ =	strace $0x80000048  }
0xb2: {  	_ =	swait.ge [sflag:s29], $0x1  }
0xb3: {  	[sflag:s29] =	ssyncadd.s32 $0xFFFFFFFF  }
0xb4: {  	_ =	strace $0x90000048  }
0xb5: {  	_ =	sfence  }
0xb6: {  	s30 =	sld [smem:$0x0];
	_ =	sdelay $0x2  }
0xb7: {  	s31 =	sshll.u32 s1, $0xD;
	s1 =	sshrl.u32 s1, $0x2  }
0xb8: {  	s3 =	sand.u32 $0x4000, s31;
	s1 =	sadd.s32 s1, s30  }
0xb9: {  	s0 =	sor.u32 s3, s0;
	s1 =	sshll.u32 s1, $0x11  }
0xba: {  	s0 =	sor.u32 s1, s0  }
0xbb: {  	s0 =	sadd.s32 $0x8F2B, s0  }
0xbc: {  	[sflag:s0] =	ssyncadd.remote.s32 $0x1  }
0xbd: {  	_ =	sfence.sel $0xFFFF  }
0xbe: {  	[dreg:$0x0] =	wrdreg $0xFFFFFFFF;
	(pc) =	sbr.abs _section_cstart, $3  }
0xbf: {  	[dreg:$0x1] =	wrdreg $0xFFFFFFFF  }
0xc0: {  	_ =	task.clear_ibuf [dreg:s6], $0x2FFFF;
	_ =	strace $0x9FFFFFFF  }
0xc1: {  	(tm) =	ssettm $0x7FFFFFFF  }
tec
execute0_lowered:
.L_overlay_start_1:
0x0: {  	(tag) =	ssettag $0x1  }
0x1: {  	s4 =	rddreg [dreg:$0x0];
	s1 =	srdreg.scid  }
0x2: {  	s0 =	stileid.u32;
	s9 =	simm.s32 $0x80;
	s10 =	simm.s32 $0x400  }
0x3: {  	s11 =	simm.s32 $0x9C80;
	s12 =	simm.s32 $0xC400;
	s13 =	simm.s32 $0xEB80  }
0x4: {  	s14 =	simm.s32 $0x0;
	s3 =	sand.u32 $0x1, s1;
	s28 =	sshrl.u32 s0, $0x2  }
0x5: {  	s2 =	sshll.u32 s0, $0x8;
	s1 =	rddreg [dreg:$0x1];
	s5 =	smul.u32 $0x13C00, s28  }
0x6: {  	s6 =	sshll.u32 s3, $0x7;
	s7 =	sand.u32 $0x300, s2;
	s2 =	simm.s32 $0x0  }
0x7: {  	s29 =	ssub.s32 $0x2, s3;
	s3 =	sadd.s32 $0x6000, s4;
	s6 =	sor.u32 s6, s7  }
0x8: {  	[smem:$0x7FF] =	sst s2;
	s31 =	sshrl.u32 s29, $0x1;
	s5 =	sor.u32 s5, s6  }
0x9: {  	_ =	strace $0x80000047;
	s8 =	ssub.s32 s29, s31;
	s5 =	sshrl.u32 s5, $0x3  }
0xa: {  	s7 =	smax.u32 s8, $0x1;
	s8 =	simm.s32 $0x1;
	s30 =	sadd.s32 s5, s4  }
0xb: {  	s4 =	sadd.s32 $0x7400, s30;
	s5 =	sadd.s32 $0x11200, s30;
	s6 =	sadd.s32 $0x1B000, s30  }
.LBB2_1:
0xc: {  	[tilespmem:s2], [sflag:$0x1] =	stream.linear.gather [hbm4b:s3+s2], $0x9C80, $0x38;
	[tilespmem:$0x11300] =	vst v63  }
0xd: {  	_ =	swait.ge [sflag:s8], $0x9C80  }
0xe: {  	[sflag:s8] =	ssyncset.done $0x0  }
0xf: {  	[sflag:s8] =	ssyncadd.s32 $0xFFFF6380  }
0x10: {  	[tilespmem:s11], [sflag:$0x1] =	stream.strided.gather [hbm4b:s4+s9], $0x2780, s10, s9, $0x38;
	[tilespmem:$0x11300] =	vst v63  }
0x11: {  	_ =	swait.ge [sflag:s8], $0x2780  }
0x12: {  	[sflag:s8] =	ssyncset.done $0x0  }
0x13: {  	[sflag:s8] =	ssyncadd.s32 $0xFFFFD880  }
0x14: {  	[tilespmem:s12], [sflag:$0x1] =	stream.strided.gather [hbm4b:s5+s9], $0x2780, s10, s9, $0x38;
	[tilespmem:$0x11300] =	vst v63  }
0x15: {  	_ =	swait.ge [sflag:s8], $0x2780  }
0x16: {  	[sflag:s8] =	ssyncset.done $0x0  }
0x17: {  	s15 =	simm.s32 $0x0;
	[sflag:s8] =	ssyncadd.s32 $0xFFFFD880  }
0x18: {  	v0 =	vld [tilespmem:s15+$0xC400]  }
0x19: {  	v1 =	vld [tilespmem:s15+$0x9C80];
	_ =	sdelay $0x3  }
0x1a: {  	v0 =	vshll.u32 v0, $0x2  }
0x1b: {  	v1 =	vshll.u32 v1, $0x2  }
0x1c: {  	v2 =	vor.u32 $0x1, v1  }
0x1d: {  	v3 =	vor.u32 $0x1, v0  }
0x1e: {  	v4 =	vor.u32 $0x2, v1  }
0x1f: {  	v6 =	vor.u32 $0x2, v0;
	v5 =	vld.idx.msk [tilespmem:v0+s2+$0x0], $0xffff  }
0x20: {  	v7 =	vld.idx.msk [tilespmem:v1+s2+$0x0], $0xffff  }
0x21: {  	v8 =	vld.idx.msk [tilespmem:v2+s2+$0x0], $0xffff  }
0x22: {  	v9 =	vld.idx.msk [tilespmem:v3+s2+$0x0], $0xffff  }
0x23: {  	v0 =	vld.idx.msk [tilespmem:v4+s2+$0x0], $0xffff  }
0x24: {  	v2 =	vld.idx.msk [tilespmem:v6+s2+$0x0], $0xffff  }
0x25: {  	s16 =	simm.s32 $0x10  }
0x26: {  	v3 =	vld [tilespmem:s16+$0xC400]  }
0x27: {  	s17 =	simm.s32 $0x80;
	v1 =	vld [tilespmem:s16+$0x9C80];
	v4 =	vsub.f32 v7, v5;
	v5 =	vsub.f32 v8, v9  }
.LBB2_2:
0x28: {  	p0 =	sne.s32 s17, $0x9C00  }
0x29: {  	v0 =	vsub.f32 v0, v2;
	v4 =	vmul.f32 v4, v4;
	v5 =	vmul.f32 v5, v5;
	_ =	sdelay $0x1  }
0x2a: {  	v0 =	vmul.f32 v0, v0;
	v2 =	vshll.u32 v3, $0x2;
	v3 =	vadd.f32 v5, v4  }
0x2b: {  	v1 =	vshll.u32 v1, $0x2  }
0x2c: {  	v4 =	vor.u32 $0x1, v1;
	v0 =	vadd.f32 v0, v3  }
0x2d: {  	v3 =	vor.u32 $0x1, v2  }
0x2e: {  	v5 =	vor.u32 $0x2, v1;
	[tilespmem:s15+$0xEB80] =	vst v0;
	s15 =	smov.u32 s16  }
0x2f: {  	v6 =	vld.idx.msk [tilespmem:v2+s2+$0x0], $0xffff;
	v2 =	vor.u32 $0x2, v2  }
0x30: {  	v7 =	vld.idx.msk [tilespmem:v1+s2+$0x0], $0xffff  }
0x31: {  	v8 =	vld.idx.msk [tilespmem:v4+s2+$0x0], $0xffff  }
0x32: {  	v9 =	vld.idx.msk [tilespmem:v3+s2+$0x0], $0xffff  }
0x33: {  	v0 =	vld.idx.msk [tilespmem:v5+s2+$0x0], $0xffff  }
.Ltmp0:
0x34: {  	v2 =	vld.idx.msk [tilespmem:v2+s2+$0x0], $0xffff;
	(pc) =	sbr.rel @p0 .LBB2_2-.Ltmp0, $4  }
0x35: {  	_ = 	snop  }
0x36: {  	s16 =	sshra.s32 s17, $0x2  }
0x37: {  	v3 =	vld [tilespmem:s16+$0xC400]  }
0x38: {  	s17 =	sadd.s32 $0x40, s17;
	v4 =	vsub.f32 v7, v6;
	v5 =	vsub.f32 v8, v9;
	v1 =	vld [tilespmem:s16+$0x9C80]  }
0x39: {  	_ = 	snop  }
0x3a: {  	v0 =	vsub.f32 v0, v2;
	v4 =	vmul.f32 v4, v4;
	v5 =	vmul.f32 v5, v5;
	_ =	sdelay $0x1  }
0x3b: {  	v0 =	vmul.f32 v0, v0;
	v57 =	vshll.u32 v3, $0x2;
	v58 =	vadd.f32 v5, v4  }
0x3c: {  	v1 =	vshll.u32 v1, $0x2  }
0x3d: {  	v60 =	vor.u32 $0x1, v57;
	v0 =	vadd.f32 v0, v58  }
0x3e: {  	v59 =	vor.u32 $0x1, v1  }
0x3f: {  	v2 =	vor.u32 $0x2, v57;
	[tilespmem:s15+$0xEB80] =	vst v0  }
0x40: {  	v61 =	vor.u32 $0x2, v1;
	v0 =	vld.idx.msk [tilespmem:v57+s2+$0x0], $0xffff  }
0x41: {  	v1 =	vld.idx.msk [tilespmem:v1+s2+$0x0], $0xffff  }
0x42: {  	v3 =	vld.idx.msk [tilespmem:v60+s2+$0x0], $0xffff  }
0x43: {  	v4 =	vld.idx.msk [tilespmem:v59+s2+$0x0], $0xffff  }
0x44: {  	v2 =	vld.idx.msk [tilespmem:v2+s2+$0x0], $0xffff  }
0x45: {  	v5 =	vld.idx.msk [tilespmem:v61+s2+$0x0], $0xffff;
	_ =	sdelay $0x2  }
0x46: {  	v0 =	vsub.f32 v1, v0;
	v62 =	vsub.f32 v4, v3;
	_ =	sdelay $0x1  }
0x47: {  	v2 =	vsub.f32 v5, v2;
	v0 =	vmul.f32 v0, v0;
	v1 =	vmul.f32 v62, v62;
	_ =	sdelay $0x1  }
0x48: {  	v63 =	vmul.f32 v2, v2;
	v0 =	vadd.f32 v1, v0;
	_ =	sdelay $0x1  }
0x49: {  	s14 =	sadd.s32 $0x1, s14;
	v0 =	vadd.f32 v63, v0  }
0x4a: {  	p0 =	sne.s32 s14, s7  }
.Ltmp1:
0x4b: {  	[tilespmem:s16+$0xEB80] =	vst v0;
	(pc) =	sbr.rel @p0 .LBB2_1-.Ltmp1, $4  }
0x4c: {  	[hbm4b:s6+s9] =	stream.strided.scatter [tilespmem:s13], [sflag:$0x1], $0x2780, s10, s9, $0x38;
	[tilespmem:$0x11300] =	vst v63  }
0x4d: {  	_ =	swait.ge [sflag:s8], $0x2780  }
0x4e: {  	[sflag:s8] =	ssyncset.done $0x0  }
0x4f: {  	[sflag:s8] =	ssyncadd.s32 $0xFFFFD880  }
0x50: {  	_ =	sfence.sel $0x180000  }
0x51: {  	[bflag:$0x0] =	sbarrier.arrive $0xFFFF  }
0x52: {  	p0 =	sne.s32 s0, $0x0;
	_ =	strace $0x90000047  }
0x53: {  	s0 =	sadd.s32 @!p0 $0x100000, s1;
	[bflag:$0x2] =	sbarrier.arrive $0xFFFF  }
0x54: {  	[sflag:s0] =	ssyncadd.tile.s32 @!p0 $0x1;
	_ =	shalt  }
.Lfunc_end2:
_tile_overlayer_lowered:
.L_overlay_start_2:
0x55: {  	(tag) =	ssettag $0x2  }
0x56: {  	s0 =	rddreg [dreg:$0x0];
	s2 =	stileid.u32  }
0x57: {  	s1 =	rddreg [dreg:$0x1];
	p0 =	sne.s32 s2, $0x0  }
0x58: {  	s3 =	rddreg [dreg:$0x2];
	[bflag:$0x3] =	sbarrier.arrive $0xFFFF;
	s2 =	simm.s32 @!p0 $0x1C01  }
0x59: {  	[timem:s3], [sflag:s2] =	dma.local @!p0 [hbm:s0], s1  }
0x5a: {  	s0 =	simm.s32 @!p0 $0x1  }
0x5b: {  	_ =	swait.ge @!p0 [sflag:s0], s1  }
0x5c: {  	s1 =	ssub.s32 @!p0 $0x0, s1;
	[sflag:s0] =	ssyncset.done @!p0 $0x0  }
0x5d: {  	[sflag:s0] =	ssyncadd.s32 @!p0 s1  }
0x5e: {  	[bflag:$0x3] =	sbarrier.arrive $0xFFFF  }
0x5f: {  	_ =	shalt  }

</sc_bundles>
